<compile_context>
chip_gen: v7x
topology: tpu7x:2x2x1
jax: 0.10.2.dev20260603
libtpu: 0.0.44.dev20260713+nightly
codegen_flags: <defaults>
</compile_context>

<pallas_src>
import functools

import numpy as np
import jax
import jax.numpy as jnp
from jax import lax
from jax.experimental import pallas as pl
from jax.experimental.pallas import tpu as pltpu, tpu_sc as plsc

IH, IW, OH, OW = 345, 456, 271, 272
BC = 6
TASKS = BC * OH
NSUB = 32
TPW = 51
NR = 72
FLATROWS = BC * IH
NTW = 4
NTH = 3
NG = OW // 16


def _resize_weights(in_size, out_size):
    scale = in_size / out_size
    inv = out_size / in_size
    i = np.arange(out_size, dtype=np.float32)
    center = (i + np.float32(0.5)) * np.float32(scale)
    xmin = np.maximum((center - np.float32(scale) + np.float32(0.5)).astype(np.int32), 0)
    xmax = np.minimum((center + np.float32(scale) + np.float32(0.5)).astype(np.int32), in_size)
    ksize = np.minimum(xmax - xmin, 5)
    j = np.arange(5, dtype=np.int32)[:, None]
    dist = (j.astype(np.float32) + xmin[None].astype(np.float32) - center[None]
            + np.float32(0.5)) * np.float32(inv)
    w = np.float32(1.0) - np.minimum(np.abs(dist), np.float32(1.0))
    w = np.where(j < ksize[None], w, np.float32(0.0)).astype(np.float32)
    w = (w / w.sum(0, dtype=np.float32)).astype(np.float32)
    w[4] = 0.0
    idx = np.minimum(xmin[None] + j, in_size - 1).astype(np.int32)
    return idx, w


def _build_tables():
    idxW, wW = _resize_weights(IW, OW)
    idxH, wH = _resize_weights(IH, OH)
    assert np.all(wW[NTW:] == 0) and np.all(wH[NTH:] == 0)

    wci = np.zeros((NG, NTW, 16), np.int32)
    wcw = np.zeros((NG, NTW, 16), np.float32)
    for g in range(NG):
        cols = slice(g * 16, g * 16 + 16)
        for u in range(NTW):
            wci[g, u] = idxW[u, cols]
            wcw[g, u] = wW[u, cols]

    loc = np.zeros((NSUB, TPW, NTH, 16), np.int32)
    hw = np.zeros((NSUB, TPW, NTH, 16), np.float32)
    for w in range(NSUB):
        tau0 = min(w * TPW, TASKS - TPW)
        rstart = max(0, min((tau0 * IH) // OH - 2, FLATROWS - NR))
        for k in range(TPW):
            bc, h = divmod(tau0 + k, OH)
            for t in range(NTH):
                l = bc * IH + int(idxH[t, h]) - rstart
                if wH[t, h] == 0.0:
                    l = min(max(l, 0), NR - 1)
                assert 0 <= l < NR
                loc[w, k, t] = l * OW
                hw[w, k, t] = wH[t, h]
    return wci, wcw, loc, hw


_WCI, _WCW, _LOC, _HW = _build_tables()

_mesh = plsc.VectorSubcoreMesh(core_axis_name="c", subcore_axis_name="s")


@functools.partial(
    pl.kernel,
    out_type=jax.ShapeDtypeStruct((TASKS * OW,), jnp.float32),
    mesh=_mesh,
    compiler_params=pltpu.CompilerParams(
        needs_layout_passes=False, use_tc_tiling_on_sc=False),
    scratch_types=[
        pltpu.VMEM((NR * IW,), jnp.float32),
        pltpu.VMEM((NR * OW,), jnp.float32),
        pltpu.VMEM((TPW * OW,), jnp.float32),
        pltpu.VMEM((TPW, NTH, 16), jnp.int32),
        pltpu.VMEM((TPW, NTH, 16), jnp.float32),
        pltpu.VMEM((NG, NTW, 16), jnp.int32),
        pltpu.VMEM((NG, NTW, 16), jnp.float32),
    ],
)
def _resize_sc(x_hbm, loc_hbm, hw_hbm, wci_hbm, wcw_hbm, out_hbm,
               block_v, wrows_v, out_v, loc_v, hw_v, wci_v, wcw_v):
    nc = 2
    wid = lax.axis_index("s") * nc + lax.axis_index("c")
    tau0 = jnp.minimum(wid * TPW, TASKS - TPW)
    rstart = jnp.maximum(0, jnp.minimum((tau0 * IH) // OH - 2, FLATROWS - NR))

    pltpu.sync_copy(x_hbm.at[pl.ds(rstart * IW, NR * IW)], block_v)
    pltpu.sync_copy(loc_hbm.at[wid], loc_v)
    pltpu.sync_copy(hw_hbm.at[wid], hw_v)
    pltpu.sync_copy(wci_hbm, wci_v)
    pltpu.sync_copy(wcw_hbm, wcw_v)

    for g in range(NG):
        ci = [wci_v[g, u] for u in range(NTW)]
        cw = [wcw_v[g, u] for u in range(NTW)]

        def wbody(r, _, ci=ci, cw=cw, g=g):
            rb = r * IW
            acc = plsc.load_gather(block_v, [ci[0] + rb]) * cw[0]
            for u in range(1, NTW):
                acc = acc + plsc.load_gather(block_v, [ci[u] + rb]) * cw[u]
            wrows_v[pl.ds(r * OW + g * 16, 16)] = acc
            return 0

        lax.fori_loop(0, NR, wbody, 0)

    lane = lax.iota(jnp.int32, 16)

    def hbody(k, _):
        rows = [loc_v[k, t] for t in range(NTH)]
        wts = [hw_v[k, t] for t in range(NTH)]
        for g in range(NG):
            cvec = lane + g * 16
            acc = plsc.load_gather(wrows_v, [rows[0] + cvec]) * wts[0]
            for t in range(1, NTH):
                acc = acc + plsc.load_gather(wrows_v, [rows[t] + cvec]) * wts[t]
            out_v[pl.ds(k * OW + g * 16, 16)] = acc
        return 0

    lax.fori_loop(0, TPW, hbody, 0)

    pltpu.sync_copy(out_v, out_hbm.at[pl.ds(tau0 * OW, TPW * OW)])


def kernel(arg0_1):
    out = _resize_sc(arg0_1.reshape(-1), _LOC, _HW, _WCI, _WCW)
    return out.reshape(2, 3, OH, OW)

# --- scband reference (transcript-rebuilt; emitter-appended) ---
"""Pipeline reference for scband-repro-79422535238141 (READ-ONLY COPY).

The authoritative reference and input builder live on the scoring server;
editing this copy changes nothing except your own understanding.
"""

import jax, jax.numpy as jnp
import numpy as np


def _resize_along(x, axis, in_size, out_size):
    # Antialiased linear (triangle-kernel) resize along one axis, matching the
    # aten decomposition in the repro graph: 5 taps max, truncating float->int
    # conversion, clamped gather indices, where-masked + normalized weights,
    # and the 5th tap multiplied by an explicit zeros tensor.
    scale = in_size / out_size
    inv_scale = out_size / in_size
    i = jnp.arange(out_size, dtype=jnp.float32)
    center = (i + 0.5) * scale
    xmin = jnp.maximum((center - scale + 0.5).astype(jnp.int32), 0)
    xmax = jnp.minimum((center + scale + 0.5).astype(jnp.int32), in_size)
    ksize = jnp.minimum(xmax - xmin, 5)
    j = jnp.arange(5, dtype=jnp.int32)[:, None]
    dist = (j.astype(jnp.float32) + xmin.astype(jnp.float32) - center + 0.5) * inv_scale
    w = 1.0 - jnp.minimum(jnp.abs(dist), 1.0)
    w = jnp.where(j < ksize, w, 0.0)
    w = w / jnp.sum(w, axis=0)
    # graph multiplies the 5th tap by an explicit zeros tensor
    w = w.at[4].set(0.0)
    idx = jnp.minimum(xmin[None, :] + j, in_size - 1)  # [5, out_size]
    bshape = [1] * x.ndim
    bshape[axis] = out_size
    out = jnp.zeros(x.shape[:axis] + (out_size,) + x.shape[axis + 1:], dtype=x.dtype)
    for t in range(5):
        xt = jnp.take(x, idx[t], axis=axis)
        out = out + xt * w[t].reshape(bshape)
    return out


def setup_inputs(seed: int = 0) -> dict:
    key = jax.random.key(seed)
    arg0_1 = jax.random.normal(key, (2, 3, 345, 456), dtype=jnp.float32)
    return {"arg0_1": arg0_1}


def reference(arg0_1):
    # width pass: 456 -> 272 (scale 1.6764705882352942, inv 0.5964912280701754)
    y = _resize_along(arg0_1, 3, 456, 272)
    # height pass: 345 -> 271 (scale 1.2730627306273063, inv 0.7855072463768116)
    y = _resize_along(y, 2, 345, 271)
    return y

if __name__ == "__main__":
    import jax
    _d = setup_inputs()
    print(jax.jit(kernel)(*tuple(_d.values())))

</pallas_src>

<mosaic_0001>
#map = affine_map<(d0, d1) -> (0)>
#map1 = affine_map<(d0, d1) -> (0, 0, 0, 0)>
#map2 = affine_map<(d0, d1) -> (0, 0, 0)>
module attributes {stable_mosaic.version = 14 : i64} {
  func.func @_resize_sc(%arg0: i32, %arg1: i32, %arg2: memref<943920xf32, #tpu.memory_space<hbm>>, %arg3: memref<32x51x3x16xi32, #tpu.memory_space<hbm>>, %arg4: memref<32x51x3x16xf32, #tpu.memory_space<hbm>>, %arg5: memref<17x4x16xi32, #tpu.memory_space<hbm>>, %arg6: memref<17x4x16xf32, #tpu.memory_space<hbm>>, %arg7: memref<442272xf32, #tpu.memory_space<hbm>>, %arg8: memref<32832xf32, #tpu.memory_space<vmem>>, %arg9: memref<19584xf32, #tpu.memory_space<vmem>>, %arg10: memref<13872xf32, #tpu.memory_space<vmem>>, %arg11: memref<51x3x16xi32, #tpu.memory_space<vmem>>, %arg12: memref<51x3x16xf32, #tpu.memory_space<vmem>>, %arg13: memref<17x4x16xi32, #tpu.memory_space<vmem>>, %arg14: memref<17x4x16xf32, #tpu.memory_space<vmem>>) attributes {dimension_semantics = [#tpu.dimension_semantics<core_parallel>, #tpu.dimension_semantics<subcore_parallel>], iteration_bounds = array<i64: 2, 16>, scalar_prefetch = 0 : i64, scratch_operands = 7 : i64, tpu.core_type = #tpu.core_type<sc_vector_subcore>, window_params = [{transform_indices = #map}, {transform_indices = #map1}, {transform_indices = #map1}, {transform_indices = #map2}, {transform_indices = #map2}, {transform_indices = #map}]} {
    %mul3A = arith.constant 2 : i32
    %mul3A_0 = arith.muli %arg1, %mul3A : i32
    %add3A = arith.addi %mul3A_0, %arg0 : i32
    %mul3A_1 = arith.constant 51 : i32
    %mul3A_2 = arith.muli %add3A, %mul3A_1 : i32
    %min3A = arith.constant 1575 : i32
    %min3A_3 = arith.minsi %mul3A_2, %min3A : i32
    %mul3A_4 = arith.constant 345 : i32
    %mul3A_5 = arith.muli %min3A_3, %mul3A_4 : i32
    %jit3A = arith.constant 271 : i32
    %div3A = arith.divsi %mul3A_5, %jit3A : i32
    %sign3A = arith.constant 0 : i32
    %sign3A_6 = arith.cmpi sgt, %mul3A_5, %sign3A : i32
    %sign3A_7 = arith.extui %sign3A_6 : i1 to i32
    %sign3A_8 = arith.constant 0 : i32
    %sign3A_9 = arith.cmpi slt, %mul3A_5, %sign3A_8 : i32
    %sign3A_10 = arith.extui %sign3A_9 : i1 to i32
    %sign3A_11 = arith.subi %sign3A_7, %sign3A_10 : i32
    %sign3A_12 = arith.constant 0 : i32
    %sign3A_13 = arith.cmpi sgt, %jit3A, %sign3A_12 : i32
    %sign3A_14 = arith.extui %sign3A_13 : i1 to i32
    %sign3A_15 = arith.constant 0 : i32
    %sign3A_16 = arith.cmpi slt, %jit3A, %sign3A_15 : i32
    %sign3A_17 = arith.extui %sign3A_16 : i1 to i32
    %sign3A_18 = arith.subi %sign3A_14, %sign3A_17 : i32
    %ne3A = arith.cmpi ne, %sign3A_11, %sign3A_18 : i32
    %rem3A = arith.remsi %mul3A_5, %jit3A : i32
    %ne3A_19 = arith.constant 0 : i32
    %ne3A_20 = arith.cmpi ne, %rem3A, %ne3A_19 : i32
    %and3A = arith.andi %ne3A, %ne3A_20 : i1
    %sub3A = arith.constant 1 : i32
    %sub3A_21 = arith.subi %div3A, %sub3A : i32
    %select_n3A = arith.select %and3A, %sub3A_21, %div3A : i32
    %sub3A_22 = arith.constant 2 : i32
    %sub3A_23 = arith.subi %select_n3A, %sub3A_22 : i32
    %min3A_24 = arith.constant 1998 : i32
    %min3A_25 = arith.minsi %sub3A_23, %min3A_24 : i32
    %max3A = arith.constant 0 : i32
    %max3A_26 = arith.maxsi %max3A, %min3A_25 : i32
    %mul3A_27 = arith.constant 456 : i32
    %mul3A_28 = arith.muli %max3A_26, %mul3A_27 : i32
    "tpu.region"() ({
      %run_scoped3A = tpu.sem_alloc : memref<!tpu.dma_semaphore, #tpu.memory_space<semaphore_mem>>
      %dma_start3A = tpu.memref_slice %arg2[%mul3A_28] : memref<943920xf32, #tpu.memory_space<hbm>> -> memref<32832xf32, #tpu.memory_space<hbm>>
      %dma_start3A_971 = tpu.memref_slice %arg2[%mul3A_28] : memref<943920xf32, #tpu.memory_space<hbm>> -> memref<32832xf32, #tpu.memory_space<hbm>>
      tpu.enqueue_dma source(%dma_start3A_971 : memref<32832xf32, #tpu.memory_space<hbm>>) target(%arg8 : memref<32832xf32, #tpu.memory_space<vmem>>) target_semaphore(%run_scoped3A : memref<!tpu.dma_semaphore, #tpu.memory_space<semaphore_mem>>)
      %dma_wait3A = tpu.memref_slice %arg2[%mul3A_28] : memref<943920xf32, #tpu.memory_space<hbm>> -> memref<32832xf32, #tpu.memory_space<hbm>>
      %dma_wait3A_972 = tpu.memref_slice %arg2[%mul3A_28] : memref<943920xf32, #tpu.memory_space<hbm>> -> memref<32832xf32, #tpu.memory_space<hbm>>
      tpu.wait_dma2 semaphore(%run_scoped3A : memref<!tpu.dma_semaphore, #tpu.memory_space<semaphore_mem>>) src(%dma_wait3A_972 : memref<32832xf32, #tpu.memory_space<hbm>>) dst(%arg8 : memref<32832xf32, #tpu.memory_space<vmem>>)
      tpu.yield
    }) : () -> ()
    "tpu.region"() ({
      %run_scoped3A = tpu.sem_alloc : memref<!tpu.dma_semaphore, #tpu.memory_space<semaphore_mem>>
      %dma_start3A = arith.constant 0 : i32
      %dma_start3A_971 = arith.constant 0 : i32
      %dma_start3A_972 = arith.constant 0 : i32
      %dma_start3A_973 = tpu.memref_slice %arg3[%add3A, %dma_start3A, %dma_start3A_971, %dma_start3A_972] : memref<32x51x3x16xi32, #tpu.memory_space<hbm>> -> memref<1x51x3x16xi32, #tpu.memory_space<hbm>>
      %dma_start3A_974 = tpu.memref_squeeze %dma_start3A_973 : memref<1x51x3x16xi32, #tpu.memory_space<hbm>> -> memref<51x3x16xi32, #tpu.memory_space<hbm>>
      %dma_start3A_975 = arith.constant 0 : i32
      %dma_start3A_976 = arith.constant 0 : i32
      %dma_start3A_977 = arith.constant 0 : i32
      %dma_start3A_978 = tpu.memref_slice %arg3[%add3A, %dma_start3A_975, %dma_start3A_976, %dma_start3A_977] : memref<32x51x3x16xi32, #tpu.memory_space<hbm>> -> memref<1x51x3x16xi32, #tpu.memory_space<hbm>>
      %dma_start3A_979 = tpu.memref_squeeze %dma_start3A_978 : memref<1x51x3x16xi32, #tpu.memory_space<hbm>> -> memref<51x3x16xi32, #tpu.memory_space<hbm>>
      tpu.enqueue_dma source(%dma_start3A_979 : memref<51x3x16xi32, #tpu.memory_space<hbm>>) target(%arg11 : memref<51x3x16xi32, #tpu.memory_space<vmem>>) target_semaphore(%run_scoped3A : memref<!tpu.dma_semaphore, #tpu.memory_space<semaphore_mem>>)
      %dma_wait3A = arith.constant 0 : i32
      %dma_wait3A_980 = arith.constant 0 : i32
      %dma_wait3A_981 = arith.constant 0 : i32
      %dma_wait3A_982 = tpu.memref_slice %arg3[%add3A, %dma_wait3A, %dma_wait3A_980, %dma_wait3A_981] : memref<32x51x3x16xi32, #tpu.memory_space<hbm>> -> memref<1x51x3x16xi32, #tpu.memory_space<hbm>>
      %dma_wait3A_983 = tpu.memref_squeeze %dma_wait3A_982 : memref<1x51x3x16xi32, #tpu.memory_space<hbm>> -> memref<51x3x16xi32, #tpu.memory_space<hbm>>
      %dma_wait3A_984 = arith.constant 0 : i32
      %dma_wait3A_985 = arith.constant 0 : i32
      %dma_wait3A_986 = arith.constant 0 : i32
      %dma_wait3A_987 = tpu.memref_slice %arg3[%add3A, %dma_wait3A_984, %dma_wait3A_985, %dma_wait3A_986] : memref<32x51x3x16xi32, #tpu.memory_space<hbm>> -> memref<1x51x3x16xi32, #tpu.memory_space<hbm>>
      %dma_wait3A_988 = tpu.memref_squeeze %dma_wait3A_987 : memref<1x51x3x16xi32, #tpu.memory_space<hbm>> -> memref<51x3x16xi32, #tpu.memory_space<hbm>>
      tpu.wait_dma2 semaphore(%run_scoped3A : memref<!tpu.dma_semaphore, #tpu.memory_space<semaphore_mem>>) src(%dma_wait3A_988 : memref<51x3x16xi32, #tpu.memory_space<hbm>>) dst(%arg11 : memref<51x3x16xi32, #tpu.memory_space<vmem>>)
      tpu.yield
    }) : () -> ()
    "tpu.region"() ({
      %run_scoped3A = tpu.sem_alloc : memref<!tpu.dma_semaphore, #tpu.memory_space<semaphore_mem>>
      %dma_start3A = arith.constant 0 : i32
      %dma_start3A_971 = arith.constant 0 : i32
      %dma_start3A_972 = arith.constant 0 : i32
      %dma_start3A_973 = tpu.memref_slice %arg4[%add3A, %dma_start3A, %dma_start3A_971, %dma_start3A_972] : memref<32x51x3x16xf32, #tpu.memory_space<hbm>> -> memref<1x51x3x16xf32, #tpu.memory_space<hbm>>
      %dma_start3A_974 = tpu.memref_squeeze %dma_start3A_973 : memref<1x51x3x16xf32, #tpu.memory_space<hbm>> -> memref<51x3x16xf32, #tpu.memory_space<hbm>>
      %dma_start3A_975 = arith.constant 0 : i32
      %dma_start3A_976 = arith.constant 0 : i32
      %dma_start3A_977 = arith.constant 0 : i32
      %dma_start3A_978 = tpu.memref_slice %arg4[%add3A, %dma_start3A_975, %dma_start3A_976, %dma_start3A_977] : memref<32x51x3x16xf32, #tpu.memory_space<hbm>> -> memref<1x51x3x16xf32, #tpu.memory_space<hbm>>
      %dma_start3A_979 = tpu.memref_squeeze %dma_start3A_978 : memref<1x51x3x16xf32, #tpu.memory_space<hbm>> -> memref<51x3x16xf32, #tpu.memory_space<hbm>>
      tpu.enqueue_dma source(%dma_start3A_979 : memref<51x3x16xf32, #tpu.memory_space<hbm>>) target(%arg12 : memref<51x3x16xf32, #tpu.memory_space<vmem>>) target_semaphore(%run_scoped3A : memref<!tpu.dma_semaphore, #tpu.memory_space<semaphore_mem>>)
      %dma_wait3A = arith.constant 0 : i32
      %dma_wait3A_980 = arith.constant 0 : i32
      %dma_wait3A_981 = arith.constant 0 : i32
      %dma_wait3A_982 = tpu.memref_slice %arg4[%add3A, %dma_wait3A, %dma_wait3A_980, %dma_wait3A_981] : memref<32x51x3x16xf32, #tpu.memory_space<hbm>> -> memref<1x51x3x16xf32, #tpu.memory_space<hbm>>
      %dma_wait3A_983 = tpu.memref_squeeze %dma_wait3A_982 : memref<1x51x3x16xf32, #tpu.memory_space<hbm>> -> memref<51x3x16xf32, #tpu.memory_space<hbm>>
      %dma_wait3A_984 = arith.constant 0 : i32
      %dma_wait3A_985 = arith.constant 0 : i32
      %dma_wait3A_986 = arith.constant 0 : i32
      %dma_wait3A_987 = tpu.memref_slice %arg4[%add3A, %dma_wait3A_984, %dma_wait3A_985, %dma_wait3A_986] : memref<32x51x3x16xf32, #tpu.memory_space<hbm>> -> memref<1x51x3x16xf32, #tpu.memory_space<hbm>>
      %dma_wait3A_988 = tpu.memref_squeeze %dma_wait3A_987 : memref<1x51x3x16xf32, #tpu.memory_space<hbm>> -> memref<51x3x16xf32, #tpu.memory_space<hbm>>
      tpu.wait_dma2 semaphore(%run_scoped3A : memref<!tpu.dma_semaphore, #tpu.memory_space<semaphore_mem>>) src(%dma_wait3A_988 : memref<51x3x16xf32, #tpu.memory_space<hbm>>) dst(%arg12 : memref<51x3x16xf32, #tpu.memory_space<vmem>>)
      tpu.yield
    }) : () -> ()
    "tpu.region"() ({
      %run_scoped3A = tpu.sem_alloc : memref<!tpu.dma_semaphore, #tpu.memory_space<semaphore_mem>>
      tpu.enqueue_dma source(%arg5 : memref<17x4x16xi32, #tpu.memory_space<hbm>>) target(%arg13 : memref<17x4x16xi32, #tpu.memory_space<vmem>>) target_semaphore(%run_scoped3A : memref<!tpu.dma_semaphore, #tpu.memory_space<semaphore_mem>>)
      tpu.wait_dma2 semaphore(%run_scoped3A : memref<!tpu.dma_semaphore, #tpu.memory_space<semaphore_mem>>) src(%arg5 : memref<17x4x16xi32, #tpu.memory_space<hbm>>) dst(%arg13 : memref<17x4x16xi32, #tpu.memory_space<vmem>>)
      tpu.yield
    }) : () -> ()
    "tpu.region"() ({
      %run_scoped3A = tpu.sem_alloc : memref<!tpu.dma_semaphore, #tpu.memory_space<semaphore_mem>>
      tpu.enqueue_dma source(%arg6 : memref<17x4x16xf32, #tpu.memory_space<hbm>>) target(%arg14 : memref<17x4x16xf32, #tpu.memory_space<vmem>>) target_semaphore(%run_scoped3A : memref<!tpu.dma_semaphore, #tpu.memory_space<semaphore_mem>>)
      tpu.wait_dma2 semaphore(%run_scoped3A : memref<!tpu.dma_semaphore, #tpu.memory_space<semaphore_mem>>) src(%arg6 : memref<17x4x16xf32, #tpu.memory_space<hbm>>) dst(%arg14 : memref<17x4x16xf32, #tpu.memory_space<vmem>>)
      tpu.yield
    }) : () -> ()
    %get3A = arith.constant 0 : i32
    %get3A_29 = arith.constant 0 : i32
    %get3A_30 = arith.index_cast %get3A : i32 to index
    %get3A_31 = arith.index_cast %get3A_29 : i32 to index
    %get3A_32 = arith.constant 0 : index
    %get3A_33 = tpu.vector_load %arg13[%get3A_30, %get3A_31, %get3A_32] {strides = array<i32>} : memref<17x4x16xi32, #tpu.memory_space<vmem>>, vector<16xi32>,
    %get3A_34 = arith.constant 0 : i32
    %get3A_35 = arith.constant 1 : i32
    %get3A_36 = arith.index_cast %get3A_34 : i32 to index
    %get3A_37 = arith.index_cast %get3A_35 : i32 to index
    %get3A_38 = arith.constant 0 : index
    %get3A_39 = tpu.vector_load %arg13[%get3A_36, %get3A_37, %get3A_38] {strides = array<i32>} : memref<17x4x16xi32, #tpu.memory_space<vmem>>, vector<16xi32>,
    %get3A_40 = arith.constant 0 : i32
    %get3A_41 = arith.constant 2 : i32
    %get3A_42 = arith.index_cast %get3A_40 : i32 to index
    %get3A_43 = arith.index_cast %get3A_41 : i32 to index
    %get3A_44 = arith.constant 0 : index
    %get3A_45 = tpu.vector_load %arg13[%get3A_42, %get3A_43, %get3A_44] {strides = array<i32>} : memref<17x4x16xi32, #tpu.memory_space<vmem>>, vector<16xi32>,
    %get3A_46 = arith.constant 0 : i32
    %get3A_47 = arith.constant 3 : i32
    %get3A_48 = arith.index_cast %get3A_46 : i32 to index
    %get3A_49 = arith.index_cast %get3A_47 : i32 to index
    %get3A_50 = arith.constant 0 : index
    %get3A_51 = tpu.vector_load %arg13[%get3A_48, %get3A_49, %get3A_50] {strides = array<i32>} : memref<17x4x16xi32, #tpu.memory_space<vmem>>, vector<16xi32>,
    %get3A_52 = arith.constant 0 : i32
    %get3A_53 = arith.constant 0 : i32
    %get3A_54 = arith.index_cast %get3A_52 : i32 to index
    %get3A_55 = arith.index_cast %get3A_53 : i32 to index
    %get3A_56 = arith.constant 0 : index
    %get3A_57 = tpu.vector_load %arg14[%get3A_54, %get3A_55, %get3A_56] {strides = array<i32>} : memref<17x4x16xf32, #tpu.memory_space<vmem>>, vector<16xf32>,
    %get3A_58 = arith.constant 0 : i32
    %get3A_59 = arith.constant 1 : i32
    %get3A_60 = arith.index_cast %get3A_58 : i32 to index
    %get3A_61 = arith.index_cast %get3A_59 : i32 to index
    %get3A_62 = arith.constant 0 : index
    %get3A_63 = tpu.vector_load %arg14[%get3A_60, %get3A_61, %get3A_62] {strides = array<i32>} : memref<17x4x16xf32, #tpu.memory_space<vmem>>, vector<16xf32>,
    %get3A_64 = arith.constant 0 : i32
    %get3A_65 = arith.constant 2 : i32
    %get3A_66 = arith.index_cast %get3A_64 : i32 to index
    %get3A_67 = arith.index_cast %get3A_65 : i32 to index
    %get3A_68 = arith.constant 0 : index
    %get3A_69 = tpu.vector_load %arg14[%get3A_66, %get3A_67, %get3A_68] {strides = array<i32>} : memref<17x4x16xf32, #tpu.memory_space<vmem>>, vector<16xf32>,
    %get3A_70 = arith.constant 0 : i32
    %get3A_71 = arith.constant 3 : i32
    %get3A_72 = arith.index_cast %get3A_70 : i32 to index
    %get3A_73 = arith.index_cast %get3A_71 : i32 to index
    %get3A_74 = arith.constant 0 : index
    %get3A_75 = tpu.vector_load %arg14[%get3A_72, %get3A_73, %get3A_74] {strides = array<i32>} : memref<17x4x16xf32, #tpu.memory_space<vmem>>, vector<16xf32>,
    %scan3A = arith.constant 0 : i32
    %scan3A_76 = arith.constant 0 : i32
    %scan3A_77 = arith.constant 72 : i32
    %scan3A_78 = arith.addi %scan3A_76, %scan3A_77 : i32
    %scan3A_79 = arith.constant 1 : i32
    %scan3A_80 = scf.for %scan3A_971 = %scan3A_76 to %scan3A_78 step %scan3A_79 iter_args(%scan3A_972 = %scan3A) -> (i32)  : i32 {
      %mul3A_973 = arith.constant 456 : i32
      %mul3A_974 = arith.muli %scan3A_971, %mul3A_973 : i32
      %add3A_975 = vector.broadcast %mul3A_974 : i32 to vector<16xi32>
      %add3A_976 = arith.addi %get3A_33, %add3A_975 : vector<16xi32>
      %gather3A = tpu.vector_load_idx %arg8[%add3A_976] : memref<32832xf32, #tpu.memory_space<vmem>>[vector<16xi32>], vector<16xf32>,
      %mul3A_977 = arith.mulf %gather3A, %get3A_57 : vector<16xf32>
      %add3A_978 = vector.broadcast %mul3A_974 : i32 to vector<16xi32>
      %add3A_979 = arith.addi %get3A_39, %add3A_978 : vector<16xi32>
      %gather3A_980 = tpu.vector_load_idx %arg8[%add3A_979] : memref<32832xf32, #tpu.memory_space<vmem>>[vector<16xi32>], vector<16xf32>,
      %mul3A_981 = arith.mulf %gather3A_980, %get3A_63 : vector<16xf32>
      %add3A_982 = arith.addf %mul3A_977, %mul3A_981 : vector<16xf32>
      %add3A_983 = vector.broadcast %mul3A_974 : i32 to vector<16xi32>
      %add3A_984 = arith.addi %get3A_45, %add3A_983 : vector<16xi32>
      %gather3A_985 = tpu.vector_load_idx %arg8[%add3A_984] : memref<32832xf32, #tpu.memory_space<vmem>>[vector<16xi32>], vector<16xf32>,
      %mul3A_986 = arith.mulf %gather3A_985, %get3A_69 : vector<16xf32>
      %add3A_987 = arith.addf %add3A_982, %mul3A_986 : vector<16xf32>
      %add3A_988 = vector.broadcast %mul3A_974 : i32 to vector<16xi32>
      %add3A_989 = arith.addi %get3A_51, %add3A_988 : vector<16xi32>
      %gather3A_990 = tpu.vector_load_idx %arg8[%add3A_989] : memref<32832xf32, #tpu.memory_space<vmem>>[vector<16xi32>], vector<16xf32>,
      %mul3A_991 = arith.mulf %gather3A_990, %get3A_75 : vector<16xf32>
      %add3A_992 = arith.addf %add3A_987, %mul3A_991 : vector<16xf32>
      %mul3A_993 = arith.constant 272 : i32
      %mul3A_994 = arith.muli %scan3A_971, %mul3A_993 : i32
      %add3A_995 = arith.constant 0 : i32
      %add3A_996 = arith.addi %mul3A_994, %add3A_995 : i32
      %swap3A = arith.index_cast %add3A_996 : i32 to index
      %swap3A_997 = tpu.vector_load %arg9[%swap3A] {strides = array<i32>} : memref<19584xf32, #tpu.memory_space<vmem>>, vector<16xf32>,
      tpu.vector_store %arg9[%swap3A], %add3A_992 {strides = array<i32>} : memref<19584xf32, #tpu.memory_space<vmem>>, vector<16xf32>,
      %scan3A_998 = arith.constant 0 : i32
      scf.yield %scan3A_998 : i32
    }
    %scan3A_81 = arith.constant 72 : i32
    %get3A_82 = arith.constant 1 : i32
    %get3A_83 = arith.constant 0 : i32
    %get3A_84 = arith.index_cast %get3A_82 : i32 to index
    %get3A_85 = arith.index_cast %get3A_83 : i32 to index
    %get3A_86 = arith.constant 0 : index
    %get3A_87 = tpu.vector_load %arg13[%get3A_84, %get3A_85, %get3A_86] {strides = array<i32>} : memref<17x4x16xi32, #tpu.memory_space<vmem>>, vector<16xi32>,
    %get3A_88 = arith.constant 1 : i32
    %get3A_89 = arith.constant 1 : i32
    %get3A_90 = arith.index_cast %get3A_88 : i32 to index
    %get3A_91 = arith.index_cast %get3A_89 : i32 to index
    %get3A_92 = arith.constant 0 : index
    %get3A_93 = tpu.vector_load %arg13[%get3A_90, %get3A_91, %get3A_92] {strides = array<i32>} : memref<17x4x16xi32, #tpu.memory_space<vmem>>, vector<16xi32>,
    %get3A_94 = arith.constant 1 : i32
    %get3A_95 = arith.constant 2 : i32
    %get3A_96 = arith.index_cast %get3A_94 : i32 to index
    %get3A_97 = arith.index_cast %get3A_95 : i32 to index
    %get3A_98 = arith.constant 0 : index
    %get3A_99 = tpu.vector_load %arg13[%get3A_96, %get3A_97, %get3A_98] {strides = array<i32>} : memref<17x4x16xi32, #tpu.memory_space<vmem>>, vector<16xi32>,
    %get3A_100 = arith.constant 1 : i32
    %get3A_101 = arith.constant 3 : i32
    %get3A_102 = arith.index_cast %get3A_100 : i32 to index
    %get3A_103 = arith.index_cast %get3A_101 : i32 to index
    %get3A_104 = arith.constant 0 : index
    %get3A_105 = tpu.vector_load %arg13[%get3A_102, %get3A_103, %get3A_104] {strides = array<i32>} : memref<17x4x16xi32, #tpu.memory_space<vmem>>, vector<16xi32>,
    %get3A_106 = arith.constant 1 : i32
    %get3A_107 = arith.constant 0 : i32
    %get3A_108 = arith.index_cast %get3A_106 : i32 to index
    %get3A_109 = arith.index_cast %get3A_107 : i32 to index
    %get3A_110 = arith.constant 0 : index
    %get3A_111 = tpu.vector_load %arg14[%get3A_108, %get3A_109, %get3A_110] {strides = array<i32>} : memref<17x4x16xf32, #tpu.memory_space<vmem>>, vector<16xf32>,
    %get3A_112 = arith.constant 1 : i32
    %get3A_113 = arith.constant 1 : i32
    %get3A_114 = arith.index_cast %get3A_112 : i32 to index
    %get3A_115 = arith.index_cast %get3A_113 : i32 to index
    %get3A_116 = arith.constant 0 : index
    %get3A_117 = tpu.vector_load %arg14[%get3A_114, %get3A_115, %get3A_116] {strides = array<i32>} : memref<17x4x16xf32, #tpu.memory_space<vmem>>, vector<16xf32>,
    %get3A_118 = arith.constant 1 : i32
    %get3A_119 = arith.constant 2 : i32
    %get3A_120 = arith.index_cast %get3A_118 : i32 to index
    %get3A_121 = arith.index_cast %get3A_119 : i32 to index
    %get3A_122 = arith.constant 0 : index
    %get3A_123 = tpu.vector_load %arg14[%get3A_120, %get3A_121, %get3A_122] {strides = array<i32>} : memref<17x4x16xf32, #tpu.memory_space<vmem>>, vector<16xf32>,
    %get3A_124 = arith.constant 1 : i32
    %get3A_125 = arith.constant 3 : i32
    %get3A_126 = arith.index_cast %get3A_124 : i32 to index
    %get3A_127 = arith.index_cast %get3A_125 : i32 to index
    %get3A_128 = arith.constant 0 : index
    %get3A_129 = tpu.vector_load %arg14[%get3A_126, %get3A_127, %get3A_128] {strides = array<i32>} : memref<17x4x16xf32, #tpu.memory_space<vmem>>, vector<16xf32>,
    %scan3A_130 = arith.constant 0 : i32
    %scan3A_131 = arith.constant 0 : i32
    %scan3A_132 = arith.constant 72 : i32
    %scan3A_133 = arith.addi %scan3A_131, %scan3A_132 : i32
    %scan3A_134 = arith.constant 1 : i32
    %scan3A_135 = scf.for %scan3A_971 = %scan3A_131 to %scan3A_133 step %scan3A_134 iter_args(%scan3A_972 = %scan3A_130) -> (i32)  : i32 {
      %mul3A_973 = arith.constant 456 : i32
      %mul3A_974 = arith.muli %scan3A_971, %mul3A_973 : i32
      %add3A_975 = vector.broadcast %mul3A_974 : i32 to vector<16xi32>
      %add3A_976 = arith.addi %get3A_87, %add3A_975 : vector<16xi32>
      %gather3A = tpu.vector_load_idx %arg8[%add3A_976] : memref<32832xf32, #tpu.memory_space<vmem>>[vector<16xi32>], vector<16xf32>,
      %mul3A_977 = arith.mulf %gather3A, %get3A_111 : vector<16xf32>
      %add3A_978 = vector.broadcast %mul3A_974 : i32 to vector<16xi32>
      %add3A_979 = arith.addi %get3A_93, %add3A_978 : vector<16xi32>
      %gather3A_980 = tpu.vector_load_idx %arg8[%add3A_979] : memref<32832xf32, #tpu.memory_space<vmem>>[vector<16xi32>], vector<16xf32>,
      %mul3A_981 = arith.mulf %gather3A_980, %get3A_117 : vector<16xf32>
      %add3A_982 = arith.addf %mul3A_977, %mul3A_981 : vector<16xf32>
      %add3A_983 = vector.broadcast %mul3A_974 : i32 to vector<16xi32>
      %add3A_984 = arith.addi %get3A_99, %add3A_983 : vector<16xi32>
      %gather3A_985 = tpu.vector_load_idx %arg8[%add3A_984] : memref<32832xf32, #tpu.memory_space<vmem>>[vector<16xi32>], vector<16xf32>,
      %mul3A_986 = arith.mulf %gather3A_985, %get3A_123 : vector<16xf32>
      %add3A_987 = arith.addf %add3A_982, %mul3A_986 : vector<16xf32>
      %add3A_988 = vector.broadcast %mul3A_974 : i32 to vector<16xi32>
      %add3A_989 = arith.addi %get3A_105, %add3A_988 : vector<16xi32>
      %gather3A_990 = tpu.vector_load_idx %arg8[%add3A_989] : memref<32832xf32, #tpu.memory_space<vmem>>[vector<16xi32>], vector<16xf32>,
      %mul3A_991 = arith.mulf %gather3A_990, %get3A_129 : vector<16xf32>
      %add3A_992 = arith.addf %add3A_987, %mul3A_991 : vector<16xf32>
      %mul3A_993 = arith.constant 272 : i32
      %mul3A_994 = arith.muli %scan3A_971, %mul3A_993 : i32
      %add3A_995 = arith.constant 16 : i32
      %add3A_996 = arith.addi %mul3A_994, %add3A_995 : i32
      %swap3A = arith.index_cast %add3A_996 : i32 to index
      %swap3A_997 = tpu.vector_load %arg9[%swap3A] {strides = array<i32>} : memref<19584xf32, #tpu.memory_space<vmem>>, vector<16xf32>,
      tpu.vector_store %arg9[%swap3A], %add3A_992 {strides = array<i32>} : memref<19584xf32, #tpu.memory_space<vmem>>, vector<16xf32>,
      %scan3A_998 = arith.constant 0 : i32
      scf.yield %scan3A_998 : i32
    }
    %scan3A_136 = arith.constant 72 : i32
    %get3A_137 = arith.constant 2 : i32
    %get3A_138 = arith.constant 0 : i32
    %get3A_139 = arith.index_cast %get3A_137 : i32 to index
    %get3A_140 = arith.index_cast %get3A_138 : i32 to index
    %get3A_141 = arith.constant 0 : index
    %get3A_142 = tpu.vector_load %arg13[%get3A_139, %get3A_140, %get3A_141] {strides = array<i32>} : memref<17x4x16xi32, #tpu.memory_space<vmem>>, vector<16xi32>,
    %get3A_143 = arith.constant 2 : i32
    %get3A_144 = arith.constant 1 : i32
    %get3A_145 = arith.index_cast %get3A_143 : i32 to index
    %get3A_146 = arith.index_cast %get3A_144 : i32 to index
    %get3A_147 = arith.constant 0 : index
    %get3A_148 = tpu.vector_load %arg13[%get3A_145, %get3A_146, %get3A_147] {strides = array<i32>} : memref<17x4x16xi32, #tpu.memory_space<vmem>>, vector<16xi32>,
    %get3A_149 = arith.constant 2 : i32
    %get3A_150 = arith.constant 2 : i32
    %get3A_151 = arith.index_cast %get3A_149 : i32 to index
    %get3A_152 = arith.index_cast %get3A_150 : i32 to index
    %get3A_153 = arith.constant 0 : index
    %get3A_154 = tpu.vector_load %arg13[%get3A_151, %get3A_152, %get3A_153] {strides = array<i32>} : memref<17x4x16xi32, #tpu.memory_space<vmem>>, vector<16xi32>,
    %get3A_155 = arith.constant 2 : i32
    %get3A_156 = arith.constant 3 : i32
    %get3A_157 = arith.index_cast %get3A_155 : i32 to index
    %get3A_158 = arith.index_cast %get3A_156 : i32 to index
    %get3A_159 = arith.constant 0 : index
    %get3A_160 = tpu.vector_load %arg13[%get3A_157, %get3A_158, %get3A_159] {strides = array<i32>} : memref<17x4x16xi32, #tpu.memory_space<vmem>>, vector<16xi32>,
    %get3A_161 = arith.constant 2 : i32
    %get3A_162 = arith.constant 0 : i32
    %get3A_163 = arith.index_cast %get3A_161 : i32 to index
    %get3A_164 = arith.index_cast %get3A_162 : i32 to index
    %get3A_165 = arith.constant 0 : index
    %get3A_166 = tpu.vector_load %arg14[%get3A_163, %get3A_164, %get3A_165] {strides = array<i32>} : memref<17x4x16xf32, #tpu.memory_space<vmem>>, vector<16xf32>,
    %get3A_167 = arith.constant 2 : i32
    %get3A_168 = arith.constant 1 : i32
    %get3A_169 = arith.index_cast %get3A_167 : i32 to index
    %get3A_170 = arith.index_cast %get3A_168 : i32 to index
    %get3A_171 = arith.constant 0 : index
    %get3A_172 = tpu.vector_load %arg14[%get3A_169, %get3A_170, %get3A_171] {strides = array<i32>} : memref<17x4x16xf32, #tpu.memory_space<vmem>>, vector<16xf32>,
    %get3A_173 = arith.constant 2 : i32
    %get3A_174 = arith.constant 2 : i32
    %get3A_175 = arith.index_cast %get3A_173 : i32 to index
    %get3A_176 = arith.index_cast %get3A_174 : i32 to index
    %get3A_177 = arith.constant 0 : index
    %get3A_178 = tpu.vector_load %arg14[%get3A_175, %get3A_176, %get3A_177] {strides = array<i32>} : memref<17x4x16xf32, #tpu.memory_space<vmem>>, vector<16xf32>,
    %get3A_179 = arith.constant 2 : i32
    %get3A_180 = arith.constant 3 : i32
    %get3A_181 = arith.index_cast %get3A_179 : i32 to index
    %get3A_182 = arith.index_cast %get3A_180 : i32 to index
    %get3A_183 = arith.constant 0 : index
    %get3A_184 = tpu.vector_load %arg14[%get3A_181, %get3A_182, %get3A_183] {strides = array<i32>} : memref<17x4x16xf32, #tpu.memory_space<vmem>>, vector<16xf32>,
    %scan3A_185 = arith.constant 0 : i32
    %scan3A_186 = arith.constant 0 : i32
    %scan3A_187 = arith.constant 72 : i32
    %scan3A_188 = arith.addi %scan3A_186, %scan3A_187 : i32
    %scan3A_189 = arith.constant 1 : i32
    %scan3A_190 = scf.for %scan3A_971 = %scan3A_186 to %scan3A_188 step %scan3A_189 iter_args(%scan3A_972 = %scan3A_185) -> (i32)  : i32 {
      %mul3A_973 = arith.constant 456 : i32
      %mul3A_974 = arith.muli %scan3A_971, %mul3A_973 : i32
      %add3A_975 = vector.broadcast %mul3A_974 : i32 to vector<16xi32>
      %add3A_976 = arith.addi %get3A_142, %add3A_975 : vector<16xi32>
      %gather3A = tpu.vector_load_idx %arg8[%add3A_976] : memref<32832xf32, #tpu.memory_space<vmem>>[vector<16xi32>], vector<16xf32>,
      %mul3A_977 = arith.mulf %gather3A, %get3A_166 : vector<16xf32>
      %add3A_978 = vector.broadcast %mul3A_974 : i32 to vector<16xi32>
      %add3A_979 = arith.addi %get3A_148, %add3A_978 : vector<16xi32>
      %gather3A_980 = tpu.vector_load_idx %arg8[%add3A_979] : memref<32832xf32, #tpu.memory_space<vmem>>[vector<16xi32>], vector<16xf32>,
      %mul3A_981 = arith.mulf %gather3A_980, %get3A_172 : vector<16xf32>
      %add3A_982 = arith.addf %mul3A_977, %mul3A_981 : vector<16xf32>
      %add3A_983 = vector.broadcast %mul3A_974 : i32 to vector<16xi32>
      %add3A_984 = arith.addi %get3A_154, %add3A_983 : vector<16xi32>
      %gather3A_985 = tpu.vector_load_idx %arg8[%add3A_984] : memref<32832xf32, #tpu.memory_space<vmem>>[vector<16xi32>], vector<16xf32>,
      %mul3A_986 = arith.mulf %gather3A_985, %get3A_178 : vector<16xf32>
      %add3A_987 = arith.addf %add3A_982, %mul3A_986 : vector<16xf32>
      %add3A_988 = vector.broadcast %mul3A_974 : i32 to vector<16xi32>
      %add3A_989 = arith.addi %get3A_160, %add3A_988 : vector<16xi32>
      %gather3A_990 = tpu.vector_load_idx %arg8[%add3A_989] : memref<32832xf32, #tpu.memory_space<vmem>>[vector<16xi32>], vector<16xf32>,
      %mul3A_991 = arith.mulf %gather3A_990, %get3A_184 : vector<16xf32>
      %add3A_992 = arith.addf %add3A_987, %mul3A_991 : vector<16xf32>
      %mul3A_993 = arith.constant 272 : i32
      %mul3A_994 = arith.muli %scan3A_971, %mul3A_993 : i32
      %add3A_995 = arith.constant 32 : i32
      %add3A_996 = arith.addi %mul3A_994, %add3A_995 : i32
      %swap3A = arith.index_cast %add3A_996 : i32 to index
      %swap3A_997 = tpu.vector_load %arg9[%swap3A] {strides = array<i32>} : memref<19584xf32, #tpu.memory_space<vmem>>, vector<16xf32>,
      tpu.vector_store %arg9[%swap3A], %add3A_992 {strides = array<i32>} : memref<19584xf32, #tpu.memory_space<vmem>>, vector<16xf32>,
      %scan3A_998 = arith.constant 0 : i32
      scf.yield %scan3A_998 : i32
    }
    %scan3A_191 = arith.constant 72 : i32
    %get3A_192 = arith.constant 3 : i32
    %get3A_193 = arith.constant 0 : i32
    %get3A_194 = arith.index_cast %get3A_192 : i32 to index
    %get3A_195 = arith.index_cast %get3A_193 : i32 to index
    %get3A_196 = arith.constant 0 : index
    %get3A_197 = tpu.vector_load %arg13[%get3A_194, %get3A_195, %get3A_196] {strides = array<i32>} : memref<17x4x16xi32, #tpu.memory_space<vmem>>, vector<16xi32>,
    %get3A_198 = arith.constant 3 : i32
    %get3A_199 = arith.constant 1 : i32
    %get3A_200 = arith.index_cast %get3A_198 : i32 to index
    %get3A_201 = arith.index_cast %get3A_199 : i32 to index
    %get3A_202 = arith.constant 0 : index
    %get3A_203 = tpu.vector_load %arg13[%get3A_200, %get3A_201, %get3A_202] {strides = array<i32>} : memref<17x4x16xi32, #tpu.memory_space<vmem>>, vector<16xi32>,
    %get3A_204 = arith.constant 3 : i32
    %get3A_205 = arith.constant 2 : i32
    %get3A_206 = arith.index_cast %get3A_204 : i32 to index
    %get3A_207 = arith.index_cast %get3A_205 : i32 to index
    %get3A_208 = arith.constant 0 : index
    %get3A_209 = tpu.vector_load %arg13[%get3A_206, %get3A_207, %get3A_208] {strides = array<i32>} : memref<17x4x16xi32, #tpu.memory_space<vmem>>, vector<16xi32>,
    %get3A_210 = arith.constant 3 : i32
    %get3A_211 = arith.constant 3 : i32
    %get3A_212 = arith.index_cast %get3A_210 : i32 to index
    %get3A_213 = arith.index_cast %get3A_211 : i32 to index
    %get3A_214 = arith.constant 0 : index
    %get3A_215 = tpu.vector_load %arg13[%get3A_212, %get3A_213, %get3A_214] {strides = array<i32>} : memref<17x4x16xi32, #tpu.memory_space<vmem>>, vector<16xi32>,
    %get3A_216 = arith.constant 3 : i32
    %get3A_217 = arith.constant 0 : i32
    %get3A_218 = arith.index_cast %get3A_216 : i32 to index
    %get3A_219 = arith.index_cast %get3A_217 : i32 to index
    %get3A_220 = arith.constant 0 : index
    %get3A_221 = tpu.vector_load %arg14[%get3A_218, %get3A_219, %get3A_220] {strides = array<i32>} : memref<17x4x16xf32, #tpu.memory_space<vmem>>, vector<16xf32>,
    %get3A_222 = arith.constant 3 : i32
    %get3A_223 = arith.constant 1 : i32
    %get3A_224 = arith.index_cast %get3A_222 : i32 to index
    %get3A_225 = arith.index_cast %get3A_223 : i32 to index
    %get3A_226 = arith.constant 0 : index
    %get3A_227 = tpu.vector_load %arg14[%get3A_224, %get3A_225, %get3A_226] {strides = array<i32>} : memref<17x4x16xf32, #tpu.memory_space<vmem>>, vector<16xf32>,
    %get3A_228 = arith.constant 3 : i32
    %get3A_229 = arith.constant 2 : i32
    %get3A_230 = arith.index_cast %get3A_228 : i32 to index
    %get3A_231 = arith.index_cast %get3A_229 : i32 to index
    %get3A_232 = arith.constant 0 : index
    %get3A_233 = tpu.vector_load %arg14[%get3A_230, %get3A_231, %get3A_232] {strides = array<i32>} : memref<17x4x16xf32, #tpu.memory_space<vmem>>, vector<16xf32>,
    %get3A_234 = arith.constant 3 : i32
    %get3A_235 = arith.constant 3 : i32
    %get3A_236 = arith.index_cast %get3A_234 : i32 to index
    %get3A_237 = arith.index_cast %get3A_235 : i32 to index
    %get3A_238 = arith.constant 0 : index
    %get3A_239 = tpu.vector_load %arg14[%get3A_236, %get3A_237, %get3A_238] {strides = array<i32>} : memref<17x4x16xf32, #tpu.memory_space<vmem>>, vector<16xf32>,
    %scan3A_240 = arith.constant 0 : i32
    %scan3A_241 = arith.constant 0 : i32
    %scan3A_242 = arith.constant 72 : i32
    %scan3A_243 = arith.addi %scan3A_241, %scan3A_242 : i32
    %scan3A_244 = arith.constant 1 : i32
    %scan3A_245 = scf.for %scan3A_971 = %scan3A_241 to %scan3A_243 step %scan3A_244 iter_args(%scan3A_972 = %scan3A_240) -> (i32)  : i32 {
      %mul3A_973 = arith.constant 456 : i32
      %mul3A_974 = arith.muli %scan3A_971, %mul3A_973 : i32
      %add3A_975 = vector.broadcast %mul3A_974 : i32 to vector<16xi32>
      %add3A_976 = arith.addi %get3A_197, %add3A_975 : vector<16xi32>
      %gather3A = tpu.vector_load_idx %arg8[%add3A_976] : memref<32832xf32, #tpu.memory_space<vmem>>[vector<16xi32>], vector<16xf32>,
      %mul3A_977 = arith.mulf %gather3A, %get3A_221 : vector<16xf32>
      %add3A_978 = vector.broadcast %mul3A_974 : i32 to vector<16xi32>
      %add3A_979 = arith.addi %get3A_203, %add3A_978 : vector<16xi32>
      %gather3A_980 = tpu.vector_load_idx %arg8[%add3A_979] : memref<32832xf32, #tpu.memory_space<vmem>>[vector<16xi32>], vector<16xf32>,
      %mul3A_981 = arith.mulf %gather3A_980, %get3A_227 : vector<16xf32>
      %add3A_982 = arith.addf %mul3A_977, %mul3A_981 : vector<16xf32>
      %add3A_983 = vector.broadcast %mul3A_974 : i32 to vector<16xi32>
      %add3A_984 = arith.addi %get3A_209, %add3A_983 : vector<16xi32>
      %gather3A_985 = tpu.vector_load_idx %arg8[%add3A_984] : memref<32832xf32, #tpu.memory_space<vmem>>[vector<16xi32>], vector<16xf32>,
      %mul3A_986 = arith.mulf %gather3A_985, %get3A_233 : vector<16xf32>
      %add3A_987 = arith.addf %add3A_982, %mul3A_986 : vector<16xf32>
      %add3A_988 = vector.broadcast %mul3A_974 : i32 to vector<16xi32>
      %add3A_989 = arith.addi %get3A_215, %add3A_988 : vector<16xi32>
      %gather3A_990 = tpu.vector_load_idx %arg8[%add3A_989] : memref<32832xf32, #tpu.memory_space<vmem>>[vector<16xi32>], vector<16xf32>,
      %mul3A_991 = arith.mulf %gather3A_990, %get3A_239 : vector<16xf32>
      %add3A_992 = arith.addf %add3A_987, %mul3A_991 : vector<16xf32>
      %mul3A_993 = arith.constant 272 : i32
      %mul3A_994 = arith.muli %scan3A_971, %mul3A_993 : i32
      %add3A_995 = arith.constant 48 : i32
      %add3A_996 = arith.addi %mul3A_994, %add3A_995 : i32
      %swap3A = arith.index_cast %add3A_996 : i32 to index
      %swap3A_997 = tpu.vector_load %arg9[%swap3A] {strides = array<i32>} : memref<19584xf32, #tpu.memory_space<vmem>>, vector<16xf32>,
      tpu.vector_store %arg9[%swap3A], %add3A_992 {strides = array<i32>} : memref<19584xf32, #tpu.memory_space<vmem>>, vector<16xf32>,
      %scan3A_998 = arith.constant 0 : i32
      scf.yield %scan3A_998 : i32
    }
    %scan3A_246 = arith.constant 72 : i32
    %get3A_247 = arith.constant 4 : i32
    %get3A_248 = arith.constant 0 : i32
    %get3A_249 = arith.index_cast %get3A_247 : i32 to index
    %get3A_250 = arith.index_cast %get3A_248 : i32 to index
    %get3A_251 = arith.constant 0 : index
    %get3A_252 = tpu.vector_load %arg13[%get3A_249, %get3A_250, %get3A_251] {strides = array<i32>} : memref<17x4x16xi32, #tpu.memory_space<vmem>>, vector<16xi32>,
    %get3A_253 = arith.constant 4 : i32
    %get3A_254 = arith.constant 1 : i32
    %get3A_255 = arith.index_cast %get3A_253 : i32 to index
    %get3A_256 = arith.index_cast %get3A_254 : i32 to index
    %get3A_257 = arith.constant 0 : index
    %get3A_258 = tpu.vector_load %arg13[%get3A_255, %get3A_256, %get3A_257] {strides = array<i32>} : memref<17x4x16xi32, #tpu.memory_space<vmem>>, vector<16xi32>,
    %get3A_259 = arith.constant 4 : i32
    %get3A_260 = arith.constant 2 : i32
    %get3A_261 = arith.index_cast %get3A_259 : i32 to index
    %get3A_262 = arith.index_cast %get3A_260 : i32 to index
    %get3A_263 = arith.constant 0 : index
    %get3A_264 = tpu.vector_load %arg13[%get3A_261, %get3A_262, %get3A_263] {strides = array<i32>} : memref<17x4x16xi32, #tpu.memory_space<vmem>>, vector<16xi32>,
    %get3A_265 = arith.constant 4 : i32
    %get3A_266 = arith.constant 3 : i32
    %get3A_267 = arith.index_cast %get3A_265 : i32 to index
    %get3A_268 = arith.index_cast %get3A_266 : i32 to index
    %get3A_269 = arith.constant 0 : index
    %get3A_270 = tpu.vector_load %arg13[%get3A_267, %get3A_268, %get3A_269] {strides = array<i32>} : memref<17x4x16xi32, #tpu.memory_space<vmem>>, vector<16xi32>,
    %get3A_271 = arith.constant 4 : i32
    %get3A_272 = arith.constant 0 : i32
    %get3A_273 = arith.index_cast %get3A_271 : i32 to index
    %get3A_274 = arith.index_cast %get3A_272 : i32 to index
    %get3A_275 = arith.constant 0 : index
    %get3A_276 = tpu.vector_load %arg14[%get3A_273, %get3A_274, %get3A_275] {strides = array<i32>} : memref<17x4x16xf32, #tpu.memory_space<vmem>>, vector<16xf32>,
    %get3A_277 = arith.constant 4 : i32
    %get3A_278 = arith.constant 1 : i32
    %get3A_279 = arith.index_cast %get3A_277 : i32 to index
    %get3A_280 = arith.index_cast %get3A_278 : i32 to index
    %get3A_281 = arith.constant 0 : index
    %get3A_282 = tpu.vector_load %arg14[%get3A_279, %get3A_280, %get3A_281] {strides = array<i32>} : memref<17x4x16xf32, #tpu.memory_space<vmem>>, vector<16xf32>,
    %get3A_283 = arith.constant 4 : i32
    %get3A_284 = arith.constant 2 : i32
    %get3A_285 = arith.index_cast %get3A_283 : i32 to index
    %get3A_286 = arith.index_cast %get3A_284 : i32 to index
    %get3A_287 = arith.constant 0 : index
    %get3A_288 = tpu.vector_load %arg14[%get3A_285, %get3A_286, %get3A_287] {strides = array<i32>} : memref<17x4x16xf32, #tpu.memory_space<vmem>>, vector<16xf32>,
    %get3A_289 = arith.constant 4 : i32
    %get3A_290 = arith.constant 3 : i32
    %get3A_291 = arith.index_cast %get3A_289 : i32 to index
    %get3A_292 = arith.index_cast %get3A_290 : i32 to index
    %get3A_293 = arith.constant 0 : index
    %get3A_294 = tpu.vector_load %arg14[%get3A_291, %get3A_292, %get3A_293] {strides = array<i32>} : memref<17x4x16xf32, #tpu.memory_space<vmem>>, vector<16xf32>,
    %scan3A_295 = arith.constant 0 : i32
    %scan3A_296 = arith.constant 0 : i32
    %scan3A_297 = arith.constant 72 : i32
    %scan3A_298 = arith.addi %scan3A_296, %scan3A_297 : i32
    %scan3A_299 = arith.constant 1 : i32
    %scan3A_300 = scf.for %scan3A_971 = %scan3A_296 to %scan3A_298 step %scan3A_299 iter_args(%scan3A_972 = %scan3A_295) -> (i32)  : i32 {
      %mul3A_973 = arith.constant 456 : i32
      %mul3A_974 = arith.muli %scan3A_971, %mul3A_973 : i32
      %add3A_975 = vector.broadcast %mul3A_974 : i32 to vector<16xi32>
      %add3A_976 = arith.addi %get3A_252, %add3A_975 : vector<16xi32>
      %gather3A = tpu.vector_load_idx %arg8[%add3A_976] : memref<32832xf32, #tpu.memory_space<vmem>>[vector<16xi32>], vector<16xf32>,
      %mul3A_977 = arith.mulf %gather3A, %get3A_276 : vector<16xf32>
      %add3A_978 = vector.broadcast %mul3A_974 : i32 to vector<16xi32>
      %add3A_979 = arith.addi %get3A_258, %add3A_978 : vector<16xi32>
      %gather3A_980 = tpu.vector_load_idx %arg8[%add3A_979] : memref<32832xf32, #tpu.memory_space<vmem>>[vector<16xi32>], vector<16xf32>,
      %mul3A_981 = arith.mulf %gather3A_980, %get3A_282 : vector<16xf32>
      %add3A_982 = arith.addf %mul3A_977, %mul3A_981 : vector<16xf32>
      %add3A_983 = vector.broadcast %mul3A_974 : i32 to vector<16xi32>
      %add3A_984 = arith.addi %get3A_264, %add3A_983 : vector<16xi32>
      %gather3A_985 = tpu.vector_load_idx %arg8[%add3A_984] : memref<32832xf32, #tpu.memory_space<vmem>>[vector<16xi32>], vector<16xf32>,
      %mul3A_986 = arith.mulf %gather3A_985, %get3A_288 : vector<16xf32>
      %add3A_987 = arith.addf %add3A_982, %mul3A_986 : vector<16xf32>
      %add3A_988 = vector.broadcast %mul3A_974 : i32 to vector<16xi32>
      %add3A_989 = arith.addi %get3A_270, %add3A_988 : vector<16xi32>
      %gather3A_990 = tpu.vector_load_idx %arg8[%add3A_989] : memref<32832xf32, #tpu.memory_space<vmem>>[vector<16xi32>], vector<16xf32>,
      %mul3A_991 = arith.mulf %gather3A_990, %get3A_294 : vector<16xf32>
      %add3A_992 = arith.addf %add3A_987, %mul3A_991 : vector<16xf32>
      %mul3A_993 = arith.constant 272 : i32
      %mul3A_994 = arith.muli %scan3A_971, %mul3A_993 : i32
      %add3A_995 = arith.constant 64 : i32
      %add3A_996 = arith.addi %mul3A_994, %add3A_995 : i32
      %swap3A = arith.index_cast %add3A_996 : i32 to index
      %swap3A_997 = tpu.vector_load %arg9[%swap3A] {strides = array<i32>} : memref<19584xf32, #tpu.memory_space<vmem>>, vector<16xf32>,
      tpu.vector_store %arg9[%swap3A], %add3A_992 {strides = array<i32>} : memref<19584xf32, #tpu.memory_space<vmem>>, vector<16xf32>,
      %scan3A_998 = arith.constant 0 : i32
      scf.yield %scan3A_998 : i32
    }
    %scan3A_301 = arith.constant 72 : i32
    %get3A_302 = arith.constant 5 : i32
    %get3A_303 = arith.constant 0 : i32
    %get3A_304 = arith.index_cast %get3A_302 : i32 to index
    %get3A_305 = arith.index_cast %get3A_303 : i32 to index
    %get3A_306 = arith.constant 0 : index
    %get3A_307 = tpu.vector_load %arg13[%get3A_304, %get3A_305, %get3A_306] {strides = array<i32>} : memref<17x4x16xi32, #tpu.memory_space<vmem>>, vector<16xi32>,
    %get3A_308 = arith.constant 5 : i32
    %get3A_309 = arith.constant 1 : i32
    %get3A_310 = arith.index_cast %get3A_308 : i32 to index
    %get3A_311 = arith.index_cast %get3A_309 : i32 to index
    %get3A_312 = arith.constant 0 : index
    %get3A_313 = tpu.vector_load %arg13[%get3A_310, %get3A_311, %get3A_312] {strides = array<i32>} : memref<17x4x16xi32, #tpu.memory_space<vmem>>, vector<16xi32>,
    %get3A_314 = arith.constant 5 : i32
    %get3A_315 = arith.constant 2 : i32
    %get3A_316 = arith.index_cast %get3A_314 : i32 to index
    %get3A_317 = arith.index_cast %get3A_315 : i32 to index
    %get3A_318 = arith.constant 0 : index
    %get3A_319 = tpu.vector_load %arg13[%get3A_316, %get3A_317, %get3A_318] {strides = array<i32>} : memref<17x4x16xi32, #tpu.memory_space<vmem>>, vector<16xi32>,
    %get3A_320 = arith.constant 5 : i32
    %get3A_321 = arith.constant 3 : i32
    %get3A_322 = arith.index_cast %get3A_320 : i32 to index
    %get3A_323 = arith.index_cast %get3A_321 : i32 to index
    %get3A_324 = arith.constant 0 : index
    %get3A_325 = tpu.vector_load %arg13[%get3A_322, %get3A_323, %get3A_324] {strides = array<i32>} : memref<17x4x16xi32, #tpu.memory_space<vmem>>, vector<16xi32>,
    %get3A_326 = arith.constant 5 : i32
    %get3A_327 = arith.constant 0 : i32
    %get3A_328 = arith.index_cast %get3A_326 : i32 to index
    %get3A_329 = arith.index_cast %get3A_327 : i32 to index
    %get3A_330 = arith.constant 0 : index
    %get3A_331 = tpu.vector_load %arg14[%get3A_328, %get3A_329, %get3A_330] {strides = array<i32>} : memref<17x4x16xf32, #tpu.memory_space<vmem>>, vector<16xf32>,
    %get3A_332 = arith.constant 5 : i32
    %get3A_333 = arith.constant 1 : i32
    %get3A_334 = arith.index_cast %get3A_332 : i32 to index
    %get3A_335 = arith.index_cast %get3A_333 : i32 to index
    %get3A_336 = arith.constant 0 : index
    %get3A_337 = tpu.vector_load %arg14[%get3A_334, %get3A_335, %get3A_336] {strides = array<i32>} : memref<17x4x16xf32, #tpu.memory_space<vmem>>, vector<16xf32>,
    %get3A_338 = arith.constant 5 : i32
    %get3A_339 = arith.constant 2 : i32
    %get3A_340 = arith.index_cast %get3A_338 : i32 to index
    %get3A_341 = arith.index_cast %get3A_339 : i32 to index
    %get3A_342 = arith.constant 0 : index
    %get3A_343 = tpu.vector_load %arg14[%get3A_340, %get3A_341, %get3A_342] {strides = array<i32>} : memref<17x4x16xf32, #tpu.memory_space<vmem>>, vector<16xf32>,
    %get3A_344 = arith.constant 5 : i32
    %get3A_345 = arith.constant 3 : i32
    %get3A_346 = arith.index_cast %get3A_344 : i32 to index
    %get3A_347 = arith.index_cast %get3A_345 : i32 to index
    %get3A_348 = arith.constant 0 : index
    %get3A_349 = tpu.vector_load %arg14[%get3A_346, %get3A_347, %get3A_348] {strides = array<i32>} : memref<17x4x16xf32, #tpu.memory_space<vmem>>, vector<16xf32>,
    %scan3A_350 = arith.constant 0 : i32
    %scan3A_351 = arith.constant 0 : i32
    %scan3A_352 = arith.constant 72 : i32
    %scan3A_353 = arith.addi %scan3A_351, %scan3A_352 : i32
    %scan3A_354 = arith.constant 1 : i32
    %scan3A_355 = scf.for %scan3A_971 = %scan3A_351 to %scan3A_353 step %scan3A_354 iter_args(%scan3A_972 = %scan3A_350) -> (i32)  : i32 {
      %mul3A_973 = arith.constant 456 : i32
      %mul3A_974 = arith.muli %scan3A_971, %mul3A_973 : i32
      %add3A_975 = vector.broadcast %mul3A_974 : i32 to vector<16xi32>
      %add3A_976 = arith.addi %get3A_307, %add3A_975 : vector<16xi32>
      %gather3A = tpu.vector_load_idx %arg8[%add3A_976] : memref<32832xf32, #tpu.memory_space<vmem>>[vector<16xi32>], vector<16xf32>,
      %mul3A_977 = arith.mulf %gather3A, %get3A_331 : vector<16xf32>
      %add3A_978 = vector.broadcast %mul3A_974 : i32 to vector<16xi32>
      %add3A_979 = arith.addi %get3A_313, %add3A_978 : vector<16xi32>
      %gather3A_980 = tpu.vector_load_idx %arg8[%add3A_979] : memref<32832xf32, #tpu.memory_space<vmem>>[vector<16xi32>], vector<16xf32>,
      %mul3A_981 = arith.mulf %gather3A_980, %get3A_337 : vector<16xf32>
      %add3A_982 = arith.addf %mul3A_977, %mul3A_981 : vector<16xf32>
      %add3A_983 = vector.broadcast %mul3A_974 : i32 to vector<16xi32>
      %add3A_984 = arith.addi %get3A_319, %add3A_983 : vector<16xi32>
      %gather3A_985 = tpu.vector_load_idx %arg8[%add3A_984] : memref<32832xf32, #tpu.memory_space<vmem>>[vector<16xi32>], vector<16xf32>,
      %mul3A_986 = arith.mulf %gather3A_985, %get3A_343 : vector<16xf32>
      %add3A_987 = arith.addf %add3A_982, %mul3A_986 : vector<16xf32>
      %add3A_988 = vector.broadcast %mul3A_974 : i32 to vector<16xi32>
      %add3A_989 = arith.addi %get3A_325, %add3A_988 : vector<16xi32>
      %gather3A_990 = tpu.vector_load_idx %arg8[%add3A_989] : memref<32832xf32, #tpu.memory_space<vmem>>[vector<16xi32>], vector<16xf32>,
      %mul3A_991 = arith.mulf %gather3A_990, %get3A_349 : vector<16xf32>
      %add3A_992 = arith.addf %add3A_987, %mul3A_991 : vector<16xf32>
      %mul3A_993 = arith.constant 272 : i32
      %mul3A_994 = arith.muli %scan3A_971, %mul3A_993 : i32
      %add3A_995 = arith.constant 80 : i32
      %add3A_996 = arith.addi %mul3A_994, %add3A_995 : i32
      %swap3A = arith.index_cast %add3A_996 : i32 to index
      %swap3A_997 = tpu.vector_load %arg9[%swap3A] {strides = array<i32>} : memref<19584xf32, #tpu.memory_space<vmem>>, vector<16xf32>,
      tpu.vector_store %arg9[%swap3A], %add3A_992 {strides = array<i32>} : memref<19584xf32, #tpu.memory_space<vmem>>, vector<16xf32>,
      %scan3A_998 = arith.constant 0 : i32
      scf.yield %scan3A_998 : i32
    }
    %scan3A_356 = arith.constant 72 : i32
    %get3A_357 = arith.constant 6 : i32
    %get3A_358 = arith.constant 0 : i32
    %get3A_359 = arith.index_cast %get3A_357 : i32 to index
    %get3A_360 = arith.index_cast %get3A_358 : i32 to index
    %get3A_361 = arith.constant 0 : index
    %get3A_362 = tpu.vector_load %arg13[%get3A_359, %get3A_360, %get3A_361] {strides = array<i32>} : memref<17x4x16xi32, #tpu.memory_space<vmem>>, vector<16xi32>,
    %get3A_363 = arith.constant 6 : i32
    %get3A_364 = arith.constant 1 : i32
    %get3A_365 = arith.index_cast %get3A_363 : i32 to index
    %get3A_366 = arith.index_cast %get3A_364 : i32 to index
    %get3A_367 = arith.constant 0 : index
    %get3A_368 = tpu.vector_load %arg13[%get3A_365, %get3A_366, %get3A_367] {strides = array<i32>} : memref<17x4x16xi32, #tpu.memory_space<vmem>>, vector<16xi32>,
    %get3A_369 = arith.constant 6 : i32
    %get3A_370 = arith.constant 2 : i32
    %get3A_371 = arith.index_cast %get3A_369 : i32 to index
    %get3A_372 = arith.index_cast %get3A_370 : i32 to index
    %get3A_373 = arith.constant 0 : index
    %get3A_374 = tpu.vector_load %arg13[%get3A_371, %get3A_372, %get3A_373] {strides = array<i32>} : memref<17x4x16xi32, #tpu.memory_space<vmem>>, vector<16xi32>,
    %get3A_375 = arith.constant 6 : i32
    %get3A_376 = arith.constant 3 : i32
    %get3A_377 = arith.index_cast %get3A_375 : i32 to index
    %get3A_378 = arith.index_cast %get3A_376 : i32 to index
    %get3A_379 = arith.constant 0 : index
    %get3A_380 = tpu.vector_load %arg13[%get3A_377, %get3A_378, %get3A_379] {strides = array<i32>} : memref<17x4x16xi32, #tpu.memory_space<vmem>>, vector<16xi32>,
    %get3A_381 = arith.constant 6 : i32
    %get3A_382 = arith.constant 0 : i32
    %get3A_383 = arith.index_cast %get3A_381 : i32 to index
    %get3A_384 = arith.index_cast %get3A_382 : i32 to index
    %get3A_385 = arith.constant 0 : index
    %get3A_386 = tpu.vector_load %arg14[%get3A_383, %get3A_384, %get3A_385] {strides = array<i32>} : memref<17x4x16xf32, #tpu.memory_space<vmem>>, vector<16xf32>,
    %get3A_387 = arith.constant 6 : i32
    %get3A_388 = arith.constant 1 : i32
    %get3A_389 = arith.index_cast %get3A_387 : i32 to index
    %get3A_390 = arith.index_cast %get3A_388 : i32 to index
    %get3A_391 = arith.constant 0 : index
    %get3A_392 = tpu.vector_load %arg14[%get3A_389, %get3A_390, %get3A_391] {strides = array<i32>} : memref<17x4x16xf32, #tpu.memory_space<vmem>>, vector<16xf32>,
    %get3A_393 = arith.constant 6 : i32
    %get3A_394 = arith.constant 2 : i32
    %get3A_395 = arith.index_cast %get3A_393 : i32 to index
    %get3A_396 = arith.index_cast %get3A_394 : i32 to index
    %get3A_397 = arith.constant 0 : index
    %get3A_398 = tpu.vector_load %arg14[%get3A_395, %get3A_396, %get3A_397] {strides = array<i32>} : memref<17x4x16xf32, #tpu.memory_space<vmem>>, vector<16xf32>,
    %get3A_399 = arith.constant 6 : i32
    %get3A_400 = arith.constant 3 : i32
    %get3A_401 = arith.index_cast %get3A_399 : i32 to index
    %get3A_402 = arith.index_cast %get3A_400 : i32 to index
    %get3A_403 = arith.constant 0 : index
    %get3A_404 = tpu.vector_load %arg14[%get3A_401, %get3A_402, %get3A_403] {strides = array<i32>} : memref<17x4x16xf32, #tpu.memory_space<vmem>>, vector<16xf32>,
    %scan3A_405 = arith.constant 0 : i32
    %scan3A_406 = arith.constant 0 : i32
    %scan3A_407 = arith.constant 72 : i32
    %scan3A_408 = arith.addi %scan3A_406, %scan3A_407 : i32
    %scan3A_409 = arith.constant 1 : i32
    %scan3A_410 = scf.for %scan3A_971 = %scan3A_406 to %scan3A_408 step %scan3A_409 iter_args(%scan3A_972 = %scan3A_405) -> (i32)  : i32 {
      %mul3A_973 = arith.constant 456 : i32
      %mul3A_974 = arith.muli %scan3A_971, %mul3A_973 : i32
      %add3A_975 = vector.broadcast %mul3A_974 : i32 to vector<16xi32>
      %add3A_976 = arith.addi %get3A_362, %add3A_975 : vector<16xi32>
      %gather3A = tpu.vector_load_idx %arg8[%add3A_976] : memref<32832xf32, #tpu.memory_space<vmem>>[vector<16xi32>], vector<16xf32>,
      %mul3A_977 = arith.mulf %gather3A, %get3A_386 : vector<16xf32>
      %add3A_978 = vector.broadcast %mul3A_974 : i32 to vector<16xi32>
      %add3A_979 = arith.addi %get3A_368, %add3A_978 : vector<16xi32>
      %gather3A_980 = tpu.vector_load_idx %arg8[%add3A_979] : memref<32832xf32, #tpu.memory_space<vmem>>[vector<16xi32>], vector<16xf32>,
      %mul3A_981 = arith.mulf %gather3A_980, %get3A_392 : vector<16xf32>
      %add3A_982 = arith.addf %mul3A_977, %mul3A_981 : vector<16xf32>
      %add3A_983 = vector.broadcast %mul3A_974 : i32 to vector<16xi32>
      %add3A_984 = arith.addi %get3A_374, %add3A_983 : vector<16xi32>
      %gather3A_985 = tpu.vector_load_idx %arg8[%add3A_984] : memref<32832xf32, #tpu.memory_space<vmem>>[vector<16xi32>], vector<16xf32>,
      %mul3A_986 = arith.mulf %gather3A_985, %get3A_398 : vector<16xf32>
      %add3A_987 = arith.addf %add3A_982, %mul3A_986 : vector<16xf32>
      %add3A_988 = vector.broadcast %mul3A_974 : i32 to vector<16xi32>
      %add3A_989 = arith.addi %get3A_380, %add3A_988 : vector<16xi32>
      %gather3A_990 = tpu.vector_load_idx %arg8[%add3A_989] : memref<32832xf32, #tpu.memory_space<vmem>>[vector<16xi32>], vector<16xf32>,
      %mul3A_991 = arith.mulf %gather3A_990, %get3A_404 : vector<16xf32>
      %add3A_992 = arith.addf %add3A_987, %mul3A_991 : vector<16xf32>
      %mul3A_993 = arith.constant 272 : i32
      %mul3A_994 = arith.muli %scan3A_971, %mul3A_993 : i32
      %add3A_995 = arith.constant 96 : i32
      %add3A_996 = arith.addi %mul3A_994, %add3A_995 : i32
      %swap3A = arith.index_cast %add3A_996 : i32 to index
      %swap3A_997 = tpu.vector_load %arg9[%swap3A] {strides = array<i32>} : memref<19584xf32, #tpu.memory_space<vmem>>, vector<16xf32>,
      tpu.vector_store %arg9[%swap3A], %add3A_992 {strides = array<i32>} : memref<19584xf32, #tpu.memory_space<vmem>>, vector<16xf32>,
      %scan3A_998 = arith.constant 0 : i32
      scf.yield %scan3A_998 : i32
    }
    %scan3A_411 = arith.constant 72 : i32
    %get3A_412 = arith.constant 7 : i32
    %get3A_413 = arith.constant 0 : i32
    %get3A_414 = arith.index_cast %get3A_412 : i32 to index
    %get3A_415 = arith.index_cast %get3A_413 : i32 to index
    %get3A_416 = arith.constant 0 : index
    %get3A_417 = tpu.vector_load %arg13[%get3A_414, %get3A_415, %get3A_416] {strides = array<i32>} : memref<17x4x16xi32, #tpu.memory_space<vmem>>, vector<16xi32>,
    %get3A_418 = arith.constant 7 : i32
    %get3A_419 = arith.constant 1 : i32
    %get3A_420 = arith.index_cast %get3A_418 : i32 to index
    %get3A_421 = arith.index_cast %get3A_419 : i32 to index
    %get3A_422 = arith.constant 0 : index
    %get3A_423 = tpu.vector_load %arg13[%get3A_420, %get3A_421, %get3A_422] {strides = array<i32>} : memref<17x4x16xi32, #tpu.memory_space<vmem>>, vector<16xi32>,
    %get3A_424 = arith.constant 7 : i32
    %get3A_425 = arith.constant 2 : i32
    %get3A_426 = arith.index_cast %get3A_424 : i32 to index
    %get3A_427 = arith.index_cast %get3A_425 : i32 to index
    %get3A_428 = arith.constant 0 : index
    %get3A_429 = tpu.vector_load %arg13[%get3A_426, %get3A_427, %get3A_428] {strides = array<i32>} : memref<17x4x16xi32, #tpu.memory_space<vmem>>, vector<16xi32>,
    %get3A_430 = arith.constant 7 : i32
    %get3A_431 = arith.constant 3 : i32
    %get3A_432 = arith.index_cast %get3A_430 : i32 to index
    %get3A_433 = arith.index_cast %get3A_431 : i32 to index
    %get3A_434 = arith.constant 0 : index
    %get3A_435 = tpu.vector_load %arg13[%get3A_432, %get3A_433, %get3A_434] {strides = array<i32>} : memref<17x4x16xi32, #tpu.memory_space<vmem>>, vector<16xi32>,
    %get3A_436 = arith.constant 7 : i32
    %get3A_437 = arith.constant 0 : i32
    %get3A_438 = arith.index_cast %get3A_436 : i32 to index
    %get3A_439 = arith.index_cast %get3A_437 : i32 to index
    %get3A_440 = arith.constant 0 : index
    %get3A_441 = tpu.vector_load %arg14[%get3A_438, %get3A_439, %get3A_440] {strides = array<i32>} : memref<17x4x16xf32, #tpu.memory_space<vmem>>, vector<16xf32>,
    %get3A_442 = arith.constant 7 : i32
    %get3A_443 = arith.constant 1 : i32
    %get3A_444 = arith.index_cast %get3A_442 : i32 to index
    %get3A_445 = arith.index_cast %get3A_443 : i32 to index
    %get3A_446 = arith.constant 0 : index
    %get3A_447 = tpu.vector_load %arg14[%get3A_444, %get3A_445, %get3A_446] {strides = array<i32>} : memref<17x4x16xf32, #tpu.memory_space<vmem>>, vector<16xf32>,
    %get3A_448 = arith.constant 7 : i32
    %get3A_449 = arith.constant 2 : i32
    %get3A_450 = arith.index_cast %get3A_448 : i32 to index
    %get3A_451 = arith.index_cast %get3A_449 : i32 to index
    %get3A_452 = arith.constant 0 : index
    %get3A_453 = tpu.vector_load %arg14[%get3A_450, %get3A_451, %get3A_452] {strides = array<i32>} : memref<17x4x16xf32, #tpu.memory_space<vmem>>, vector<16xf32>,
    %get3A_454 = arith.constant 7 : i32
    %get3A_455 = arith.constant 3 : i32
    %get3A_456 = arith.index_cast %get3A_454 : i32 to index
    %get3A_457 = arith.index_cast %get3A_455 : i32 to index
    %get3A_458 = arith.constant 0 : index
    %get3A_459 = tpu.vector_load %arg14[%get3A_456, %get3A_457, %get3A_458] {strides = array<i32>} : memref<17x4x16xf32, #tpu.memory_space<vmem>>, vector<16xf32>,
    %scan3A_460 = arith.constant 0 : i32
    %scan3A_461 = arith.constant 0 : i32
    %scan3A_462 = arith.constant 72 : i32
    %scan3A_463 = arith.addi %scan3A_461, %scan3A_462 : i32
    %scan3A_464 = arith.constant 1 : i32
    %scan3A_465 = scf.for %scan3A_971 = %scan3A_461 to %scan3A_463 step %scan3A_464 iter_args(%scan3A_972 = %scan3A_460) -> (i32)  : i32 {
      %mul3A_973 = arith.constant 456 : i32
      %mul3A_974 = arith.muli %scan3A_971, %mul3A_973 : i32
      %add3A_975 = vector.broadcast %mul3A_974 : i32 to vector<16xi32>
      %add3A_976 = arith.addi %get3A_417, %add3A_975 : vector<16xi32>
      %gather3A = tpu.vector_load_idx %arg8[%add3A_976] : memref<32832xf32, #tpu.memory_space<vmem>>[vector<16xi32>], vector<16xf32>,
      %mul3A_977 = arith.mulf %gather3A, %get3A_441 : vector<16xf32>
      %add3A_978 = vector.broadcast %mul3A_974 : i32 to vector<16xi32>
      %add3A_979 = arith.addi %get3A_423, %add3A_978 : vector<16xi32>
      %gather3A_980 = tpu.vector_load_idx %arg8[%add3A_979] : memref<32832xf32, #tpu.memory_space<vmem>>[vector<16xi32>], vector<16xf32>,
      %mul3A_981 = arith.mulf %gather3A_980, %get3A_447 : vector<16xf32>
      %add3A_982 = arith.addf %mul3A_977, %mul3A_981 : vector<16xf32>
      %add3A_983 = vector.broadcast %mul3A_974 : i32 to vector<16xi32>
      %add3A_984 = arith.addi %get3A_429, %add3A_983 : vector<16xi32>
      %gather3A_985 = tpu.vector_load_idx %arg8[%add3A_984] : memref<32832xf32, #tpu.memory_space<vmem>>[vector<16xi32>], vector<16xf32>,
      %mul3A_986 = arith.mulf %gather3A_985, %get3A_453 : vector<16xf32>
      %add3A_987 = arith.addf %add3A_982, %mul3A_986 : vector<16xf32>
      %add3A_988 = vector.broadcast %mul3A_974 : i32 to vector<16xi32>
      %add3A_989 = arith.addi %get3A_435, %add3A_988 : vector<16xi32>
      %gather3A_990 = tpu.vector_load_idx %arg8[%add3A_989] : memref<32832xf32, #tpu.memory_space<vmem>>[vector<16xi32>], vector<16xf32>,
      %mul3A_991 = arith.mulf %gather3A_990, %get3A_459 : vector<16xf32>
      %add3A_992 = arith.addf %add3A_987, %mul3A_991 : vector<16xf32>
      %mul3A_993 = arith.constant 272 : i32
      %mul3A_994 = arith.muli %scan3A_971, %mul3A_993 : i32
      %add3A_995 = arith.constant 112 : i32
      %add3A_996 = arith.addi %mul3A_994, %add3A_995 : i32
      %swap3A = arith.index_cast %add3A_996 : i32 to index
      %swap3A_997 = tpu.vector_load %arg9[%swap3A] {strides = array<i32>} : memref<19584xf32, #tpu.memory_space<vmem>>, vector<16xf32>,
      tpu.vector_store %arg9[%swap3A], %add3A_992 {strides = array<i32>} : memref<19584xf32, #tpu.memory_space<vmem>>, vector<16xf32>,
      %scan3A_998 = arith.constant 0 : i32
      scf.yield %scan3A_998 : i32
    }
    %scan3A_466 = arith.constant 72 : i32
    %get3A_467 = arith.constant 8 : i32
    %get3A_468 = arith.constant 0 : i32
    %get3A_469 = arith.index_cast %get3A_467 : i32 to index
    %get3A_470 = arith.index_cast %get3A_468 : i32 to index
    %get3A_471 = arith.constant 0 : index
    %get3A_472 = tpu.vector_load %arg13[%get3A_469, %get3A_470, %get3A_471] {strides = array<i32>} : memref<17x4x16xi32, #tpu.memory_space<vmem>>, vector<16xi32>,
    %get3A_473 = arith.constant 8 : i32
    %get3A_474 = arith.constant 1 : i32
    %get3A_475 = arith.index_cast %get3A_473 : i32 to index
    %get3A_476 = arith.index_cast %get3A_474 : i32 to index
    %get3A_477 = arith.constant 0 : index
    %get3A_478 = tpu.vector_load %arg13[%get3A_475, %get3A_476, %get3A_477] {strides = array<i32>} : memref<17x4x16xi32, #tpu.memory_space<vmem>>, vector<16xi32>,
    %get3A_479 = arith.constant 8 : i32
    %get3A_480 = arith.constant 2 : i32
    %get3A_481 = arith.index_cast %get3A_479 : i32 to index
    %get3A_482 = arith.index_cast %get3A_480 : i32 to index
    %get3A_483 = arith.constant 0 : index
    %get3A_484 = tpu.vector_load %arg13[%get3A_481, %get3A_482, %get3A_483] {strides = array<i32>} : memref<17x4x16xi32, #tpu.memory_space<vmem>>, vector<16xi32>,
    %get3A_485 = arith.constant 8 : i32
    %get3A_486 = arith.constant 3 : i32
    %get3A_487 = arith.index_cast %get3A_485 : i32 to index
    %get3A_488 = arith.index_cast %get3A_486 : i32 to index
    %get3A_489 = arith.constant 0 : index
    %get3A_490 = tpu.vector_load %arg13[%get3A_487, %get3A_488, %get3A_489] {strides = array<i32>} : memref<17x4x16xi32, #tpu.memory_space<vmem>>, vector<16xi32>,
    %get3A_491 = arith.constant 8 : i32
    %get3A_492 = arith.constant 0 : i32
    %get3A_493 = arith.index_cast %get3A_491 : i32 to index
    %get3A_494 = arith.index_cast %get3A_492 : i32 to index
    %get3A_495 = arith.constant 0 : index
    %get3A_496 = tpu.vector_load %arg14[%get3A_493, %get3A_494, %get3A_495] {strides = array<i32>} : memref<17x4x16xf32, #tpu.memory_space<vmem>>, vector<16xf32>,
    %get3A_497 = arith.constant 8 : i32
    %get3A_498 = arith.constant 1 : i32
    %get3A_499 = arith.index_cast %get3A_497 : i32 to index
    %get3A_500 = arith.index_cast %get3A_498 : i32 to index
    %get3A_501 = arith.constant 0 : index
    %get3A_502 = tpu.vector_load %arg14[%get3A_499, %get3A_500, %get3A_501] {strides = array<i32>} : memref<17x4x16xf32, #tpu.memory_space<vmem>>, vector<16xf32>,
    %get3A_503 = arith.constant 8 : i32
    %get3A_504 = arith.constant 2 : i32
    %get3A_505 = arith.index_cast %get3A_503 : i32 to index
    %get3A_506 = arith.index_cast %get3A_504 : i32 to index
    %get3A_507 = arith.constant 0 : index
    %get3A_508 = tpu.vector_load %arg14[%get3A_505, %get3A_506, %get3A_507] {strides = array<i32>} : memref<17x4x16xf32, #tpu.memory_space<vmem>>, vector<16xf32>,
    %get3A_509 = arith.constant 8 : i32
    %get3A_510 = arith.constant 3 : i32
    %get3A_511 = arith.index_cast %get3A_509 : i32 to index
    %get3A_512 = arith.index_cast %get3A_510 : i32 to index
    %get3A_513 = arith.constant 0 : index
    %get3A_514 = tpu.vector_load %arg14[%get3A_511, %get3A_512, %get3A_513] {strides = array<i32>} : memref<17x4x16xf32, #tpu.memory_space<vmem>>, vector<16xf32>,
    %scan3A_515 = arith.constant 0 : i32
    %scan3A_516 = arith.constant 0 : i32
    %scan3A_517 = arith.constant 72 : i32
    %scan3A_518 = arith.addi %scan3A_516, %scan3A_517 : i32
    %scan3A_519 = arith.constant 1 : i32
    %scan3A_520 = scf.for %scan3A_971 = %scan3A_516 to %scan3A_518 step %scan3A_519 iter_args(%scan3A_972 = %scan3A_515) -> (i32)  : i32 {
      %mul3A_973 = arith.constant 456 : i32
      %mul3A_974 = arith.muli %scan3A_971, %mul3A_973 : i32
      %add3A_975 = vector.broadcast %mul3A_974 : i32 to vector<16xi32>
      %add3A_976 = arith.addi %get3A_472, %add3A_975 : vector<16xi32>
      %gather3A = tpu.vector_load_idx %arg8[%add3A_976] : memref<32832xf32, #tpu.memory_space<vmem>>[vector<16xi32>], vector<16xf32>,
      %mul3A_977 = arith.mulf %gather3A, %get3A_496 : vector<16xf32>
      %add3A_978 = vector.broadcast %mul3A_974 : i32 to vector<16xi32>
      %add3A_979 = arith.addi %get3A_478, %add3A_978 : vector<16xi32>
      %gather3A_980 = tpu.vector_load_idx %arg8[%add3A_979] : memref<32832xf32, #tpu.memory_space<vmem>>[vector<16xi32>], vector<16xf32>,
      %mul3A_981 = arith.mulf %gather3A_980, %get3A_502 : vector<16xf32>
      %add3A_982 = arith.addf %mul3A_977, %mul3A_981 : vector<16xf32>
      %add3A_983 = vector.broadcast %mul3A_974 : i32 to vector<16xi32>
      %add3A_984 = arith.addi %get3A_484, %add3A_983 : vector<16xi32>
      %gather3A_985 = tpu.vector_load_idx %arg8[%add3A_984] : memref<32832xf32, #tpu.memory_space<vmem>>[vector<16xi32>], vector<16xf32>,
      %mul3A_986 = arith.mulf %gather3A_985, %get3A_508 : vector<16xf32>
      %add3A_987 = arith.addf %add3A_982, %mul3A_986 : vector<16xf32>
      %add3A_988 = vector.broadcast %mul3A_974 : i32 to vector<16xi32>
      %add3A_989 = arith.addi %get3A_490, %add3A_988 : vector<16xi32>
      %gather3A_990 = tpu.vector_load_idx %arg8[%add3A_989] : memref<32832xf32, #tpu.memory_space<vmem>>[vector<16xi32>], vector<16xf32>,
      %mul3A_991 = arith.mulf %gather3A_990, %get3A_514 : vector<16xf32>
      %add3A_992 = arith.addf %add3A_987, %mul3A_991 : vector<16xf32>
      %mul3A_993 = arith.constant 272 : i32
      %mul3A_994 = arith.muli %scan3A_971, %mul3A_993 : i32
      %add3A_995 = arith.constant 128 : i32
      %add3A_996 = arith.addi %mul3A_994, %add3A_995 : i32
      %swap3A = arith.index_cast %add3A_996 : i32 to index
      %swap3A_997 = tpu.vector_load %arg9[%swap3A] {strides = array<i32>} : memref<19584xf32, #tpu.memory_space<vmem>>, vector<16xf32>,
      tpu.vector_store %arg9[%swap3A], %add3A_992 {strides = array<i32>} : memref<19584xf32, #tpu.memory_space<vmem>>, vector<16xf32>,
      %scan3A_998 = arith.constant 0 : i32
      scf.yield %scan3A_998 : i32
    }
    %scan3A_521 = arith.constant 72 : i32
    %get3A_522 = arith.constant 9 : i32
    %get3A_523 = arith.constant 0 : i32
    %get3A_524 = arith.index_cast %get3A_522 : i32 to index
    %get3A_525 = arith.index_cast %get3A_523 : i32 to index
    %get3A_526 = arith.constant 0 : index
    %get3A_527 = tpu.vector_load %arg13[%get3A_524, %get3A_525, %get3A_526] {strides = array<i32>} : memref<17x4x16xi32, #tpu.memory_space<vmem>>, vector<16xi32>,
    %get3A_528 = arith.constant 9 : i32
    %get3A_529 = arith.constant 1 : i32
    %get3A_530 = arith.index_cast %get3A_528 : i32 to index
    %get3A_531 = arith.index_cast %get3A_529 : i32 to index
    %get3A_532 = arith.constant 0 : index
    %get3A_533 = tpu.vector_load %arg13[%get3A_530, %get3A_531, %get3A_532] {strides = array<i32>} : memref<17x4x16xi32, #tpu.memory_space<vmem>>, vector<16xi32>,
    %get3A_534 = arith.constant 9 : i32
    %get3A_535 = arith.constant 2 : i32
    %get3A_536 = arith.index_cast %get3A_534 : i32 to index
    %get3A_537 = arith.index_cast %get3A_535 : i32 to index
    %get3A_538 = arith.constant 0 : index
    %get3A_539 = tpu.vector_load %arg13[%get3A_536, %get3A_537, %get3A_538] {strides = array<i32>} : memref<17x4x16xi32, #tpu.memory_space<vmem>>, vector<16xi32>,
    %get3A_540 = arith.constant 9 : i32
    %get3A_541 = arith.constant 3 : i32
    %get3A_542 = arith.index_cast %get3A_540 : i32 to index
    %get3A_543 = arith.index_cast %get3A_541 : i32 to index
    %get3A_544 = arith.constant 0 : index
    %get3A_545 = tpu.vector_load %arg13[%get3A_542, %get3A_543, %get3A_544] {strides = array<i32>} : memref<17x4x16xi32, #tpu.memory_space<vmem>>, vector<16xi32>,
    %get3A_546 = arith.constant 9 : i32
    %get3A_547 = arith.constant 0 : i32
    %get3A_548 = arith.index_cast %get3A_546 : i32 to index
    %get3A_549 = arith.index_cast %get3A_547 : i32 to index
    %get3A_550 = arith.constant 0 : index
    %get3A_551 = tpu.vector_load %arg14[%get3A_548, %get3A_549, %get3A_550] {strides = array<i32>} : memref<17x4x16xf32, #tpu.memory_space<vmem>>, vector<16xf32>,
    %get3A_552 = arith.constant 9 : i32
    %get3A_553 = arith.constant 1 : i32
    %get3A_554 = arith.index_cast %get3A_552 : i32 to index
    %get3A_555 = arith.index_cast %get3A_553 : i32 to index
    %get3A_556 = arith.constant 0 : index
    %get3A_557 = tpu.vector_load %arg14[%get3A_554, %get3A_555, %get3A_556] {strides = array<i32>} : memref<17x4x16xf32, #tpu.memory_space<vmem>>, vector<16xf32>,
    %get3A_558 = arith.constant 9 : i32
    %get3A_559 = arith.constant 2 : i32
    %get3A_560 = arith.index_cast %get3A_558 : i32 to index
    %get3A_561 = arith.index_cast %get3A_559 : i32 to index
    %get3A_562 = arith.constant 0 : index
    %get3A_563 = tpu.vector_load %arg14[%get3A_560, %get3A_561, %get3A_562] {strides = array<i32>} : memref<17x4x16xf32, #tpu.memory_space<vmem>>, vector<16xf32>,
    %get3A_564 = arith.constant 9 : i32
    %get3A_565 = arith.constant 3 : i32
    %get3A_566 = arith.index_cast %get3A_564 : i32 to index
    %get3A_567 = arith.index_cast %get3A_565 : i32 to index
    %get3A_568 = arith.constant 0 : index
    %get3A_569 = tpu.vector_load %arg14[%get3A_566, %get3A_567, %get3A_568] {strides = array<i32>} : memref<17x4x16xf32, #tpu.memory_space<vmem>>, vector<16xf32>,
    %scan3A_570 = arith.constant 0 : i32
    %scan3A_571 = arith.constant 0 : i32
    %scan3A_572 = arith.constant 72 : i32
    %scan3A_573 = arith.addi %scan3A_571, %scan3A_572 : i32
    %scan3A_574 = arith.constant 1 : i32
    %scan3A_575 = scf.for %scan3A_971 = %scan3A_571 to %scan3A_573 step %scan3A_574 iter_args(%scan3A_972 = %scan3A_570) -> (i32)  : i32 {
      %mul3A_973 = arith.constant 456 : i32
      %mul3A_974 = arith.muli %scan3A_971, %mul3A_973 : i32
      %add3A_975 = vector.broadcast %mul3A_974 : i32 to vector<16xi32>
      %add3A_976 = arith.addi %get3A_527, %add3A_975 : vector<16xi32>
      %gather3A = tpu.vector_load_idx %arg8[%add3A_976] : memref<32832xf32, #tpu.memory_space<vmem>>[vector<16xi32>], vector<16xf32>,
      %mul3A_977 = arith.mulf %gather3A, %get3A_551 : vector<16xf32>
      %add3A_978 = vector.broadcast %mul3A_974 : i32 to vector<16xi32>
      %add3A_979 = arith.addi %get3A_533, %add3A_978 : vector<16xi32>
      %gather3A_980 = tpu.vector_load_idx %arg8[%add3A_979] : memref<32832xf32, #tpu.memory_space<vmem>>[vector<16xi32>], vector<16xf32>,
      %mul3A_981 = arith.mulf %gather3A_980, %get3A_557 : vector<16xf32>
      %add3A_982 = arith.addf %mul3A_977, %mul3A_981 : vector<16xf32>
      %add3A_983 = vector.broadcast %mul3A_974 : i32 to vector<16xi32>
      %add3A_984 = arith.addi %get3A_539, %add3A_983 : vector<16xi32>
      %gather3A_985 = tpu.vector_load_idx %arg8[%add3A_984] : memref<32832xf32, #tpu.memory_space<vmem>>[vector<16xi32>], vector<16xf32>,
      %mul3A_986 = arith.mulf %gather3A_985, %get3A_563 : vector<16xf32>
      %add3A_987 = arith.addf %add3A_982, %mul3A_986 : vector<16xf32>
      %add3A_988 = vector.broadcast %mul3A_974 : i32 to vector<16xi32>
      %add3A_989 = arith.addi %get3A_545, %add3A_988 : vector<16xi32>
      %gather3A_990 = tpu.vector_load_idx %arg8[%add3A_989] : memref<32832xf32, #tpu.memory_space<vmem>>[vector<16xi32>], vector<16xf32>,
      %mul3A_991 = arith.mulf %gather3A_990, %get3A_569 : vector<16xf32>
      %add3A_992 = arith.addf %add3A_987, %mul3A_991 : vector<16xf32>
      %mul3A_993 = arith.constant 272 : i32
      %mul3A_994 = arith.muli %scan3A_971, %mul3A_993 : i32
      %add3A_995 = arith.constant 144 : i32
      %add3A_996 = arith.addi %mul3A_994, %add3A_995 : i32
      %swap3A = arith.index_cast %add3A_996 : i32 to index
      %swap3A_997 = tpu.vector_load %arg9[%swap3A] {strides = array<i32>} : memref<19584xf32, #tpu.memory_space<vmem>>, vector<16xf32>,
      tpu.vector_store %arg9[%swap3A], %add3A_992 {strides = array<i32>} : memref<19584xf32, #tpu.memory_space<vmem>>, vector<16xf32>,
      %scan3A_998 = arith.constant 0 : i32
      scf.yield %scan3A_998 : i32
    }
    %scan3A_576 = arith.constant 72 : i32
    %get3A_577 = arith.constant 10 : i32
    %get3A_578 = arith.constant 0 : i32
    %get3A_579 = arith.index_cast %get3A_577 : i32 to index
    %get3A_580 = arith.index_cast %get3A_578 : i32 to index
    %get3A_581 = arith.constant 0 : index
    %get3A_582 = tpu.vector_load %arg13[%get3A_579, %get3A_580, %get3A_581] {strides = array<i32>} : memref<17x4x16xi32, #tpu.memory_space<vmem>>, vector<16xi32>,
    %get3A_583 = arith.constant 10 : i32
    %get3A_584 = arith.constant 1 : i32
    %get3A_585 = arith.index_cast %get3A_583 : i32 to index
    %get3A_586 = arith.index_cast %get3A_584 : i32 to index
    %get3A_587 = arith.constant 0 : index
    %get3A_588 = tpu.vector_load %arg13[%get3A_585, %get3A_586, %get3A_587] {strides = array<i32>} : memref<17x4x16xi32, #tpu.memory_space<vmem>>, vector<16xi32>,
    %get3A_589 = arith.constant 10 : i32
    %get3A_590 = arith.constant 2 : i32
    %get3A_591 = arith.index_cast %get3A_589 : i32 to index
    %get3A_592 = arith.index_cast %get3A_590 : i32 to index
    %get3A_593 = arith.constant 0 : index
    %get3A_594 = tpu.vector_load %arg13[%get3A_591, %get3A_592, %get3A_593] {strides = array<i32>} : memref<17x4x16xi32, #tpu.memory_space<vmem>>, vector<16xi32>,
    %get3A_595 = arith.constant 10 : i32
    %get3A_596 = arith.constant 3 : i32
    %get3A_597 = arith.index_cast %get3A_595 : i32 to index
    %get3A_598 = arith.index_cast %get3A_596 : i32 to index
    %get3A_599 = arith.constant 0 : index
    %get3A_600 = tpu.vector_load %arg13[%get3A_597, %get3A_598, %get3A_599] {strides = array<i32>} : memref<17x4x16xi32, #tpu.memory_space<vmem>>, vector<16xi32>,
    %get3A_601 = arith.constant 10 : i32
    %get3A_602 = arith.constant 0 : i32
    %get3A_603 = arith.index_cast %get3A_601 : i32 to index
    %get3A_604 = arith.index_cast %get3A_602 : i32 to index
    %get3A_605 = arith.constant 0 : index
    %get3A_606 = tpu.vector_load %arg14[%get3A_603, %get3A_604, %get3A_605] {strides = array<i32>} : memref<17x4x16xf32, #tpu.memory_space<vmem>>, vector<16xf32>,
    %get3A_607 = arith.constant 10 : i32
    %get3A_608 = arith.constant 1 : i32
    %get3A_609 = arith.index_cast %get3A_607 : i32 to index
    %get3A_610 = arith.index_cast %get3A_608 : i32 to index
    %get3A_611 = arith.constant 0 : index
    %get3A_612 = tpu.vector_load %arg14[%get3A_609, %get3A_610, %get3A_611] {strides = array<i32>} : memref<17x4x16xf32, #tpu.memory_space<vmem>>, vector<16xf32>,
    %get3A_613 = arith.constant 10 : i32
    %get3A_614 = arith.constant 2 : i32
    %get3A_615 = arith.index_cast %get3A_613 : i32 to index
    %get3A_616 = arith.index_cast %get3A_614 : i32 to index
    %get3A_617 = arith.constant 0 : index
    %get3A_618 = tpu.vector_load %arg14[%get3A_615, %get3A_616, %get3A_617] {strides = array<i32>} : memref<17x4x16xf32, #tpu.memory_space<vmem>>, vector<16xf32>,
    %get3A_619 = arith.constant 10 : i32
    %get3A_620 = arith.constant 3 : i32
    %get3A_621 = arith.index_cast %get3A_619 : i32 to index
    %get3A_622 = arith.index_cast %get3A_620 : i32 to index
    %get3A_623 = arith.constant 0 : index
    %get3A_624 = tpu.vector_load %arg14[%get3A_621, %get3A_622, %get3A_623] {strides = array<i32>} : memref<17x4x16xf32, #tpu.memory_space<vmem>>, vector<16xf32>,
    %scan3A_625 = arith.constant 0 : i32
    %scan3A_626 = arith.constant 0 : i32
    %scan3A_627 = arith.constant 72 : i32
    %scan3A_628 = arith.addi %scan3A_626, %scan3A_627 : i32
    %scan3A_629 = arith.constant 1 : i32
    %scan3A_630 = scf.for %scan3A_971 = %scan3A_626 to %scan3A_628 step %scan3A_629 iter_args(%scan3A_972 = %scan3A_625) -> (i32)  : i32 {
      %mul3A_973 = arith.constant 456 : i32
      %mul3A_974 = arith.muli %scan3A_971, %mul3A_973 : i32
      %add3A_975 = vector.broadcast %mul3A_974 : i32 to vector<16xi32>
      %add3A_976 = arith.addi %get3A_582, %add3A_975 : vector<16xi32>
      %gather3A = tpu.vector_load_idx %arg8[%add3A_976] : memref<32832xf32, #tpu.memory_space<vmem>>[vector<16xi32>], vector<16xf32>,
      %mul3A_977 = arith.mulf %gather3A, %get3A_606 : vector<16xf32>
      %add3A_978 = vector.broadcast %mul3A_974 : i32 to vector<16xi32>
      %add3A_979 = arith.addi %get3A_588, %add3A_978 : vector<16xi32>
      %gather3A_980 = tpu.vector_load_idx %arg8[%add3A_979] : memref<32832xf32, #tpu.memory_space<vmem>>[vector<16xi32>], vector<16xf32>,
      %mul3A_981 = arith.mulf %gather3A_980, %get3A_612 : vector<16xf32>
      %add3A_982 = arith.addf %mul3A_977, %mul3A_981 : vector<16xf32>
      %add3A_983 = vector.broadcast %mul3A_974 : i32 to vector<16xi32>
      %add3A_984 = arith.addi %get3A_594, %add3A_983 : vector<16xi32>
      %gather3A_985 = tpu.vector_load_idx %arg8[%add3A_984] : memref<32832xf32, #tpu.memory_space<vmem>>[vector<16xi32>], vector<16xf32>,
      %mul3A_986 = arith.mulf %gather3A_985, %get3A_618 : vector<16xf32>
      %add3A_987 = arith.addf %add3A_982, %mul3A_986 : vector<16xf32>
      %add3A_988 = vector.broadcast %mul3A_974 : i32 to vector<16xi32>
      %add3A_989 = arith.addi %get3A_600, %add3A_988 : vector<16xi32>
      %gather3A_990 = tpu.vector_load_idx %arg8[%add3A_989] : memref<32832xf32, #tpu.memory_space<vmem>>[vector<16xi32>], vector<16xf32>,
      %mul3A_991 = arith.mulf %gather3A_990, %get3A_624 : vector<16xf32>
      %add3A_992 = arith.addf %add3A_987, %mul3A_991 : vector<16xf32>
      %mul3A_993 = arith.constant 272 : i32
      %mul3A_994 = arith.muli %scan3A_971, %mul3A_993 : i32
      %add3A_995 = arith.constant 160 : i32
      %add3A_996 = arith.addi %mul3A_994, %add3A_995 : i32
      %swap3A = arith.index_cast %add3A_996 : i32 to index
      %swap3A_997 = tpu.vector_load %arg9[%swap3A] {strides = array<i32>} : memref<19584xf32, #tpu.memory_space<vmem>>, vector<16xf32>,
      tpu.vector_store %arg9[%swap3A], %add3A_992 {strides = array<i32>} : memref<19584xf32, #tpu.memory_space<vmem>>, vector<16xf32>,
      %scan3A_998 = arith.constant 0 : i32
      scf.yield %scan3A_998 : i32
    }
    %scan3A_631 = arith.constant 72 : i32
    %get3A_632 = arith.constant 11 : i32
    %get3A_633 = arith.constant 0 : i32
    %get3A_634 = arith.index_cast %get3A_632 : i32 to index
    %get3A_635 = arith.index_cast %get3A_633 : i32 to index
    %get3A_636 = arith.constant 0 : index
    %get3A_637 = tpu.vector_load %arg13[%get3A_634, %get3A_635, %get3A_636] {strides = array<i32>} : memref<17x4x16xi32, #tpu.memory_space<vmem>>, vector<16xi32>,
    %get3A_638 = arith.constant 11 : i32
    %get3A_639 = arith.constant 1 : i32
    %get3A_640 = arith.index_cast %get3A_638 : i32 to index
    %get3A_641 = arith.index_cast %get3A_639 : i32 to index
    %get3A_642 = arith.constant 0 : index
    %get3A_643 = tpu.vector_load %arg13[%get3A_640, %get3A_641, %get3A_642] {strides = array<i32>} : memref<17x4x16xi32, #tpu.memory_space<vmem>>, vector<16xi32>,
    %get3A_644 = arith.constant 11 : i32
    %get3A_645 = arith.constant 2 : i32
    %get3A_646 = arith.index_cast %get3A_644 : i32 to index
    %get3A_647 = arith.index_cast %get3A_645 : i32 to index
    %get3A_648 = arith.constant 0 : index
    %get3A_649 = tpu.vector_load %arg13[%get3A_646, %get3A_647, %get3A_648] {strides = array<i32>} : memref<17x4x16xi32, #tpu.memory_space<vmem>>, vector<16xi32>,
    %get3A_650 = arith.constant 11 : i32
    %get3A_651 = arith.constant 3 : i32
    %get3A_652 = arith.index_cast %get3A_650 : i32 to index
    %get3A_653 = arith.index_cast %get3A_651 : i32 to index
    %get3A_654 = arith.constant 0 : index
    %get3A_655 = tpu.vector_load %arg13[%get3A_652, %get3A_653, %get3A_654] {strides = array<i32>} : memref<17x4x16xi32, #tpu.memory_space<vmem>>, vector<16xi32>,
    %get3A_656 = arith.constant 11 : i32
    %get3A_657 = arith.constant 0 : i32
    %get3A_658 = arith.index_cast %get3A_656 : i32 to index
    %get3A_659 = arith.index_cast %get3A_657 : i32 to index
    %get3A_660 = arith.constant 0 : index
    %get3A_661 = tpu.vector_load %arg14[%get3A_658, %get3A_659, %get3A_660] {strides = array<i32>} : memref<17x4x16xf32, #tpu.memory_space<vmem>>, vector<16xf32>,
    %get3A_662 = arith.constant 11 : i32
    %get3A_663 = arith.constant 1 : i32
    %get3A_664 = arith.index_cast %get3A_662 : i32 to index
    %get3A_665 = arith.index_cast %get3A_663 : i32 to index
    %get3A_666 = arith.constant 0 : index
    %get3A_667 = tpu.vector_load %arg14[%get3A_664, %get3A_665, %get3A_666] {strides = array<i32>} : memref<17x4x16xf32, #tpu.memory_space<vmem>>, vector<16xf32>,
    %get3A_668 = arith.constant 11 : i32
    %get3A_669 = arith.constant 2 : i32
    %get3A_670 = arith.index_cast %get3A_668 : i32 to index
    %get3A_671 = arith.index_cast %get3A_669 : i32 to index
    %get3A_672 = arith.constant 0 : index
    %get3A_673 = tpu.vector_load %arg14[%get3A_670, %get3A_671, %get3A_672] {strides = array<i32>} : memref<17x4x16xf32, #tpu.memory_space<vmem>>, vector<16xf32>,
    %get3A_674 = arith.constant 11 : i32
    %get3A_675 = arith.constant 3 : i32
    %get3A_676 = arith.index_cast %get3A_674 : i32 to index
    %get3A_677 = arith.index_cast %get3A_675 : i32 to index
    %get3A_678 = arith.constant 0 : index
    %get3A_679 = tpu.vector_load %arg14[%get3A_676, %get3A_677, %get3A_678] {strides = array<i32>} : memref<17x4x16xf32, #tpu.memory_space<vmem>>, vector<16xf32>,
    %scan3A_680 = arith.constant 0 : i32
    %scan3A_681 = arith.constant 0 : i32
    %scan3A_682 = arith.constant 72 : i32
    %scan3A_683 = arith.addi %scan3A_681, %scan3A_682 : i32
    %scan3A_684 = arith.constant 1 : i32
    %scan3A_685 = scf.for %scan3A_971 = %scan3A_681 to %scan3A_683 step %scan3A_684 iter_args(%scan3A_972 = %scan3A_680) -> (i32)  : i32 {
      %mul3A_973 = arith.constant 456 : i32
      %mul3A_974 = arith.muli %scan3A_971, %mul3A_973 : i32
      %add3A_975 = vector.broadcast %mul3A_974 : i32 to vector<16xi32>
      %add3A_976 = arith.addi %get3A_637, %add3A_975 : vector<16xi32>
      %gather3A = tpu.vector_load_idx %arg8[%add3A_976] : memref<32832xf32, #tpu.memory_space<vmem>>[vector<16xi32>], vector<16xf32>,
      %mul3A_977 = arith.mulf %gather3A, %get3A_661 : vector<16xf32>
      %add3A_978 = vector.broadcast %mul3A_974 : i32 to vector<16xi32>
      %add3A_979 = arith.addi %get3A_643, %add3A_978 : vector<16xi32>
      %gather3A_980 = tpu.vector_load_idx %arg8[%add3A_979] : memref<32832xf32, #tpu.memory_space<vmem>>[vector<16xi32>], vector<16xf32>,
      %mul3A_981 = arith.mulf %gather3A_980, %get3A_667 : vector<16xf32>
      %add3A_982 = arith.addf %mul3A_977, %mul3A_981 : vector<16xf32>
      %add3A_983 = vector.broadcast %mul3A_974 : i32 to vector<16xi32>
      %add3A_984 = arith.addi %get3A_649, %add3A_983 : vector<16xi32>
      %gather3A_985 = tpu.vector_load_idx %arg8[%add3A_984] : memref<32832xf32, #tpu.memory_space<vmem>>[vector<16xi32>], vector<16xf32>,
      %mul3A_986 = arith.mulf %gather3A_985, %get3A_673 : vector<16xf32>
      %add3A_987 = arith.addf %add3A_982, %mul3A_986 : vector<16xf32>
      %add3A_988 = vector.broadcast %mul3A_974 : i32 to vector<16xi32>
      %add3A_989 = arith.addi %get3A_655, %add3A_988 : vector<16xi32>
      %gather3A_990 = tpu.vector_load_idx %arg8[%add3A_989] : memref<32832xf32, #tpu.memory_space<vmem>>[vector<16xi32>], vector<16xf32>,
      %mul3A_991 = arith.mulf %gather3A_990, %get3A_679 : vector<16xf32>
      %add3A_992 = arith.addf %add3A_987, %mul3A_991 : vector<16xf32>
      %mul3A_993 = arith.constant 272 : i32
      %mul3A_994 = arith.muli %scan3A_971, %mul3A_993 : i32
      %add3A_995 = arith.constant 176 : i32
      %add3A_996 = arith.addi %mul3A_994, %add3A_995 : i32
      %swap3A = arith.index_cast %add3A_996 : i32 to index
      %swap3A_997 = tpu.vector_load %arg9[%swap3A] {strides = array<i32>} : memref<19584xf32, #tpu.memory_space<vmem>>, vector<16xf32>,
      tpu.vector_store %arg9[%swap3A], %add3A_992 {strides = array<i32>} : memref<19584xf32, #tpu.memory_space<vmem>>, vector<16xf32>,
      %scan3A_998 = arith.constant 0 : i32
      scf.yield %scan3A_998 : i32
    }
    %scan3A_686 = arith.constant 72 : i32
    %get3A_687 = arith.constant 12 : i32
    %get3A_688 = arith.constant 0 : i32
    %get3A_689 = arith.index_cast %get3A_687 : i32 to index
    %get3A_690 = arith.index_cast %get3A_688 : i32 to index
    %get3A_691 = arith.constant 0 : index
    %get3A_692 = tpu.vector_load %arg13[%get3A_689, %get3A_690, %get3A_691] {strides = array<i32>} : memref<17x4x16xi32, #tpu.memory_space<vmem>>, vector<16xi32>,
    %get3A_693 = arith.constant 12 : i32
    %get3A_694 = arith.constant 1 : i32
    %get3A_695 = arith.index_cast %get3A_693 : i32 to index
    %get3A_696 = arith.index_cast %get3A_694 : i32 to index
    %get3A_697 = arith.constant 0 : index
    %get3A_698 = tpu.vector_load %arg13[%get3A_695, %get3A_696, %get3A_697] {strides = array<i32>} : memref<17x4x16xi32, #tpu.memory_space<vmem>>, vector<16xi32>,
    %get3A_699 = arith.constant 12 : i32
    %get3A_700 = arith.constant 2 : i32
    %get3A_701 = arith.index_cast %get3A_699 : i32 to index
    %get3A_702 = arith.index_cast %get3A_700 : i32 to index
    %get3A_703 = arith.constant 0 : index
    %get3A_704 = tpu.vector_load %arg13[%get3A_701, %get3A_702, %get3A_703] {strides = array<i32>} : memref<17x4x16xi32, #tpu.memory_space<vmem>>, vector<16xi32>,
    %get3A_705 = arith.constant 12 : i32
    %get3A_706 = arith.constant 3 : i32
    %get3A_707 = arith.index_cast %get3A_705 : i32 to index
    %get3A_708 = arith.index_cast %get3A_706 : i32 to index
    %get3A_709 = arith.constant 0 : index
    %get3A_710 = tpu.vector_load %arg13[%get3A_707, %get3A_708, %get3A_709] {strides = array<i32>} : memref<17x4x16xi32, #tpu.memory_space<vmem>>, vector<16xi32>,
    %get3A_711 = arith.constant 12 : i32
    %get3A_712 = arith.constant 0 : i32
    %get3A_713 = arith.index_cast %get3A_711 : i32 to index
    %get3A_714 = arith.index_cast %get3A_712 : i32 to index
    %get3A_715 = arith.constant 0 : index
    %get3A_716 = tpu.vector_load %arg14[%get3A_713, %get3A_714, %get3A_715] {strides = array<i32>} : memref<17x4x16xf32, #tpu.memory_space<vmem>>, vector<16xf32>,
    %get3A_717 = arith.constant 12 : i32
    %get3A_718 = arith.constant 1 : i32
    %get3A_719 = arith.index_cast %get3A_717 : i32 to index
    %get3A_720 = arith.index_cast %get3A_718 : i32 to index
    %get3A_721 = arith.constant 0 : index
    %get3A_722 = tpu.vector_load %arg14[%get3A_719, %get3A_720, %get3A_721] {strides = array<i32>} : memref<17x4x16xf32, #tpu.memory_space<vmem>>, vector<16xf32>,
    %get3A_723 = arith.constant 12 : i32
    %get3A_724 = arith.constant 2 : i32
    %get3A_725 = arith.index_cast %get3A_723 : i32 to index
    %get3A_726 = arith.index_cast %get3A_724 : i32 to index
    %get3A_727 = arith.constant 0 : index
    %get3A_728 = tpu.vector_load %arg14[%get3A_725, %get3A_726, %get3A_727] {strides = array<i32>} : memref<17x4x16xf32, #tpu.memory_space<vmem>>, vector<16xf32>,
    %get3A_729 = arith.constant 12 : i32
    %get3A_730 = arith.constant 3 : i32
    %get3A_731 = arith.index_cast %get3A_729 : i32 to index
    %get3A_732 = arith.index_cast %get3A_730 : i32 to index
    %get3A_733 = arith.constant 0 : index
    %get3A_734 = tpu.vector_load %arg14[%get3A_731, %get3A_732, %get3A_733] {strides = array<i32>} : memref<17x4x16xf32, #tpu.memory_space<vmem>>, vector<16xf32>,
    %scan3A_735 = arith.constant 0 : i32
    %scan3A_736 = arith.constant 0 : i32
    %scan3A_737 = arith.constant 72 : i32
    %scan3A_738 = arith.addi %scan3A_736, %scan3A_737 : i32
    %scan3A_739 = arith.constant 1 : i32
    %scan3A_740 = scf.for %scan3A_971 = %scan3A_736 to %scan3A_738 step %scan3A_739 iter_args(%scan3A_972 = %scan3A_735) -> (i32)  : i32 {
      %mul3A_973 = arith.constant 456 : i32
      %mul3A_974 = arith.muli %scan3A_971, %mul3A_973 : i32
      %add3A_975 = vector.broadcast %mul3A_974 : i32 to vector<16xi32>
      %add3A_976 = arith.addi %get3A_692, %add3A_975 : vector<16xi32>
      %gather3A = tpu.vector_load_idx %arg8[%add3A_976] : memref<32832xf32, #tpu.memory_space<vmem>>[vector<16xi32>], vector<16xf32>,
      %mul3A_977 = arith.mulf %gather3A, %get3A_716 : vector<16xf32>
      %add3A_978 = vector.broadcast %mul3A_974 : i32 to vector<16xi32>
      %add3A_979 = arith.addi %get3A_698, %add3A_978 : vector<16xi32>
      %gather3A_980 = tpu.vector_load_idx %arg8[%add3A_979] : memref<32832xf32, #tpu.memory_space<vmem>>[vector<16xi32>], vector<16xf32>,
      %mul3A_981 = arith.mulf %gather3A_980, %get3A_722 : vector<16xf32>
      %add3A_982 = arith.addf %mul3A_977, %mul3A_981 : vector<16xf32>
      %add3A_983 = vector.broadcast %mul3A_974 : i32 to vector<16xi32>
      %add3A_984 = arith.addi %get3A_704, %add3A_983 : vector<16xi32>
      %gather3A_985 = tpu.vector_load_idx %arg8[%add3A_984] : memref<32832xf32, #tpu.memory_space<vmem>>[vector<16xi32>], vector<16xf32>,
      %mul3A_986 = arith.mulf %gather3A_985, %get3A_728 : vector<16xf32>
      %add3A_987 = arith.addf %add3A_982, %mul3A_986 : vector<16xf32>
      %add3A_988 = vector.broadcast %mul3A_974 : i32 to vector<16xi32>
      %add3A_989 = arith.addi %get3A_710, %add3A_988 : vector<16xi32>
      %gather3A_990 = tpu.vector_load_idx %arg8[%add3A_989] : memref<32832xf32, #tpu.memory_space<vmem>>[vector<16xi32>], vector<16xf32>,
      %mul3A_991 = arith.mulf %gather3A_990, %get3A_734 : vector<16xf32>
      %add3A_992 = arith.addf %add3A_987, %mul3A_991 : vector<16xf32>
      %mul3A_993 = arith.constant 272 : i32
      %mul3A_994 = arith.muli %scan3A_971, %mul3A_993 : i32
      %add3A_995 = arith.constant 192 : i32
      %add3A_996 = arith.addi %mul3A_994, %add3A_995 : i32
      %swap3A = arith.index_cast %add3A_996 : i32 to index
      %swap3A_997 = tpu.vector_load %arg9[%swap3A] {strides = array<i32>} : memref<19584xf32, #tpu.memory_space<vmem>>, vector<16xf32>,
      tpu.vector_store %arg9[%swap3A], %add3A_992 {strides = array<i32>} : memref<19584xf32, #tpu.memory_space<vmem>>, vector<16xf32>,
      %scan3A_998 = arith.constant 0 : i32
      scf.yield %scan3A_998 : i32
    }
    %scan3A_741 = arith.constant 72 : i32
    %get3A_742 = arith.constant 13 : i32
    %get3A_743 = arith.constant 0 : i32
    %get3A_744 = arith.index_cast %get3A_742 : i32 to index
    %get3A_745 = arith.index_cast %get3A_743 : i32 to index
    %get3A_746 = arith.constant 0 : index
    %get3A_747 = tpu.vector_load %arg13[%get3A_744, %get3A_745, %get3A_746] {strides = array<i32>} : memref<17x4x16xi32, #tpu.memory_space<vmem>>, vector<16xi32>,
    %get3A_748 = arith.constant 13 : i32
    %get3A_749 = arith.constant 1 : i32
    %get3A_750 = arith.index_cast %get3A_748 : i32 to index
    %get3A_751 = arith.index_cast %get3A_749 : i32 to index
    %get3A_752 = arith.constant 0 : index
    %get3A_753 = tpu.vector_load %arg13[%get3A_750, %get3A_751, %get3A_752] {strides = array<i32>} : memref<17x4x16xi32, #tpu.memory_space<vmem>>, vector<16xi32>,
    %get3A_754 = arith.constant 13 : i32
    %get3A_755 = arith.constant 2 : i32
    %get3A_756 = arith.index_cast %get3A_754 : i32 to index
    %get3A_757 = arith.index_cast %get3A_755 : i32 to index
    %get3A_758 = arith.constant 0 : index
    %get3A_759 = tpu.vector_load %arg13[%get3A_756, %get3A_757, %get3A_758] {strides = array<i32>} : memref<17x4x16xi32, #tpu.memory_space<vmem>>, vector<16xi32>,
    %get3A_760 = arith.constant 13 : i32
    %get3A_761 = arith.constant 3 : i32
    %get3A_762 = arith.index_cast %get3A_760 : i32 to index
    %get3A_763 = arith.index_cast %get3A_761 : i32 to index
    %get3A_764 = arith.constant 0 : index
    %get3A_765 = tpu.vector_load %arg13[%get3A_762, %get3A_763, %get3A_764] {strides = array<i32>} : memref<17x4x16xi32, #tpu.memory_space<vmem>>, vector<16xi32>,
    %get3A_766 = arith.constant 13 : i32
    %get3A_767 = arith.constant 0 : i32
    %get3A_768 = arith.index_cast %get3A_766 : i32 to index
    %get3A_769 = arith.index_cast %get3A_767 : i32 to index
    %get3A_770 = arith.constant 0 : index
    %get3A_771 = tpu.vector_load %arg14[%get3A_768, %get3A_769, %get3A_770] {strides = array<i32>} : memref<17x4x16xf32, #tpu.memory_space<vmem>>, vector<16xf32>,
    %get3A_772 = arith.constant 13 : i32
    %get3A_773 = arith.constant 1 : i32
    %get3A_774 = arith.index_cast %get3A_772 : i32 to index
    %get3A_775 = arith.index_cast %get3A_773 : i32 to index
    %get3A_776 = arith.constant 0 : index
    %get3A_777 = tpu.vector_load %arg14[%get3A_774, %get3A_775, %get3A_776] {strides = array<i32>} : memref<17x4x16xf32, #tpu.memory_space<vmem>>, vector<16xf32>,
    %get3A_778 = arith.constant 13 : i32
    %get3A_779 = arith.constant 2 : i32
    %get3A_780 = arith.index_cast %get3A_778 : i32 to index
    %get3A_781 = arith.index_cast %get3A_779 : i32 to index
    %get3A_782 = arith.constant 0 : index
    %get3A_783 = tpu.vector_load %arg14[%get3A_780, %get3A_781, %get3A_782] {strides = array<i32>} : memref<17x4x16xf32, #tpu.memory_space<vmem>>, vector<16xf32>,
    %get3A_784 = arith.constant 13 : i32
    %get3A_785 = arith.constant 3 : i32
    %get3A_786 = arith.index_cast %get3A_784 : i32 to index
    %get3A_787 = arith.index_cast %get3A_785 : i32 to index
    %get3A_788 = arith.constant 0 : index
    %get3A_789 = tpu.vector_load %arg14[%get3A_786, %get3A_787, %get3A_788] {strides = array<i32>} : memref<17x4x16xf32, #tpu.memory_space<vmem>>, vector<16xf32>,
    %scan3A_790 = arith.constant 0 : i32
    %scan3A_791 = arith.constant 0 : i32
    %scan3A_792 = arith.constant 72 : i32
    %scan3A_793 = arith.addi %scan3A_791, %scan3A_792 : i32
    %scan3A_794 = arith.constant 1 : i32
    %scan3A_795 = scf.for %scan3A_971 = %scan3A_791 to %scan3A_793 step %scan3A_794 iter_args(%scan3A_972 = %scan3A_790) -> (i32)  : i32 {
      %mul3A_973 = arith.constant 456 : i32
      %mul3A_974 = arith.muli %scan3A_971, %mul3A_973 : i32
      %add3A_975 = vector.broadcast %mul3A_974 : i32 to vector<16xi32>
      %add3A_976 = arith.addi %get3A_747, %add3A_975 : vector<16xi32>
      %gather3A = tpu.vector_load_idx %arg8[%add3A_976] : memref<32832xf32, #tpu.memory_space<vmem>>[vector<16xi32>], vector<16xf32>,
      %mul3A_977 = arith.mulf %gather3A, %get3A_771 : vector<16xf32>
      %add3A_978 = vector.broadcast %mul3A_974 : i32 to vector<16xi32>
      %add3A_979 = arith.addi %get3A_753, %add3A_978 : vector<16xi32>
      %gather3A_980 = tpu.vector_load_idx %arg8[%add3A_979] : memref<32832xf32, #tpu.memory_space<vmem>>[vector<16xi32>], vector<16xf32>,
      %mul3A_981 = arith.mulf %gather3A_980, %get3A_777 : vector<16xf32>
      %add3A_982 = arith.addf %mul3A_977, %mul3A_981 : vector<16xf32>
      %add3A_983 = vector.broadcast %mul3A_974 : i32 to vector<16xi32>
      %add3A_984 = arith.addi %get3A_759, %add3A_983 : vector<16xi32>
      %gather3A_985 = tpu.vector_load_idx %arg8[%add3A_984] : memref<32832xf32, #tpu.memory_space<vmem>>[vector<16xi32>], vector<16xf32>,
      %mul3A_986 = arith.mulf %gather3A_985, %get3A_783 : vector<16xf32>
      %add3A_987 = arith.addf %add3A_982, %mul3A_986 : vector<16xf32>
      %add3A_988 = vector.broadcast %mul3A_974 : i32 to vector<16xi32>
      %add3A_989 = arith.addi %get3A_765, %add3A_988 : vector<16xi32>
      %gather3A_990 = tpu.vector_load_idx %arg8[%add3A_989] : memref<32832xf32, #tpu.memory_space<vmem>>[vector<16xi32>], vector<16xf32>,
      %mul3A_991 = arith.mulf %gather3A_990, %get3A_789 : vector<16xf32>
      %add3A_992 = arith.addf %add3A_987, %mul3A_991 : vector<16xf32>
      %mul3A_993 = arith.constant 272 : i32
      %mul3A_994 = arith.muli %scan3A_971, %mul3A_993 : i32
      %add3A_995 = arith.constant 208 : i32
      %add3A_996 = arith.addi %mul3A_994, %add3A_995 : i32
      %swap3A = arith.index_cast %add3A_996 : i32 to index
      %swap3A_997 = tpu.vector_load %arg9[%swap3A] {strides = array<i32>} : memref<19584xf32, #tpu.memory_space<vmem>>, vector<16xf32>,
      tpu.vector_store %arg9[%swap3A], %add3A_992 {strides = array<i32>} : memref<19584xf32, #tpu.memory_space<vmem>>, vector<16xf32>,
      %scan3A_998 = arith.constant 0 : i32
      scf.yield %scan3A_998 : i32
    }
    %scan3A_796 = arith.constant 72 : i32
    %get3A_797 = arith.constant 14 : i32
    %get3A_798 = arith.constant 0 : i32
    %get3A_799 = arith.index_cast %get3A_797 : i32 to index
    %get3A_800 = arith.index_cast %get3A_798 : i32 to index
    %get3A_801 = arith.constant 0 : index
    %get3A_802 = tpu.vector_load %arg13[%get3A_799, %get3A_800, %get3A_801] {strides = array<i32>} : memref<17x4x16xi32, #tpu.memory_space<vmem>>, vector<16xi32>,
    %get3A_803 = arith.constant 14 : i32
    %get3A_804 = arith.constant 1 : i32
    %get3A_805 = arith.index_cast %get3A_803 : i32 to index
    %get3A_806 = arith.index_cast %get3A_804 : i32 to index
    %get3A_807 = arith.constant 0 : index
    %get3A_808 = tpu.vector_load %arg13[%get3A_805, %get3A_806, %get3A_807] {strides = array<i32>} : memref<17x4x16xi32, #tpu.memory_space<vmem>>, vector<16xi32>,
    %get3A_809 = arith.constant 14 : i32
    %get3A_810 = arith.constant 2 : i32
    %get3A_811 = arith.index_cast %get3A_809 : i32 to index
    %get3A_812 = arith.index_cast %get3A_810 : i32 to index
    %get3A_813 = arith.constant 0 : index
    %get3A_814 = tpu.vector_load %arg13[%get3A_811, %get3A_812, %get3A_813] {strides = array<i32>} : memref<17x4x16xi32, #tpu.memory_space<vmem>>, vector<16xi32>,
    %get3A_815 = arith.constant 14 : i32
    %get3A_816 = arith.constant 3 : i32
    %get3A_817 = arith.index_cast %get3A_815 : i32 to index
    %get3A_818 = arith.index_cast %get3A_816 : i32 to index
    %get3A_819 = arith.constant 0 : index
    %get3A_820 = tpu.vector_load %arg13[%get3A_817, %get3A_818, %get3A_819] {strides = array<i32>} : memref<17x4x16xi32, #tpu.memory_space<vmem>>, vector<16xi32>,
    %get3A_821 = arith.constant 14 : i32
    %get3A_822 = arith.constant 0 : i32
    %get3A_823 = arith.index_cast %get3A_821 : i32 to index
    %get3A_824 = arith.index_cast %get3A_822 : i32 to index
    %get3A_825 = arith.constant 0 : index
    %get3A_826 = tpu.vector_load %arg14[%get3A_823, %get3A_824, %get3A_825] {strides = array<i32>} : memref<17x4x16xf32, #tpu.memory_space<vmem>>, vector<16xf32>,
    %get3A_827 = arith.constant 14 : i32
    %get3A_828 = arith.constant 1 : i32
    %get3A_829 = arith.index_cast %get3A_827 : i32 to index
    %get3A_830 = arith.index_cast %get3A_828 : i32 to index
    %get3A_831 = arith.constant 0 : index
    %get3A_832 = tpu.vector_load %arg14[%get3A_829, %get3A_830, %get3A_831] {strides = array<i32>} : memref<17x4x16xf32, #tpu.memory_space<vmem>>, vector<16xf32>,
    %get3A_833 = arith.constant 14 : i32
    %get3A_834 = arith.constant 2 : i32
    %get3A_835 = arith.index_cast %get3A_833 : i32 to index
    %get3A_836 = arith.index_cast %get3A_834 : i32 to index
    %get3A_837 = arith.constant 0 : index
    %get3A_838 = tpu.vector_load %arg14[%get3A_835, %get3A_836, %get3A_837] {strides = array<i32>} : memref<17x4x16xf32, #tpu.memory_space<vmem>>, vector<16xf32>,
    %get3A_839 = arith.constant 14 : i32
    %get3A_840 = arith.constant 3 : i32
    %get3A_841 = arith.index_cast %get3A_839 : i32 to index
    %get3A_842 = arith.index_cast %get3A_840 : i32 to index
    %get3A_843 = arith.constant 0 : index
    %get3A_844 = tpu.vector_load %arg14[%get3A_841, %get3A_842, %get3A_843] {strides = array<i32>} : memref<17x4x16xf32, #tpu.memory_space<vmem>>, vector<16xf32>,
    %scan3A_845 = arith.constant 0 : i32
    %scan3A_846 = arith.constant 0 : i32
    %scan3A_847 = arith.constant 72 : i32
    %scan3A_848 = arith.addi %scan3A_846, %scan3A_847 : i32
    %scan3A_849 = arith.constant 1 : i32
    %scan3A_850 = scf.for %scan3A_971 = %scan3A_846 to %scan3A_848 step %scan3A_849 iter_args(%scan3A_972 = %scan3A_845) -> (i32)  : i32 {
      %mul3A_973 = arith.constant 456 : i32
      %mul3A_974 = arith.muli %scan3A_971, %mul3A_973 : i32
      %add3A_975 = vector.broadcast %mul3A_974 : i32 to vector<16xi32>
      %add3A_976 = arith.addi %get3A_802, %add3A_975 : vector<16xi32>
      %gather3A = tpu.vector_load_idx %arg8[%add3A_976] : memref<32832xf32, #tpu.memory_space<vmem>>[vector<16xi32>], vector<16xf32>,
      %mul3A_977 = arith.mulf %gather3A, %get3A_826 : vector<16xf32>
      %add3A_978 = vector.broadcast %mul3A_974 : i32 to vector<16xi32>
      %add3A_979 = arith.addi %get3A_808, %add3A_978 : vector<16xi32>
      %gather3A_980 = tpu.vector_load_idx %arg8[%add3A_979] : memref<32832xf32, #tpu.memory_space<vmem>>[vector<16xi32>], vector<16xf32>,
      %mul3A_981 = arith.mulf %gather3A_980, %get3A_832 : vector<16xf32>
      %add3A_982 = arith.addf %mul3A_977, %mul3A_981 : vector<16xf32>
      %add3A_983 = vector.broadcast %mul3A_974 : i32 to vector<16xi32>
      %add3A_984 = arith.addi %get3A_814, %add3A_983 : vector<16xi32>
      %gather3A_985 = tpu.vector_load_idx %arg8[%add3A_984] : memref<32832xf32, #tpu.memory_space<vmem>>[vector<16xi32>], vector<16xf32>,
      %mul3A_986 = arith.mulf %gather3A_985, %get3A_838 : vector<16xf32>
      %add3A_987 = arith.addf %add3A_982, %mul3A_986 : vector<16xf32>
      %add3A_988 = vector.broadcast %mul3A_974 : i32 to vector<16xi32>
      %add3A_989 = arith.addi %get3A_820, %add3A_988 : vector<16xi32>
      %gather3A_990 = tpu.vector_load_idx %arg8[%add3A_989] : memref<32832xf32, #tpu.memory_space<vmem>>[vector<16xi32>], vector<16xf32>,
      %mul3A_991 = arith.mulf %gather3A_990, %get3A_844 : vector<16xf32>
      %add3A_992 = arith.addf %add3A_987, %mul3A_991 : vector<16xf32>
      %mul3A_993 = arith.constant 272 : i32
      %mul3A_994 = arith.muli %scan3A_971, %mul3A_993 : i32
      %add3A_995 = arith.constant 224 : i32
      %add3A_996 = arith.addi %mul3A_994, %add3A_995 : i32
      %swap3A = arith.index_cast %add3A_996 : i32 to index
      %swap3A_997 = tpu.vector_load %arg9[%swap3A] {strides = array<i32>} : memref<19584xf32, #tpu.memory_space<vmem>>, vector<16xf32>,
      tpu.vector_store %arg9[%swap3A], %add3A_992 {strides = array<i32>} : memref<19584xf32, #tpu.memory_space<vmem>>, vector<16xf32>,
      %scan3A_998 = arith.constant 0 : i32
      scf.yield %scan3A_998 : i32
    }
    %scan3A_851 = arith.constant 72 : i32
    %get3A_852 = arith.constant 15 : i32
    %get3A_853 = arith.constant 0 : i32
    %get3A_854 = arith.index_cast %get3A_852 : i32 to index
    %get3A_855 = arith.index_cast %get3A_853 : i32 to index
    %get3A_856 = arith.constant 0 : index
    %get3A_857 = tpu.vector_load %arg13[%get3A_854, %get3A_855, %get3A_856] {strides = array<i32>} : memref<17x4x16xi32, #tpu.memory_space<vmem>>, vector<16xi32>,
    %get3A_858 = arith.constant 15 : i32
    %get3A_859 = arith.constant 1 : i32
    %get3A_860 = arith.index_cast %get3A_858 : i32 to index
    %get3A_861 = arith.index_cast %get3A_859 : i32 to index
    %get3A_862 = arith.constant 0 : index
    %get3A_863 = tpu.vector_load %arg13[%get3A_860, %get3A_861, %get3A_862] {strides = array<i32>} : memref<17x4x16xi32, #tpu.memory_space<vmem>>, vector<16xi32>,
    %get3A_864 = arith.constant 15 : i32
    %get3A_865 = arith.constant 2 : i32
    %get3A_866 = arith.index_cast %get3A_864 : i32 to index
    %get3A_867 = arith.index_cast %get3A_865 : i32 to index
    %get3A_868 = arith.constant 0 : index
    %get3A_869 = tpu.vector_load %arg13[%get3A_866, %get3A_867, %get3A_868] {strides = array<i32>} : memref<17x4x16xi32, #tpu.memory_space<vmem>>, vector<16xi32>,
    %get3A_870 = arith.constant 15 : i32
    %get3A_871 = arith.constant 3 : i32
    %get3A_872 = arith.index_cast %get3A_870 : i32 to index
    %get3A_873 = arith.index_cast %get3A_871 : i32 to index
    %get3A_874 = arith.constant 0 : index
    %get3A_875 = tpu.vector_load %arg13[%get3A_872, %get3A_873, %get3A_874] {strides = array<i32>} : memref<17x4x16xi32, #tpu.memory_space<vmem>>, vector<16xi32>,
    %get3A_876 = arith.constant 15 : i32
    %get3A_877 = arith.constant 0 : i32
    %get3A_878 = arith.index_cast %get3A_876 : i32 to index
    %get3A_879 = arith.index_cast %get3A_877 : i32 to index
    %get3A_880 = arith.constant 0 : index
    %get3A_881 = tpu.vector_load %arg14[%get3A_878, %get3A_879, %get3A_880] {strides = array<i32>} : memref<17x4x16xf32, #tpu.memory_space<vmem>>, vector<16xf32>,
    %get3A_882 = arith.constant 15 : i32
    %get3A_883 = arith.constant 1 : i32
    %get3A_884 = arith.index_cast %get3A_882 : i32 to index
    %get3A_885 = arith.index_cast %get3A_883 : i32 to index
    %get3A_886 = arith.constant 0 : index
    %get3A_887 = tpu.vector_load %arg14[%get3A_884, %get3A_885, %get3A_886] {strides = array<i32>} : memref<17x4x16xf32, #tpu.memory_space<vmem>>, vector<16xf32>,
    %get3A_888 = arith.constant 15 : i32
    %get3A_889 = arith.constant 2 : i32
    %get3A_890 = arith.index_cast %get3A_888 : i32 to index
    %get3A_891 = arith.index_cast %get3A_889 : i32 to index
    %get3A_892 = arith.constant 0 : index
    %get3A_893 = tpu.vector_load %arg14[%get3A_890, %get3A_891, %get3A_892] {strides = array<i32>} : memref<17x4x16xf32, #tpu.memory_space<vmem>>, vector<16xf32>,
    %get3A_894 = arith.constant 15 : i32
    %get3A_895 = arith.constant 3 : i32
    %get3A_896 = arith.index_cast %get3A_894 : i32 to index
    %get3A_897 = arith.index_cast %get3A_895 : i32 to index
    %get3A_898 = arith.constant 0 : index
    %get3A_899 = tpu.vector_load %arg14[%get3A_896, %get3A_897, %get3A_898] {strides = array<i32>} : memref<17x4x16xf32, #tpu.memory_space<vmem>>, vector<16xf32>,
    %scan3A_900 = arith.constant 0 : i32
    %scan3A_901 = arith.constant 0 : i32
    %scan3A_902 = arith.constant 72 : i32
    %scan3A_903 = arith.addi %scan3A_901, %scan3A_902 : i32
    %scan3A_904 = arith.constant 1 : i32
    %scan3A_905 = scf.for %scan3A_971 = %scan3A_901 to %scan3A_903 step %scan3A_904 iter_args(%scan3A_972 = %scan3A_900) -> (i32)  : i32 {
      %mul3A_973 = arith.constant 456 : i32
      %mul3A_974 = arith.muli %scan3A_971, %mul3A_973 : i32
      %add3A_975 = vector.broadcast %mul3A_974 : i32 to vector<16xi32>
      %add3A_976 = arith.addi %get3A_857, %add3A_975 : vector<16xi32>
      %gather3A = tpu.vector_load_idx %arg8[%add3A_976] : memref<32832xf32, #tpu.memory_space<vmem>>[vector<16xi32>], vector<16xf32>,
      %mul3A_977 = arith.mulf %gather3A, %get3A_881 : vector<16xf32>
      %add3A_978 = vector.broadcast %mul3A_974 : i32 to vector<16xi32>
      %add3A_979 = arith.addi %get3A_863, %add3A_978 : vector<16xi32>
      %gather3A_980 = tpu.vector_load_idx %arg8[%add3A_979] : memref<32832xf32, #tpu.memory_space<vmem>>[vector<16xi32>], vector<16xf32>,
      %mul3A_981 = arith.mulf %gather3A_980, %get3A_887 : vector<16xf32>
      %add3A_982 = arith.addf %mul3A_977, %mul3A_981 : vector<16xf32>
      %add3A_983 = vector.broadcast %mul3A_974 : i32 to vector<16xi32>
      %add3A_984 = arith.addi %get3A_869, %add3A_983 : vector<16xi32>
      %gather3A_985 = tpu.vector_load_idx %arg8[%add3A_984] : memref<32832xf32, #tpu.memory_space<vmem>>[vector<16xi32>], vector<16xf32>,
      %mul3A_986 = arith.mulf %gather3A_985, %get3A_893 : vector<16xf32>
      %add3A_987 = arith.addf %add3A_982, %mul3A_986 : vector<16xf32>
      %add3A_988 = vector.broadcast %mul3A_974 : i32 to vector<16xi32>
      %add3A_989 = arith.addi %get3A_875, %add3A_988 : vector<16xi32>
      %gather3A_990 = tpu.vector_load_idx %arg8[%add3A_989] : memref<32832xf32, #tpu.memory_space<vmem>>[vector<16xi32>], vector<16xf32>,
      %mul3A_991 = arith.mulf %gather3A_990, %get3A_899 : vector<16xf32>
      %add3A_992 = arith.addf %add3A_987, %mul3A_991 : vector<16xf32>
      %mul3A_993 = arith.constant 272 : i32
      %mul3A_994 = arith.muli %scan3A_971, %mul3A_993 : i32
      %add3A_995 = arith.constant 240 : i32
      %add3A_996 = arith.addi %mul3A_994, %add3A_995 : i32
      %swap3A = arith.index_cast %add3A_996 : i32 to index
      %swap3A_997 = tpu.vector_load %arg9[%swap3A] {strides = array<i32>} : memref<19584xf32, #tpu.memory_space<vmem>>, vector<16xf32>,
      tpu.vector_store %arg9[%swap3A], %add3A_992 {strides = array<i32>} : memref<19584xf32, #tpu.memory_space<vmem>>, vector<16xf32>,
      %scan3A_998 = arith.constant 0 : i32
      scf.yield %scan3A_998 : i32
    }
    %scan3A_906 = arith.constant 72 : i32
    %get3A_907 = arith.constant 16 : i32
    %get3A_908 = arith.constant 0 : i32
    %get3A_909 = arith.index_cast %get3A_907 : i32 to index
    %get3A_910 = arith.index_cast %get3A_908 : i32 to index
    %get3A_911 = arith.constant 0 : index
    %get3A_912 = tpu.vector_load %arg13[%get3A_909, %get3A_910, %get3A_911] {strides = array<i32>} : memref<17x4x16xi32, #tpu.memory_space<vmem>>, vector<16xi32>,
    %get3A_913 = arith.constant 16 : i32
    %get3A_914 = arith.constant 1 : i32
    %get3A_915 = arith.index_cast %get3A_913 : i32 to index
    %get3A_916 = arith.index_cast %get3A_914 : i32 to index
    %get3A_917 = arith.constant 0 : index
    %get3A_918 = tpu.vector_load %arg13[%get3A_915, %get3A_916, %get3A_917] {strides = array<i32>} : memref<17x4x16xi32, #tpu.memory_space<vmem>>, vector<16xi32>,
    %get3A_919 = arith.constant 16 : i32
    %get3A_920 = arith.constant 2 : i32
    %get3A_921 = arith.index_cast %get3A_919 : i32 to index
    %get3A_922 = arith.index_cast %get3A_920 : i32 to index
    %get3A_923 = arith.constant 0 : index
    %get3A_924 = tpu.vector_load %arg13[%get3A_921, %get3A_922, %get3A_923] {strides = array<i32>} : memref<17x4x16xi32, #tpu.memory_space<vmem>>, vector<16xi32>,
    %get3A_925 = arith.constant 16 : i32
    %get3A_926 = arith.constant 3 : i32
    %get3A_927 = arith.index_cast %get3A_925 : i32 to index
    %get3A_928 = arith.index_cast %get3A_926 : i32 to index
    %get3A_929 = arith.constant 0 : index
    %get3A_930 = tpu.vector_load %arg13[%get3A_927, %get3A_928, %get3A_929] {strides = array<i32>} : memref<17x4x16xi32, #tpu.memory_space<vmem>>, vector<16xi32>,
    %get3A_931 = arith.constant 16 : i32
    %get3A_932 = arith.constant 0 : i32
    %get3A_933 = arith.index_cast %get3A_931 : i32 to index
    %get3A_934 = arith.index_cast %get3A_932 : i32 to index
    %get3A_935 = arith.constant 0 : index
    %get3A_936 = tpu.vector_load %arg14[%get3A_933, %get3A_934, %get3A_935] {strides = array<i32>} : memref<17x4x16xf32, #tpu.memory_space<vmem>>, vector<16xf32>,
    %get3A_937 = arith.constant 16 : i32
    %get3A_938 = arith.constant 1 : i32
    %get3A_939 = arith.index_cast %get3A_937 : i32 to index
    %get3A_940 = arith.index_cast %get3A_938 : i32 to index
    %get3A_941 = arith.constant 0 : index
    %get3A_942 = tpu.vector_load %arg14[%get3A_939, %get3A_940, %get3A_941] {strides = array<i32>} : memref<17x4x16xf32, #tpu.memory_space<vmem>>, vector<16xf32>,
    %get3A_943 = arith.constant 16 : i32
    %get3A_944 = arith.constant 2 : i32
    %get3A_945 = arith.index_cast %get3A_943 : i32 to index
    %get3A_946 = arith.index_cast %get3A_944 : i32 to index
    %get3A_947 = arith.constant 0 : index
    %get3A_948 = tpu.vector_load %arg14[%get3A_945, %get3A_946, %get3A_947] {strides = array<i32>} : memref<17x4x16xf32, #tpu.memory_space<vmem>>, vector<16xf32>,
    %get3A_949 = arith.constant 16 : i32
    %get3A_950 = arith.constant 3 : i32
    %get3A_951 = arith.index_cast %get3A_949 : i32 to index
    %get3A_952 = arith.index_cast %get3A_950 : i32 to index
    %get3A_953 = arith.constant 0 : index
    %get3A_954 = tpu.vector_load %arg14[%get3A_951, %get3A_952, %get3A_953] {strides = array<i32>} : memref<17x4x16xf32, #tpu.memory_space<vmem>>, vector<16xf32>,
    %scan3A_955 = arith.constant 0 : i32
    %scan3A_956 = arith.constant 0 : i32
    %scan3A_957 = arith.constant 72 : i32
    %scan3A_958 = arith.addi %scan3A_956, %scan3A_957 : i32
    %scan3A_959 = arith.constant 1 : i32
    %scan3A_960 = scf.for %scan3A_971 = %scan3A_956 to %scan3A_958 step %scan3A_959 iter_args(%scan3A_972 = %scan3A_955) -> (i32)  : i32 {
      %mul3A_973 = arith.constant 456 : i32
      %mul3A_974 = arith.muli %scan3A_971, %mul3A_973 : i32
      %add3A_975 = vector.broadcast %mul3A_974 : i32 to vector<16xi32>
      %add3A_976 = arith.addi %get3A_912, %add3A_975 : vector<16xi32>
      %gather3A = tpu.vector_load_idx %arg8[%add3A_976] : memref<32832xf32, #tpu.memory_space<vmem>>[vector<16xi32>], vector<16xf32>,
      %mul3A_977 = arith.mulf %gather3A, %get3A_936 : vector<16xf32>
      %add3A_978 = vector.broadcast %mul3A_974 : i32 to vector<16xi32>
      %add3A_979 = arith.addi %get3A_918, %add3A_978 : vector<16xi32>
      %gather3A_980 = tpu.vector_load_idx %arg8[%add3A_979] : memref<32832xf32, #tpu.memory_space<vmem>>[vector<16xi32>], vector<16xf32>,
      %mul3A_981 = arith.mulf %gather3A_980, %get3A_942 : vector<16xf32>
      %add3A_982 = arith.addf %mul3A_977, %mul3A_981 : vector<16xf32>
      %add3A_983 = vector.broadcast %mul3A_974 : i32 to vector<16xi32>
      %add3A_984 = arith.addi %get3A_924, %add3A_983 : vector<16xi32>
      %gather3A_985 = tpu.vector_load_idx %arg8[%add3A_984] : memref<32832xf32, #tpu.memory_space<vmem>>[vector<16xi32>], vector<16xf32>,
      %mul3A_986 = arith.mulf %gather3A_985, %get3A_948 : vector<16xf32>
      %add3A_987 = arith.addf %add3A_982, %mul3A_986 : vector<16xf32>
      %add3A_988 = vector.broadcast %mul3A_974 : i32 to vector<16xi32>
      %add3A_989 = arith.addi %get3A_930, %add3A_988 : vector<16xi32>
      %gather3A_990 = tpu.vector_load_idx %arg8[%add3A_989] : memref<32832xf32, #tpu.memory_space<vmem>>[vector<16xi32>], vector<16xf32>,
      %mul3A_991 = arith.mulf %gather3A_990, %get3A_954 : vector<16xf32>
      %add3A_992 = arith.addf %add3A_987, %mul3A_991 : vector<16xf32>
      %mul3A_993 = arith.constant 272 : i32
      %mul3A_994 = arith.muli %scan3A_971, %mul3A_993 : i32
      %add3A_995 = arith.constant 256 : i32
      %add3A_996 = arith.addi %mul3A_994, %add3A_995 : i32
      %swap3A = arith.index_cast %add3A_996 : i32 to index
      %swap3A_997 = tpu.vector_load %arg9[%swap3A] {strides = array<i32>} : memref<19584xf32, #tpu.memory_space<vmem>>, vector<16xf32>,
      tpu.vector_store %arg9[%swap3A], %add3A_992 {strides = array<i32>} : memref<19584xf32, #tpu.memory_space<vmem>>, vector<16xf32>,
      %scan3A_998 = arith.constant 0 : i32
      scf.yield %scan3A_998 : i32
    }
    %scan3A_961 = arith.constant 72 : i32
    %iota3A = tpu.iota {dimensions = array<i32: 0>} : vector<16xi32>
    %scan3A_962 = arith.constant 0 : i32
    %scan3A_963 = arith.constant 0 : i32
    %scan3A_964 = arith.constant 51 : i32
    %scan3A_965 = arith.addi %scan3A_963, %scan3A_964 : i32
    %scan3A_966 = arith.constant 1 : i32
    %scan3A_967 = scf.for %scan3A_971 = %scan3A_963 to %scan3A_965 step %scan3A_966 iter_args(%scan3A_972 = %scan3A_962) -> (i32)  : i32 {
      %get3A_973 = arith.constant 0 : i32
      %get3A_974 = arith.index_cast %scan3A_971 : i32 to index
      %get3A_975 = arith.index_cast %get3A_973 : i32 to index
      %get3A_976 = arith.constant 0 : index
      %get3A_977 = tpu.vector_load %arg11[%get3A_974, %get3A_975, %get3A_976] {strides = array<i32>} : memref<51x3x16xi32, #tpu.memory_space<vmem>>, vector<16xi32>,
      %get3A_978 = arith.constant 1 : i32
      %get3A_979 = arith.index_cast %scan3A_971 : i32 to index
      %get3A_980 = arith.index_cast %get3A_978 : i32 to index
      %get3A_981 = arith.constant 0 : index
      %get3A_982 = tpu.vector_load %arg11[%get3A_979, %get3A_980, %get3A_981] {strides = array<i32>} : memref<51x3x16xi32, #tpu.memory_space<vmem>>, vector<16xi32>,
      %get3A_983 = arith.constant 2 : i32
      %get3A_984 = arith.index_cast %scan3A_971 : i32 to index
      %get3A_985 = arith.index_cast %get3A_983 : i32 to index
      %get3A_986 = arith.constant 0 : index
      %get3A_987 = tpu.vector_load %arg11[%get3A_984, %get3A_985, %get3A_986] {strides = array<i32>} : memref<51x3x16xi32, #tpu.memory_space<vmem>>, vector<16xi32>,
      %get3A_988 = arith.constant 0 : i32
      %get3A_989 = arith.index_cast %scan3A_971 : i32 to index
      %get3A_990 = arith.index_cast %get3A_988 : i32 to index
      %get3A_991 = arith.constant 0 : index
      %get3A_992 = tpu.vector_load %arg12[%get3A_989, %get3A_990, %get3A_991] {strides = array<i32>} : memref<51x3x16xf32, #tpu.memory_space<vmem>>, vector<16xf32>,
      %get3A_993 = arith.constant 1 : i32
      %get3A_994 = arith.index_cast %scan3A_971 : i32 to index
      %get3A_995 = arith.index_cast %get3A_993 : i32 to index
      %get3A_996 = arith.constant 0 : index
      %get3A_997 = tpu.vector_load %arg12[%get3A_994, %get3A_995, %get3A_996] {strides = array<i32>} : memref<51x3x16xf32, #tpu.memory_space<vmem>>, vector<16xf32>,
      %get3A_998 = arith.constant 2 : i32
      %get3A_999 = arith.index_cast %scan3A_971 : i32 to index
      %get3A_1000 = arith.index_cast %get3A_998 : i32 to index
      %get3A_1001 = arith.constant 0 : index
      %get3A_1002 = tpu.vector_load %arg12[%get3A_999, %get3A_1000, %get3A_1001] {strides = array<i32>} : memref<51x3x16xf32, #tpu.memory_space<vmem>>, vector<16xf32>,
      %add3A_1003 = arith.constant 0 : i32
      %add3A_1004 = vector.broadcast %add3A_1003 : i32 to vector<16xi32>
      %add3A_1005 = arith.addi %iota3A, %add3A_1004 : vector<16xi32>
      %add3A_1006 = arith.addi %get3A_977, %add3A_1005 : vector<16xi32>
      %gather3A = tpu.vector_load_idx %arg9[%add3A_1006] : memref<19584xf32, #tpu.memory_space<vmem>>[vector<16xi32>], vector<16xf32>,
      %mul3A_1007 = arith.mulf %gather3A, %get3A_992 : vector<16xf32>
      %add3A_1008 = arith.addi %get3A_982, %add3A_1005 : vector<16xi32>
      %gather3A_1009 = tpu.vector_load_idx %arg9[%add3A_1008] : memref<19584xf32, #tpu.memory_space<vmem>>[vector<16xi32>], vector<16xf32>,
      %mul3A_1010 = arith.mulf %gather3A_1009, %get3A_997 : vector<16xf32>
      %add3A_1011 = arith.addf %mul3A_1007, %mul3A_1010 : vector<16xf32>
      %add3A_1012 = arith.addi %get3A_987, %add3A_1005 : vector<16xi32>
      %gather3A_1013 = tpu.vector_load_idx %arg9[%add3A_1012] : memref<19584xf32, #tpu.memory_space<vmem>>[vector<16xi32>], vector<16xf32>,
      %mul3A_1014 = arith.mulf %gather3A_1013, %get3A_1002 : vector<16xf32>
      %add3A_1015 = arith.addf %add3A_1011, %mul3A_1014 : vector<16xf32>
      %mul3A_1016 = arith.constant 272 : i32
      %mul3A_1017 = arith.muli %scan3A_971, %mul3A_1016 : i32
      %add3A_1018 = arith.constant 0 : i32
      %add3A_1019 = arith.addi %mul3A_1017, %add3A_1018 : i32
      %swap3A = arith.index_cast %add3A_1019 : i32 to index
      %swap3A_1020 = tpu.vector_load %arg10[%swap3A] {strides = array<i32>} : memref<13872xf32, #tpu.memory_space<vmem>>, vector<16xf32>,
      tpu.vector_store %arg10[%swap3A], %add3A_1015 {strides = array<i32>} : memref<13872xf32, #tpu.memory_space<vmem>>, vector<16xf32>,
      %add3A_1021 = arith.constant 16 : i32
      %add3A_1022 = vector.broadcast %add3A_1021 : i32 to vector<16xi32>
      %add3A_1023 = arith.addi %iota3A, %add3A_1022 : vector<16xi32>
      %add3A_1024 = arith.addi %get3A_977, %add3A_1023 : vector<16xi32>
      %gather3A_1025 = tpu.vector_load_idx %arg9[%add3A_1024] : memref<19584xf32, #tpu.memory_space<vmem>>[vector<16xi32>], vector<16xf32>,
      %mul3A_1026 = arith.mulf %gather3A_1025, %get3A_992 : vector<16xf32>
      %add3A_1027 = arith.addi %get3A_982, %add3A_1023 : vector<16xi32>
      %gather3A_1028 = tpu.vector_load_idx %arg9[%add3A_1027] : memref<19584xf32, #tpu.memory_space<vmem>>[vector<16xi32>], vector<16xf32>,
      %mul3A_1029 = arith.mulf %gather3A_1028, %get3A_997 : vector<16xf32>
      %add3A_1030 = arith.addf %mul3A_1026, %mul3A_1029 : vector<16xf32>
      %add3A_1031 = arith.addi %get3A_987, %add3A_1023 : vector<16xi32>
      %gather3A_1032 = tpu.vector_load_idx %arg9[%add3A_1031] : memref<19584xf32, #tpu.memory_space<vmem>>[vector<16xi32>], vector<16xf32>,
      %mul3A_1033 = arith.mulf %gather3A_1032, %get3A_1002 : vector<16xf32>
      %add3A_1034 = arith.addf %add3A_1030, %mul3A_1033 : vector<16xf32>
      %mul3A_1035 = arith.constant 272 : i32
      %mul3A_1036 = arith.muli %scan3A_971, %mul3A_1035 : i32
      %add3A_1037 = arith.constant 16 : i32
      %add3A_1038 = arith.addi %mul3A_1036, %add3A_1037 : i32
      %swap3A_1039 = arith.index_cast %add3A_1038 : i32 to index
      %swap3A_1040 = tpu.vector_load %arg10[%swap3A_1039] {strides = array<i32>} : memref<13872xf32, #tpu.memory_space<vmem>>, vector<16xf32>,
      tpu.vector_store %arg10[%swap3A_1039], %add3A_1034 {strides = array<i32>} : memref<13872xf32, #tpu.memory_space<vmem>>, vector<16xf32>,
      %add3A_1041 = arith.constant 32 : i32
      %add3A_1042 = vector.broadcast %add3A_1041 : i32 to vector<16xi32>
      %add3A_1043 = arith.addi %iota3A, %add3A_1042 : vector<16xi32>
      %add3A_1044 = arith.addi %get3A_977, %add3A_1043 : vector<16xi32>
      %gather3A_1045 = tpu.vector_load_idx %arg9[%add3A_1044] : memref<19584xf32, #tpu.memory_space<vmem>>[vector<16xi32>], vector<16xf32>,
      %mul3A_1046 = arith.mulf %gather3A_1045, %get3A_992 : vector<16xf32>
      %add3A_1047 = arith.addi %get3A_982, %add3A_1043 : vector<16xi32>
      %gather3A_1048 = tpu.vector_load_idx %arg9[%add3A_1047] : memref<19584xf32, #tpu.memory_space<vmem>>[vector<16xi32>], vector<16xf32>,
      %mul3A_1049 = arith.mulf %gather3A_1048, %get3A_997 : vector<16xf32>
      %add3A_1050 = arith.addf %mul3A_1046, %mul3A_1049 : vector<16xf32>
      %add3A_1051 = arith.addi %get3A_987, %add3A_1043 : vector<16xi32>
      %gather3A_1052 = tpu.vector_load_idx %arg9[%add3A_1051] : memref<19584xf32, #tpu.memory_space<vmem>>[vector<16xi32>], vector<16xf32>,
      %mul3A_1053 = arith.mulf %gather3A_1052, %get3A_1002 : vector<16xf32>
      %add3A_1054 = arith.addf %add3A_1050, %mul3A_1053 : vector<16xf32>
      %mul3A_1055 = arith.constant 272 : i32
      %mul3A_1056 = arith.muli %scan3A_971, %mul3A_1055 : i32
      %add3A_1057 = arith.constant 32 : i32
      %add3A_1058 = arith.addi %mul3A_1056, %add3A_1057 : i32
      %swap3A_1059 = arith.index_cast %add3A_1058 : i32 to index
      %swap3A_1060 = tpu.vector_load %arg10[%swap3A_1059] {strides = array<i32>} : memref<13872xf32, #tpu.memory_space<vmem>>, vector<16xf32>,
      tpu.vector_store %arg10[%swap3A_1059], %add3A_1054 {strides = array<i32>} : memref<13872xf32, #tpu.memory_space<vmem>>, vector<16xf32>,
      %add3A_1061 = arith.constant 48 : i32
      %add3A_1062 = vector.broadcast %add3A_1061 : i32 to vector<16xi32>
      %add3A_1063 = arith.addi %iota3A, %add3A_1062 : vector<16xi32>
      %add3A_1064 = arith.addi %get3A_977, %add3A_1063 : vector<16xi32>
      %gather3A_1065 = tpu.vector_load_idx %arg9[%add3A_1064] : memref<19584xf32, #tpu.memory_space<vmem>>[vector<16xi32>], vector<16xf32>,
      %mul3A_1066 = arith.mulf %gather3A_1065, %get3A_992 : vector<16xf32>
      %add3A_1067 = arith.addi %get3A_982, %add3A_1063 : vector<16xi32>
      %gather3A_1068 = tpu.vector_load_idx %arg9[%add3A_1067] : memref<19584xf32, #tpu.memory_space<vmem>>[vector<16xi32>], vector<16xf32>,
      %mul3A_1069 = arith.mulf %gather3A_1068, %get3A_997 : vector<16xf32>
      %add3A_1070 = arith.addf %mul3A_1066, %mul3A_1069 : vector<16xf32>
      %add3A_1071 = arith.addi %get3A_987, %add3A_1063 : vector<16xi32>
      %gather3A_1072 = tpu.vector_load_idx %arg9[%add3A_1071] : memref<19584xf32, #tpu.memory_space<vmem>>[vector<16xi32>], vector<16xf32>,
      %mul3A_1073 = arith.mulf %gather3A_1072, %get3A_1002 : vector<16xf32>
      %add3A_1074 = arith.addf %add3A_1070, %mul3A_1073 : vector<16xf32>
      %mul3A_1075 = arith.constant 272 : i32
      %mul3A_1076 = arith.muli %scan3A_971, %mul3A_1075 : i32
      %add3A_1077 = arith.constant 48 : i32
      %add3A_1078 = arith.addi %mul3A_1076, %add3A_1077 : i32
      %swap3A_1079 = arith.index_cast %add3A_1078 : i32 to index
      %swap3A_1080 = tpu.vector_load %arg10[%swap3A_1079] {strides = array<i32>} : memref<13872xf32, #tpu.memory_space<vmem>>, vector<16xf32>,
      tpu.vector_store %arg10[%swap3A_1079], %add3A_1074 {strides = array<i32>} : memref<13872xf32, #tpu.memory_space<vmem>>, vector<16xf32>,
      %add3A_1081 = arith.constant 64 : i32
      %add3A_1082 = vector.broadcast %add3A_1081 : i32 to vector<16xi32>
      %add3A_1083 = arith.addi %iota3A, %add3A_1082 : vector<16xi32>
      %add3A_1084 = arith.addi %get3A_977, %add3A_1083 : vector<16xi32>
      %gather3A_1085 = tpu.vector_load_idx %arg9[%add3A_1084] : memref<19584xf32, #tpu.memory_space<vmem>>[vector<16xi32>], vector<16xf32>,
      %mul3A_1086 = arith.mulf %gather3A_1085, %get3A_992 : vector<16xf32>
      %add3A_1087 = arith.addi %get3A_982, %add3A_1083 : vector<16xi32>
      %gather3A_1088 = tpu.vector_load_idx %arg9[%add3A_1087] : memref<19584xf32, #tpu.memory_space<vmem>>[vector<16xi32>], vector<16xf32>,
      %mul3A_1089 = arith.mulf %gather3A_1088, %get3A_997 : vector<16xf32>
      %add3A_1090 = arith.addf %mul3A_1086, %mul3A_1089 : vector<16xf32>
      %add3A_1091 = arith.addi %get3A_987, %add3A_1083 : vector<16xi32>
      %gather3A_1092 = tpu.vector_load_idx %arg9[%add3A_1091] : memref<19584xf32, #tpu.memory_space<vmem>>[vector<16xi32>], vector<16xf32>,
      %mul3A_1093 = arith.mulf %gather3A_1092, %get3A_1002 : vector<16xf32>
      %add3A_1094 = arith.addf %add3A_1090, %mul3A_1093 : vector<16xf32>
      %mul3A_1095 = arith.constant 272 : i32
      %mul3A_1096 = arith.muli %scan3A_971, %mul3A_1095 : i32
      %add3A_1097 = arith.constant 64 : i32
      %add3A_1098 = arith.addi %mul3A_1096, %add3A_1097 : i32
      %swap3A_1099 = arith.index_cast %add3A_1098 : i32 to index
      %swap3A_1100 = tpu.vector_load %arg10[%swap3A_1099] {strides = array<i32>} : memref<13872xf32, #tpu.memory_space<vmem>>, vector<16xf32>,
      tpu.vector_store %arg10[%swap3A_1099], %add3A_1094 {strides = array<i32>} : memref<13872xf32, #tpu.memory_space<vmem>>, vector<16xf32>,
      %add3A_1101 = arith.constant 80 : i32
      %add3A_1102 = vector.broadcast %add3A_1101 : i32 to vector<16xi32>
      %add3A_1103 = arith.addi %iota3A, %add3A_1102 : vector<16xi32>
      %add3A_1104 = arith.addi %get3A_977, %add3A_1103 : vector<16xi32>
      %gather3A_1105 = tpu.vector_load_idx %arg9[%add3A_1104] : memref<19584xf32, #tpu.memory_space<vmem>>[vector<16xi32>], vector<16xf32>,
      %mul3A_1106 = arith.mulf %gather3A_1105, %get3A_992 : vector<16xf32>
      %add3A_1107 = arith.addi %get3A_982, %add3A_1103 : vector<16xi32>
      %gather3A_1108 = tpu.vector_load_idx %arg9[%add3A_1107] : memref<19584xf32, #tpu.memory_space<vmem>>[vector<16xi32>], vector<16xf32>,
      %mul3A_1109 = arith.mulf %gather3A_1108, %get3A_997 : vector<16xf32>
      %add3A_1110 = arith.addf %mul3A_1106, %mul3A_1109 : vector<16xf32>
      %add3A_1111 = arith.addi %get3A_987, %add3A_1103 : vector<16xi32>
      %gather3A_1112 = tpu.vector_load_idx %arg9[%add3A_1111] : memref<19584xf32, #tpu.memory_space<vmem>>[vector<16xi32>], vector<16xf32>,
      %mul3A_1113 = arith.mulf %gather3A_1112, %get3A_1002 : vector<16xf32>
      %add3A_1114 = arith.addf %add3A_1110, %mul3A_1113 : vector<16xf32>
      %mul3A_1115 = arith.constant 272 : i32
      %mul3A_1116 = arith.muli %scan3A_971, %mul3A_1115 : i32
      %add3A_1117 = arith.constant 80 : i32
      %add3A_1118 = arith.addi %mul3A_1116, %add3A_1117 : i32
      %swap3A_1119 = arith.index_cast %add3A_1118 : i32 to index
      %swap3A_1120 = tpu.vector_load %arg10[%swap3A_1119] {strides = array<i32>} : memref<13872xf32, #tpu.memory_space<vmem>>, vector<16xf32>,
      tpu.vector_store %arg10[%swap3A_1119], %add3A_1114 {strides = array<i32>} : memref<13872xf32, #tpu.memory_space<vmem>>, vector<16xf32>,
      %add3A_1121 = arith.constant 96 : i32
      %add3A_1122 = vector.broadcast %add3A_1121 : i32 to vector<16xi32>
      %add3A_1123 = arith.addi %iota3A, %add3A_1122 : vector<16xi32>
      %add3A_1124 = arith.addi %get3A_977, %add3A_1123 : vector<16xi32>
      %gather3A_1125 = tpu.vector_load_idx %arg9[%add3A_1124] : memref<19584xf32, #tpu.memory_space<vmem>>[vector<16xi32>], vector<16xf32>,
      %mul3A_1126 = arith.mulf %gather3A_1125, %get3A_992 : vector<16xf32>
      %add3A_1127 = arith.addi %get3A_982, %add3A_1123 : vector<16xi32>
      %gather3A_1128 = tpu.vector_load_idx %arg9[%add3A_1127] : memref<19584xf32, #tpu.memory_space<vmem>>[vector<16xi32>], vector<16xf32>,
      %mul3A_1129 = arith.mulf %gather3A_1128, %get3A_997 : vector<16xf32>
      %add3A_1130 = arith.addf %mul3A_1126, %mul3A_1129 : vector<16xf32>
      %add3A_1131 = arith.addi %get3A_987, %add3A_1123 : vector<16xi32>
      %gather3A_1132 = tpu.vector_load_idx %arg9[%add3A_1131] : memref<19584xf32, #tpu.memory_space<vmem>>[vector<16xi32>], vector<16xf32>,
      %mul3A_1133 = arith.mulf %gather3A_1132, %get3A_1002 : vector<16xf32>
      %add3A_1134 = arith.addf %add3A_1130, %mul3A_1133 : vector<16xf32>
      %mul3A_1135 = arith.constant 272 : i32
      %mul3A_1136 = arith.muli %scan3A_971, %mul3A_1135 : i32
      %add3A_1137 = arith.constant 96 : i32
      %add3A_1138 = arith.addi %mul3A_1136, %add3A_1137 : i32
      %swap3A_1139 = arith.index_cast %add3A_1138 : i32 to index
      %swap3A_1140 = tpu.vector_load %arg10[%swap3A_1139] {strides = array<i32>} : memref<13872xf32, #tpu.memory_space<vmem>>, vector<16xf32>,
      tpu.vector_store %arg10[%swap3A_1139], %add3A_1134 {strides = array<i32>} : memref<13872xf32, #tpu.memory_space<vmem>>, vector<16xf32>,
      %add3A_1141 = arith.constant 112 : i32
      %add3A_1142 = vector.broadcast %add3A_1141 : i32 to vector<16xi32>
      %add3A_1143 = arith.addi %iota3A, %add3A_1142 : vector<16xi32>
      %add3A_1144 = arith.addi %get3A_977, %add3A_1143 : vector<16xi32>
      %gather3A_1145 = tpu.vector_load_idx %arg9[%add3A_1144] : memref<19584xf32, #tpu.memory_space<vmem>>[vector<16xi32>], vector<16xf32>,
      %mul3A_1146 = arith.mulf %gather3A_1145, %get3A_992 : vector<16xf32>
      %add3A_1147 = arith.addi %get3A_982, %add3A_1143 : vector<16xi32>
      %gather3A_1148 = tpu.vector_load_idx %arg9[%add3A_1147] : memref<19584xf32, #tpu.memory_space<vmem>>[vector<16xi32>], vector<16xf32>,
      %mul3A_1149 = arith.mulf %gather3A_1148, %get3A_997 : vector<16xf32>
      %add3A_1150 = arith.addf %mul3A_1146, %mul3A_1149 : vector<16xf32>
      %add3A_1151 = arith.addi %get3A_987, %add3A_1143 : vector<16xi32>
      %gather3A_1152 = tpu.vector_load_idx %arg9[%add3A_1151] : memref<19584xf32, #tpu.memory_space<vmem>>[vector<16xi32>], vector<16xf32>,
      %mul3A_1153 = arith.mulf %gather3A_1152, %get3A_1002 : vector<16xf32>
      %add3A_1154 = arith.addf %add3A_1150, %mul3A_1153 : vector<16xf32>
      %mul3A_1155 = arith.constant 272 : i32
      %mul3A_1156 = arith.muli %scan3A_971, %mul3A_1155 : i32
      %add3A_1157 = arith.constant 112 : i32
      %add3A_1158 = arith.addi %mul3A_1156, %add3A_1157 : i32
      %swap3A_1159 = arith.index_cast %add3A_1158 : i32 to index
      %swap3A_1160 = tpu.vector_load %arg10[%swap3A_1159] {strides = array<i32>} : memref<13872xf32, #tpu.memory_space<vmem>>, vector<16xf32>,
      tpu.vector_store %arg10[%swap3A_1159], %add3A_1154 {strides = array<i32>} : memref<13872xf32, #tpu.memory_space<vmem>>, vector<16xf32>,
      %add3A_1161 = arith.constant 128 : i32
      %add3A_1162 = vector.broadcast %add3A_1161 : i32 to vector<16xi32>
      %add3A_1163 = arith.addi %iota3A, %add3A_1162 : vector<16xi32>
      %add3A_1164 = arith.addi %get3A_977, %add3A_1163 : vector<16xi32>
      %gather3A_1165 = tpu.vector_load_idx %arg9[%add3A_1164] : memref<19584xf32, #tpu.memory_space<vmem>>[vector<16xi32>], vector<16xf32>,
      %mul3A_1166 = arith.mulf %gather3A_1165, %get3A_992 : vector<16xf32>
      %add3A_1167 = arith.addi %get3A_982, %add3A_1163 : vector<16xi32>
      %gather3A_1168 = tpu.vector_load_idx %arg9[%add3A_1167] : memref<19584xf32, #tpu.memory_space<vmem>>[vector<16xi32>], vector<16xf32>,
      %mul3A_1169 = arith.mulf %gather3A_1168, %get3A_997 : vector<16xf32>
      %add3A_1170 = arith.addf %mul3A_1166, %mul3A_1169 : vector<16xf32>
      %add3A_1171 = arith.addi %get3A_987, %add3A_1163 : vector<16xi32>
      %gather3A_1172 = tpu.vector_load_idx %arg9[%add3A_1171] : memref<19584xf32, #tpu.memory_space<vmem>>[vector<16xi32>], vector<16xf32>,
      %mul3A_1173 = arith.mulf %gather3A_1172, %get3A_1002 : vector<16xf32>
      %add3A_1174 = arith.addf %add3A_1170, %mul3A_1173 : vector<16xf32>
      %mul3A_1175 = arith.constant 272 : i32
      %mul3A_1176 = arith.muli %scan3A_971, %mul3A_1175 : i32
      %add3A_1177 = arith.constant 128 : i32
      %add3A_1178 = arith.addi %mul3A_1176, %add3A_1177 : i32
      %swap3A_1179 = arith.index_cast %add3A_1178 : i32 to index
      %swap3A_1180 = tpu.vector_load %arg10[%swap3A_1179] {strides = array<i32>} : memref<13872xf32, #tpu.memory_space<vmem>>, vector<16xf32>,
      tpu.vector_store %arg10[%swap3A_1179], %add3A_1174 {strides = array<i32>} : memref<13872xf32, #tpu.memory_space<vmem>>, vector<16xf32>,
      %add3A_1181 = arith.constant 144 : i32
      %add3A_1182 = vector.broadcast %add3A_1181 : i32 to vector<16xi32>
      %add3A_1183 = arith.addi %iota3A, %add3A_1182 : vector<16xi32>
      %add3A_1184 = arith.addi %get3A_977, %add3A_1183 : vector<16xi32>
      %gather3A_1185 = tpu.vector_load_idx %arg9[%add3A_1184] : memref<19584xf32, #tpu.memory_space<vmem>>[vector<16xi32>], vector<16xf32>,
      %mul3A_1186 = arith.mulf %gather3A_1185, %get3A_992 : vector<16xf32>
      %add3A_1187 = arith.addi %get3A_982, %add3A_1183 : vector<16xi32>
      %gather3A_1188 = tpu.vector_load_idx %arg9[%add3A_1187] : memref<19584xf32, #tpu.memory_space<vmem>>[vector<16xi32>], vector<16xf32>,
      %mul3A_1189 = arith.mulf %gather3A_1188, %get3A_997 : vector<16xf32>
      %add3A_1190 = arith.addf %mul3A_1186, %mul3A_1189 : vector<16xf32>
      %add3A_1191 = arith.addi %get3A_987, %add3A_1183 : vector<16xi32>
      %gather3A_1192 = tpu.vector_load_idx %arg9[%add3A_1191] : memref<19584xf32, #tpu.memory_space<vmem>>[vector<16xi32>], vector<16xf32>,
      %mul3A_1193 = arith.mulf %gather3A_1192, %get3A_1002 : vector<16xf32>
      %add3A_1194 = arith.addf %add3A_1190, %mul3A_1193 : vector<16xf32>
      %mul3A_1195 = arith.constant 272 : i32
      %mul3A_1196 = arith.muli %scan3A_971, %mul3A_1195 : i32
      %add3A_1197 = arith.constant 144 : i32
      %add3A_1198 = arith.addi %mul3A_1196, %add3A_1197 : i32
      %swap3A_1199 = arith.index_cast %add3A_1198 : i32 to index
      %swap3A_1200 = tpu.vector_load %arg10[%swap3A_1199] {strides = array<i32>} : memref<13872xf32, #tpu.memory_space<vmem>>, vector<16xf32>,
      tpu.vector_store %arg10[%swap3A_1199], %add3A_1194 {strides = array<i32>} : memref<13872xf32, #tpu.memory_space<vmem>>, vector<16xf32>,
      %add3A_1201 = arith.constant 160 : i32
      %add3A_1202 = vector.broadcast %add3A_1201 : i32 to vector<16xi32>
      %add3A_1203 = arith.addi %iota3A, %add3A_1202 : vector<16xi32>
      %add3A_1204 = arith.addi %get3A_977, %add3A_1203 : vector<16xi32>
      %gather3A_1205 = tpu.vector_load_idx %arg9[%add3A_1204] : memref<19584xf32, #tpu.memory_space<vmem>>[vector<16xi32>], vector<16xf32>,
      %mul3A_1206 = arith.mulf %gather3A_1205, %get3A_992 : vector<16xf32>
      %add3A_1207 = arith.addi %get3A_982, %add3A_1203 : vector<16xi32>
      %gather3A_1208 = tpu.vector_load_idx %arg9[%add3A_1207] : memref<19584xf32, #tpu.memory_space<vmem>>[vector<16xi32>], vector<16xf32>,
      %mul3A_1209 = arith.mulf %gather3A_1208, %get3A_997 : vector<16xf32>
      %add3A_1210 = arith.addf %mul3A_1206, %mul3A_1209 : vector<16xf32>
      %add3A_1211 = arith.addi %get3A_987, %add3A_1203 : vector<16xi32>
      %gather3A_1212 = tpu.vector_load_idx %arg9[%add3A_1211] : memref<19584xf32, #tpu.memory_space<vmem>>[vector<16xi32>], vector<16xf32>,
      %mul3A_1213 = arith.mulf %gather3A_1212, %get3A_1002 : vector<16xf32>
      %add3A_1214 = arith.addf %add3A_1210, %mul3A_1213 : vector<16xf32>
      %mul3A_1215 = arith.constant 272 : i32
      %mul3A_1216 = arith.muli %scan3A_971, %mul3A_1215 : i32
      %add3A_1217 = arith.constant 160 : i32
      %add3A_1218 = arith.addi %mul3A_1216, %add3A_1217 : i32
      %swap3A_1219 = arith.index_cast %add3A_1218 : i32 to index
      %swap3A_1220 = tpu.vector_load %arg10[%swap3A_1219] {strides = array<i32>} : memref<13872xf32, #tpu.memory_space<vmem>>, vector<16xf32>,
      tpu.vector_store %arg10[%swap3A_1219], %add3A_1214 {strides = array<i32>} : memref<13872xf32, #tpu.memory_space<vmem>>, vector<16xf32>,
      %add3A_1221 = arith.constant 176 : i32
      %add3A_1222 = vector.broadcast %add3A_1221 : i32 to vector<16xi32>
      %add3A_1223 = arith.addi %iota3A, %add3A_1222 : vector<16xi32>
      %add3A_1224 = arith.addi %get3A_977, %add3A_1223 : vector<16xi32>
      %gather3A_1225 = tpu.vector_load_idx %arg9[%add3A_1224] : memref<19584xf32, #tpu.memory_space<vmem>>[vector<16xi32>], vector<16xf32>,
      %mul3A_1226 = arith.mulf %gather3A_1225, %get3A_992 : vector<16xf32>
      %add3A_1227 = arith.addi %get3A_982, %add3A_1223 : vector<16xi32>
      %gather3A_1228 = tpu.vector_load_idx %arg9[%add3A_1227] : memref<19584xf32, #tpu.memory_space<vmem>>[vector<16xi32>], vector<16xf32>,
      %mul3A_1229 = arith.mulf %gather3A_1228, %get3A_997 : vector<16xf32>
      %add3A_1230 = arith.addf %mul3A_1226, %mul3A_1229 : vector<16xf32>
      %add3A_1231 = arith.addi %get3A_987, %add3A_1223 : vector<16xi32>
      %gather3A_1232 = tpu.vector_load_idx %arg9[%add3A_1231] : memref<19584xf32, #tpu.memory_space<vmem>>[vector<16xi32>], vector<16xf32>,
      %mul3A_1233 = arith.mulf %gather3A_1232, %get3A_1002 : vector<16xf32>
      %add3A_1234 = arith.addf %add3A_1230, %mul3A_1233 : vector<16xf32>
      %mul3A_1235 = arith.constant 272 : i32
      %mul3A_1236 = arith.muli %scan3A_971, %mul3A_1235 : i32
      %add3A_1237 = arith.constant 176 : i32
      %add3A_1238 = arith.addi %mul3A_1236, %add3A_1237 : i32
      %swap3A_1239 = arith.index_cast %add3A_1238 : i32 to index
      %swap3A_1240 = tpu.vector_load %arg10[%swap3A_1239] {strides = array<i32>} : memref<13872xf32, #tpu.memory_space<vmem>>, vector<16xf32>,
      tpu.vector_store %arg10[%swap3A_1239], %add3A_1234 {strides = array<i32>} : memref<13872xf32, #tpu.memory_space<vmem>>, vector<16xf32>,
      %add3A_1241 = arith.constant 192 : i32
      %add3A_1242 = vector.broadcast %add3A_1241 : i32 to vector<16xi32>
      %add3A_1243 = arith.addi %iota3A, %add3A_1242 : vector<16xi32>
      %add3A_1244 = arith.addi %get3A_977, %add3A_1243 : vector<16xi32>
      %gather3A_1245 = tpu.vector_load_idx %arg9[%add3A_1244] : memref<19584xf32, #tpu.memory_space<vmem>>[vector<16xi32>], vector<16xf32>,
      %mul3A_1246 = arith.mulf %gather3A_1245, %get3A_992 : vector<16xf32>
      %add3A_1247 = arith.addi %get3A_982, %add3A_1243 : vector<16xi32>
      %gather3A_1248 = tpu.vector_load_idx %arg9[%add3A_1247] : memref<19584xf32, #tpu.memory_space<vmem>>[vector<16xi32>], vector<16xf32>,
      %mul3A_1249 = arith.mulf %gather3A_1248, %get3A_997 : vector<16xf32>
      %add3A_1250 = arith.addf %mul3A_1246, %mul3A_1249 : vector<16xf32>
      %add3A_1251 = arith.addi %get3A_987, %add3A_1243 : vector<16xi32>
      %gather3A_1252 = tpu.vector_load_idx %arg9[%add3A_1251] : memref<19584xf32, #tpu.memory_space<vmem>>[vector<16xi32>], vector<16xf32>,
      %mul3A_1253 = arith.mulf %gather3A_1252, %get3A_1002 : vector<16xf32>
      %add3A_1254 = arith.addf %add3A_1250, %mul3A_1253 : vector<16xf32>
      %mul3A_1255 = arith.constant 272 : i32
      %mul3A_1256 = arith.muli %scan3A_971, %mul3A_1255 : i32
      %add3A_1257 = arith.constant 192 : i32
      %add3A_1258 = arith.addi %mul3A_1256, %add3A_1257 : i32
      %swap3A_1259 = arith.index_cast %add3A_1258 : i32 to index
      %swap3A_1260 = tpu.vector_load %arg10[%swap3A_1259] {strides = array<i32>} : memref<13872xf32, #tpu.memory_space<vmem>>, vector<16xf32>,
      tpu.vector_store %arg10[%swap3A_1259], %add3A_1254 {strides = array<i32>} : memref<13872xf32, #tpu.memory_space<vmem>>, vector<16xf32>,
      %add3A_1261 = arith.constant 208 : i32
      %add3A_1262 = vector.broadcast %add3A_1261 : i32 to vector<16xi32>
      %add3A_1263 = arith.addi %iota3A, %add3A_1262 : vector<16xi32>
      %add3A_1264 = arith.addi %get3A_977, %add3A_1263 : vector<16xi32>
      %gather3A_1265 = tpu.vector_load_idx %arg9[%add3A_1264] : memref<19584xf32, #tpu.memory_space<vmem>>[vector<16xi32>], vector<16xf32>,
      %mul3A_1266 = arith.mulf %gather3A_1265, %get3A_992 : vector<16xf32>
      %add3A_1267 = arith.addi %get3A_982, %add3A_1263 : vector<16xi32>
      %gather3A_1268 = tpu.vector_load_idx %arg9[%add3A_1267] : memref<19584xf32, #tpu.memory_space<vmem>>[vector<16xi32>], vector<16xf32>,
      %mul3A_1269 = arith.mulf %gather3A_1268, %get3A_997 : vector<16xf32>
      %add3A_1270 = arith.addf %mul3A_1266, %mul3A_1269 : vector<16xf32>
      %add3A_1271 = arith.addi %get3A_987, %add3A_1263 : vector<16xi32>
      %gather3A_1272 = tpu.vector_load_idx %arg9[%add3A_1271] : memref<19584xf32, #tpu.memory_space<vmem>>[vector<16xi32>], vector<16xf32>,
      %mul3A_1273 = arith.mulf %gather3A_1272, %get3A_1002 : vector<16xf32>
      %add3A_1274 = arith.addf %add3A_1270, %mul3A_1273 : vector<16xf32>
      %mul3A_1275 = arith.constant 272 : i32
      %mul3A_1276 = arith.muli %scan3A_971, %mul3A_1275 : i32
      %add3A_1277 = arith.constant 208 : i32
      %add3A_1278 = arith.addi %mul3A_1276, %add3A_1277 : i32
      %swap3A_1279 = arith.index_cast %add3A_1278 : i32 to index
      %swap3A_1280 = tpu.vector_load %arg10[%swap3A_1279] {strides = array<i32>} : memref<13872xf32, #tpu.memory_space<vmem>>, vector<16xf32>,
      tpu.vector_store %arg10[%swap3A_1279], %add3A_1274 {strides = array<i32>} : memref<13872xf32, #tpu.memory_space<vmem>>, vector<16xf32>,
      %add3A_1281 = arith.constant 224 : i32
      %add3A_1282 = vector.broadcast %add3A_1281 : i32 to vector<16xi32>
      %add3A_1283 = arith.addi %iota3A, %add3A_1282 : vector<16xi32>
      %add3A_1284 = arith.addi %get3A_977, %add3A_1283 : vector<16xi32>
      %gather3A_1285 = tpu.vector_load_idx %arg9[%add3A_1284] : memref<19584xf32, #tpu.memory_space<vmem>>[vector<16xi32>], vector<16xf32>,
      %mul3A_1286 = arith.mulf %gather3A_1285, %get3A_992 : vector<16xf32>
      %add3A_1287 = arith.addi %get3A_982, %add3A_1283 : vector<16xi32>
      %gather3A_1288 = tpu.vector_load_idx %arg9[%add3A_1287] : memref<19584xf32, #tpu.memory_space<vmem>>[vector<16xi32>], vector<16xf32>,
      %mul3A_1289 = arith.mulf %gather3A_1288, %get3A_997 : vector<16xf32>
      %add3A_1290 = arith.addf %mul3A_1286, %mul3A_1289 : vector<16xf32>
      %add3A_1291 = arith.addi %get3A_987, %add3A_1283 : vector<16xi32>
      %gather3A_1292 = tpu.vector_load_idx %arg9[%add3A_1291] : memref<19584xf32, #tpu.memory_space<vmem>>[vector<16xi32>], vector<16xf32>,
      %mul3A_1293 = arith.mulf %gather3A_1292, %get3A_1002 : vector<16xf32>
      %add3A_1294 = arith.addf %add3A_1290, %mul3A_1293 : vector<16xf32>
      %mul3A_1295 = arith.constant 272 : i32
      %mul3A_1296 = arith.muli %scan3A_971, %mul3A_1295 : i32
      %add3A_1297 = arith.constant 224 : i32
      %add3A_1298 = arith.addi %mul3A_1296, %add3A_1297 : i32
      %swap3A_1299 = arith.index_cast %add3A_1298 : i32 to index
      %swap3A_1300 = tpu.vector_load %arg10[%swap3A_1299] {strides = array<i32>} : memref<13872xf32, #tpu.memory_space<vmem>>, vector<16xf32>,
      tpu.vector_store %arg10[%swap3A_1299], %add3A_1294 {strides = array<i32>} : memref<13872xf32, #tpu.memory_space<vmem>>, vector<16xf32>,
      %add3A_1301 = arith.constant 240 : i32
      %add3A_1302 = vector.broadcast %add3A_1301 : i32 to vector<16xi32>
      %add3A_1303 = arith.addi %iota3A, %add3A_1302 : vector<16xi32>
      %add3A_1304 = arith.addi %get3A_977, %add3A_1303 : vector<16xi32>
      %gather3A_1305 = tpu.vector_load_idx %arg9[%add3A_1304] : memref<19584xf32, #tpu.memory_space<vmem>>[vector<16xi32>], vector<16xf32>,
      %mul3A_1306 = arith.mulf %gather3A_1305, %get3A_992 : vector<16xf32>
      %add3A_1307 = arith.addi %get3A_982, %add3A_1303 : vector<16xi32>
      %gather3A_1308 = tpu.vector_load_idx %arg9[%add3A_1307] : memref<19584xf32, #tpu.memory_space<vmem>>[vector<16xi32>], vector<16xf32>,
      %mul3A_1309 = arith.mulf %gather3A_1308, %get3A_997 : vector<16xf32>
      %add3A_1310 = arith.addf %mul3A_1306, %mul3A_1309 : vector<16xf32>
      %add3A_1311 = arith.addi %get3A_987, %add3A_1303 : vector<16xi32>
      %gather3A_1312 = tpu.vector_load_idx %arg9[%add3A_1311] : memref<19584xf32, #tpu.memory_space<vmem>>[vector<16xi32>], vector<16xf32>,
      %mul3A_1313 = arith.mulf %gather3A_1312, %get3A_1002 : vector<16xf32>
      %add3A_1314 = arith.addf %add3A_1310, %mul3A_1313 : vector<16xf32>
      %mul3A_1315 = arith.constant 272 : i32
      %mul3A_1316 = arith.muli %scan3A_971, %mul3A_1315 : i32
      %add3A_1317 = arith.constant 240 : i32
      %add3A_1318 = arith.addi %mul3A_1316, %add3A_1317 : i32
      %swap3A_1319 = arith.index_cast %add3A_1318 : i32 to index
      %swap3A_1320 = tpu.vector_load %arg10[%swap3A_1319] {strides = array<i32>} : memref<13872xf32, #tpu.memory_space<vmem>>, vector<16xf32>,
      tpu.vector_store %arg10[%swap3A_1319], %add3A_1314 {strides = array<i32>} : memref<13872xf32, #tpu.memory_space<vmem>>, vector<16xf32>,
      %add3A_1321 = arith.constant 256 : i32
      %add3A_1322 = vector.broadcast %add3A_1321 : i32 to vector<16xi32>
      %add3A_1323 = arith.addi %iota3A, %add3A_1322 : vector<16xi32>
      %add3A_1324 = arith.addi %get3A_977, %add3A_1323 : vector<16xi32>
      %gather3A_1325 = tpu.vector_load_idx %arg9[%add3A_1324] : memref<19584xf32, #tpu.memory_space<vmem>>[vector<16xi32>], vector<16xf32>,
      %mul3A_1326 = arith.mulf %gather3A_1325, %get3A_992 : vector<16xf32>
      %add3A_1327 = arith.addi %get3A_982, %add3A_1323 : vector<16xi32>
      %gather3A_1328 = tpu.vector_load_idx %arg9[%add3A_1327] : memref<19584xf32, #tpu.memory_space<vmem>>[vector<16xi32>], vector<16xf32>,
      %mul3A_1329 = arith.mulf %gather3A_1328, %get3A_997 : vector<16xf32>
      %add3A_1330 = arith.addf %mul3A_1326, %mul3A_1329 : vector<16xf32>
      %add3A_1331 = arith.addi %get3A_987, %add3A_1323 : vector<16xi32>
      %gather3A_1332 = tpu.vector_load_idx %arg9[%add3A_1331] : memref<19584xf32, #tpu.memory_space<vmem>>[vector<16xi32>], vector<16xf32>,
      %mul3A_1333 = arith.mulf %gather3A_1332, %get3A_1002 : vector<16xf32>
      %add3A_1334 = arith.addf %add3A_1330, %mul3A_1333 : vector<16xf32>
      %mul3A_1335 = arith.constant 272 : i32
      %mul3A_1336 = arith.muli %scan3A_971, %mul3A_1335 : i32
      %add3A_1337 = arith.constant 256 : i32
      %add3A_1338 = arith.addi %mul3A_1336, %add3A_1337 : i32
      %swap3A_1339 = arith.index_cast %add3A_1338 : i32 to index
      %swap3A_1340 = tpu.vector_load %arg10[%swap3A_1339] {strides = array<i32>} : memref<13872xf32, #tpu.memory_space<vmem>>, vector<16xf32>,
      tpu.vector_store %arg10[%swap3A_1339], %add3A_1334 {strides = array<i32>} : memref<13872xf32, #tpu.memory_space<vmem>>, vector<16xf32>,
      %scan3A_1341 = arith.constant 0 : i32
      scf.yield %scan3A_1341 : i32
    }
    %scan3A_968 = arith.constant 51 : i32
    %mul3A_969 = arith.constant 272 : i32
    %mul3A_970 = arith.muli %min3A_3, %mul3A_969 : i32
    "tpu.region"() ({
      %run_scoped3A = tpu.sem_alloc : memref<!tpu.dma_semaphore, #tpu.memory_space<semaphore_mem>>
      %dma_start3A = tpu.memref_slice %arg7[%mul3A_970] : memref<442272xf32, #tpu.memory_space<hbm>> -> memref<13872xf32, #tpu.memory_space<hbm>>
      %dma_start3A_971 = tpu.memref_slice %arg7[%mul3A_970] : memref<442272xf32, #tpu.memory_space<hbm>> -> memref<13872xf32, #tpu.memory_space<hbm>>
      tpu.enqueue_dma source(%arg10 : memref<13872xf32, #tpu.memory_space<vmem>>) target(%dma_start3A_971 : memref<13872xf32, #tpu.memory_space<hbm>>) target_semaphore(%run_scoped3A : memref<!tpu.dma_semaphore, #tpu.memory_space<semaphore_mem>>)
      %dma_wait3A = tpu.memref_slice %arg7[%mul3A_970] : memref<442272xf32, #tpu.memory_space<hbm>> -> memref<13872xf32, #tpu.memory_space<hbm>>
      %dma_wait3A_972 = tpu.memref_slice %arg7[%mul3A_970] : memref<442272xf32, #tpu.memory_space<hbm>> -> memref<13872xf32, #tpu.memory_space<hbm>>
      tpu.wait_dma2 semaphore(%run_scoped3A : memref<!tpu.dma_semaphore, #tpu.memory_space<semaphore_mem>>) src(%arg10 : memref<13872xf32, #tpu.memory_space<vmem>>) dst(%dma_wait3A_972 : memref<13872xf32, #tpu.memory_space<hbm>>)
      tpu.yield
    }) : () -> ()
    return
  }
}

</mosaic_0001>

<sc_bundles>
// kernel: kernel.3.cloned.1.call-start
scs
__scs_entry_jumppad:
0x0: {  	(pc) =	sbr.rel $0x88, $3  }
0x1: {  	(tag) =	ssettag $0x0;
	lr =	simm.s32 $0x1  }
0x2: {  	[smem:$0x3FA0] =	sst lr;
	_ =	strace $0xD0000000  }
0x3: {  	_ = 	snop  }
0x4: {  	_ = 	snop  }
0x5: {  	_ = 	snop  }
0x6: {  	_ = 	snop  }
0x7: {  	_ = 	snop  }
__scs_overlays_trampoline_lowered:
0x8: {  	[smem:$0x3FAF] =	sst s0  }
0x9: {  	[smem:$0x3FB0] =	sst s1  }
0xa: {  	[smem:$0x3FB1] =	sst s2  }
0xb: {  	[smem:$0x3FB2] =	sst s3  }
0xc: {  	[smem:$0x3FB3] =	sst s4  }
0xd: {  	[smem:$0x3FB4] =	sst s5  }
0xe: {  	[smem:$0x3FB5] =	sst s6  }
0xf: {  	[smem:$0x3FB6] =	sst s7  }
0x10: {  	[smem:$0x3FB7] =	sst s8  }
0x11: {  	[smem:$0x3FB8] =	sst s9;
	s0 =	simm.s32 @!p0 $0x0  }
0x12: {  	s1 =	sld [smem:$0x3F9E];
	s0 =	simm.s32 @p0 $0x1  }
0x13: {  	[smem:$0x3FB9] =	sst s0;
	s0 =	simm.s32 @!p1 $0x0  }
0x14: {  	s2 =	sld [smem:$0x3F9D];
	s0 =	simm.s32 @p1 $0x1  }
0x15: {  	[smem:$0x3FBA] =	sst s0;
	s0 =	simm.s32 @!p2 $0x0  }
0x16: {  	s3 =	sld [smem:$0x3FDB];
	s0 =	simm.s32 @p2 $0x1  }
0x17: {  	s4 =	simm.s32 $0x1BF5;
	[smem:$0x3FBC] =	sst s0  }
0x18: {  	s0 =	sld [smem:$0x3F9F];
	_ =	swait.ge [sflag:s4], $0x0  }
0x19: {  	s7 =	sld [smem:$0x3FA0]  }
0x1a: {  	s8 =	sadd.s32 $0xFFFFE003, lr  }
0x1b: {  	s9 =	sadd.s32 $0xFFFFFEF7, lr;
	s5 =	simm.s32 $0xFFFFFFFF;
	p2 =	slt.u32 s8, $0xFFFFF086  }
0x1c: {  	p1 =	slt.u32 s9, $0xF7A;
	s5 =	simm.s32 @!p2 $0x0  }
0x1d: {  	s5 =	simm.s32 @p1 $0x1;
	p0 =	seq.s32 s7, s2  }
0x1e: {  	s7 =	smul.u32 @!p0 $0xF7A, s2;
	p2 =	seq.s32 @!p0 s5, $0x0  }
0x1f: {  	s9 =	smul.u32 $0xF7A, s1;
	s8 =	simm.s32 @!p0 $0x1BF5;
	p2 =	por !p2, p0  }
0x20: {  	[sflag:s8] =	ssyncset.s32 @!p0 $0xFFFFF086;
	s6 =	sadd.s32 @!p0 s3, s7;
	s7 =	simm.s32 @!p0 $0x108  }
0x21: {  	s3 =	sadd.s32 s3, s9;
	s6 =	sadd.s32 @!p0 $0x88, s6;
	s7 =	simm.s32 @p2 $0x1082  }
0x22: {  	[simem:s7], [sflag:s8] =	dma.local @!p0 [hbm:s6], $0xF7A  }
0x23: {  	s9 =	sor.u32 $0xD0000000, s2;
	s6 =	simm.s32 $0x108;
	_ =	swait.ge @!p0 [sflag:s8], $0x0  }
0x24: {  	s3 =	sadd.s32 $0x88, s3;
	s6 =	simm.s32 @!p1 $0x1082;
	[sflag:s4] =	ssyncset.s32 $0xFFFFF086  }
0x25: {  	[simem:s6], [sflag:s4] =	dma.local [hbm:s3], $0xF7A  }
0x26: {  	[smem:$0x3FA0] =	sst s1;
	(tag) =	ssettag s2;
	_ =	strace s9  }
0x27: {  	s1 =	sld [smem:$0x3FB0]  }
0x28: {  	s2 =	sld [smem:$0x3FB1]  }
0x29: {  	s4 =	sld [smem:$0x3FB3]  }
0x2a: {  	p0 =	seq.s32 s5, $0x0;
	s5 =	sld [smem:$0x3FB4]  }
0x2b: {  	s6 =	sld [smem:$0x3FB5]  }
0x2c: {  	s7 =	sld [smem:$0x3FB6]  }
0x2d: {  	s3 =	simm.s32 $0x108;
	s8 =	sld [smem:$0x3FB7]  }
0x2e: {  	s3 =	simm.s32 @!p0 $0x1082;
	s9 =	sld [smem:$0x3FB8]  }
0x2f: {  	lr =	sadd.s32 s0, s3;
	s0 =	sld [smem:$0x3FAF]  }
0x30: {  	s3 =	sld [smem:$0x3FB2]  }
0x31: {  	[smem:$0x3FBB] =	sst s10  }
0x32: {  	s10 =	sld [smem:$0x3FB9];
	_ =	sdelay $0x3  }
0x33: {  	p0 =	seq.s32 s10, $0x1;
	s10 =	sld [smem:$0x3FBB];
	_ =	sdelay $0x3  }
0x34: {  	[smem:$0x3FBB] =	sst s10  }
0x35: {  	s10 =	sld [smem:$0x3FBA];
	_ =	sdelay $0x3  }
0x36: {  	p1 =	seq.s32 s10, $0x1;
	s10 =	sld [smem:$0x3FBB];
	_ =	sdelay $0x3  }
0x37: {  	[smem:$0x3FBB] =	sst s10  }
0x38: {  	s10 =	sld [smem:$0x3FBC]  }
0x39: {  	_ = 	snop;
	(pc) =	sbr.ind lr, $3  }
0x3a: {  	_ = 	snop  }
0x3b: {  	_ = 	snop  }
0x3c: {  	p2 =	seq.s32 s10, $0x1;
	s10 =	sld [smem:$0x3FBB]  }
0x3d: {  	_ =	shalt  }
0x3e: {  	_ =	shalt  }
0x3f: {  	_ =	shalt  }
0x40: {  	_ =	shalt  }
0x41: {  	_ =	shalt  }
0x42: {  	_ =	shalt  }
0x43: {  	_ =	shalt  }
0x44: {  	_ =	shalt  }
0x45: {  	_ =	shalt  }
0x46: {  	_ =	shalt  }
0x47: {  	_ =	shalt  }
0x48: {  	_ =	shalt  }
0x49: {  	_ =	shalt  }
0x4a: {  	_ =	shalt  }
0x4b: {  	_ =	shalt  }
0x4c: {  	_ =	shalt  }
0x4d: {  	_ =	shalt  }
0x4e: {  	_ =	shalt  }
0x4f: {  	_ =	shalt  }
0x50: {  	_ =	shalt  }
0x51: {  	_ =	shalt  }
0x52: {  	_ =	shalt  }
0x53: {  	_ =	shalt  }
0x54: {  	_ =	shalt  }
0x55: {  	_ =	shalt  }
0x56: {  	_ =	shalt  }
0x57: {  	_ =	shalt  }
0x58: {  	_ =	shalt  }
0x59: {  	_ =	shalt  }
0x5a: {  	_ =	shalt  }
0x5b: {  	_ =	shalt  }
0x5c: {  	_ =	shalt  }
0x5d: {  	_ =	shalt  }
0x5e: {  	_ =	shalt  }
0x5f: {  	_ =	shalt  }
0x60: {  	_ =	shalt  }
0x61: {  	_ =	shalt  }
0x62: {  	_ =	shalt  }
0x63: {  	_ =	shalt  }
0x64: {  	_ =	shalt  }
0x65: {  	_ =	shalt  }
0x66: {  	_ =	shalt  }
0x67: {  	_ =	shalt  }
0x68: {  	_ =	shalt  }
0x69: {  	_ =	shalt  }
0x6a: {  	_ =	shalt  }
0x6b: {  	_ =	shalt  }
0x6c: {  	_ =	shalt  }
0x6d: {  	_ =	shalt  }
0x6e: {  	_ =	shalt  }
0x6f: {  	_ =	shalt  }
0x70: {  	_ =	shalt  }
0x71: {  	_ =	shalt  }
0x72: {  	_ =	shalt  }
0x73: {  	_ =	shalt  }
0x74: {  	_ =	shalt  }
0x75: {  	_ =	shalt  }
0x76: {  	_ =	shalt  }
0x77: {  	_ =	shalt  }
0x78: {  	_ =	shalt  }
0x79: {  	_ =	shalt  }
0x7a: {  	_ =	shalt  }
0x7b: {  	_ =	shalt  }
0x7c: {  	_ =	shalt  }
0x7d: {  	_ =	shalt  }
0x7e: {  	_ =	shalt  }
0x7f: {  	_ =	shalt  }
0x80: {  	_ =	shalt  }
0x81: {  	_ =	shalt  }
0x82: {  	_ =	shalt  }
0x83: {  	_ =	shalt  }
0x84: {  	_ =	shalt  }
0x85: {  	_ =	shalt  }
0x86: {  	_ =	shalt  }
0x87: {  	_ =	shalt  }
.Lfunc_end0:
.L_simem_size_0:
called_computation_lowered:
.L_overlay_start_0:
0x88: {  	s2 =	sld [smem:$0x3FD9]  }
0x89: {  	s3 =	sld [smem:$0x3FFE];
	_ =	sdelay $0x1  }
0x8a: {  	s1 =	srdreg.scid  }
0x8b: {  	s0 =	sand.u32 $0x1, s1  }
0x8c: {  	s17 =	sshll.u32 s0, $0xA;
	s2 =	sadd.s32 s3, s2  }
0x8d: {  	s2 =	sadd.s32 s2, s17  }
0x8e: {  	[smem:$0x3FC7] =	sst s2  }
0x8f: {  	_ = 	snop  }
0x90: {  	s2 =	sld [smem:$0x3FD0];
	(tm) =	ssettm $0x1  }
0x91: {  	s18 =	sld [smem:$0x3FFB];
	_ =	sdelay $0x3  }
0x92: {  	_ =	strace s18  }
0x93: {  	s3 =	sld [smem:$0x3FFC];
	_ =	sdelay $0x3  }
0x94: {  	_ =	strace s3  }
0x95: {  	s3 =	sld [smem:$0x3FFD];
	_ =	sdelay $0x3  }
0x96: {  	_ =	strace s3  }
0x97: {  	_ =	strace $0x8FFFFFFF  }
0x98: {  	s19 =	sld [smem:$0x3FDB];
	_ =	sdelay $0x1  }
0x99: {  	s4 =	simm.s32 $_scs_section_size  }
0x9a: {  	s5 =	simm.s32 $_size__tile_overlayer_lowered;
	s6 =	simm.s32 $_tile_overlayer_lowered  }
0x9b: {  	s22 =	simm.s32 $0x1BFF;
	s21 =	sshll.u32 s6, $0x1;
	s3 =	sadd.s32 s4, s19  }
0x9c: {  	s7 =	simm.s32 $0x0;
	s20 =	sshll.u32 s5, $0x1;
	s5 =	sadd.s32 s21, s3  }
0x9d: {  	[timem:s7], [sflag:s22] =	dma.local [hbm:s5], s20  }
0x9e: {  	_ =	swait.ge [sflag:s22], s20  }
0x9f: {  	s4 =	ssub.s32 $0x0, s20;
	[sflag:s22] =	ssyncset.done $0x0  }
0xa0: {  	[sflag:s22] =	ssyncadd.s32 s4;
	_ =	sdelay $0x1  }
0xa1: {  	s23 =	simm.s32 $0x1B8B  }
0xa2: {  	_ =	swait.ge [sflag:s23], $0x1  }
0xa3: {  	[sflag:s23] =	ssyncset.done $0x0  }
0xa4: {  	s25 =	simm.s32 $0x1B8E;
	s24 =	sld [smem:$0x3FFE];
	[sflag:s23] =	ssyncadd.s32 $0xFFFFFFFF  }
0xa5: {  	s26 =	simm.s32 $execute0_lowered;
	[smem:$0x3FD2] =	sst s25  }
0xa6: {  	s5 =	sshll.u32 s26, $0x1;
	_ =	strace $0x80000046;
	[dreg:$0x1] =	wrdreg $0xFFFFFFFF  }
0xa7: {  	s28 =	simm.s32 $_size_execute0_lowered;
	s3 =	sadd.s32 s3, s5;
	[dreg:$0x0] =	wrdreg $0x0  }
0xa8: {  	s5 =	sshll.u32 s28, $0x1;
	[dreg:$0x2] =	wrdreg s3  }
0xa9: {  	[dreg:$0x3] =	wrdreg s5  }
0xaa: {  	[dreg:$0x4] =	wrdreg $0xC0  }
0xab: {  	_ =	task [dreg:s7], $0x5FFFF  }
0xac: {  	[dreg:$0x1] =	wrdreg $0xFFFFFFFF  }
0xad: {  	[dreg:$0x0] =	wrdreg $0x60  }
0xae: {  	[dreg:$0x2] =	wrdreg s24  }
0xaf: {  	[dreg:$0x3] =	wrdreg s2  }
0xb0: {  	[dreg:$0x4] =	wrdreg $0x9  }
0xb1: {  	_ =	task.clear_ibuf [dreg:s7], $0x5FFFF;
	_ =	strace $0x90000046  }
0xb2: {  	s29 =	simm.s32 $0x9;
	_ =	strace $0x80000048  }
0xb3: {  	_ =	swait.ge [sflag:s29], $0x1  }
0xb4: {  	[sflag:s29] =	ssyncadd.s32 $0xFFFFFFFF  }
0xb5: {  	_ =	strace $0x90000048  }
0xb6: {  	_ =	sfence  }
0xb7: {  	s30 =	sld [smem:$0x0];
	_ =	sdelay $0x2  }
0xb8: {  	s31 =	sshll.u32 s1, $0xD;
	s1 =	sshrl.u32 s1, $0x2  }
0xb9: {  	s3 =	sand.u32 $0x4000, s31;
	s1 =	sadd.s32 s1, s30  }
0xba: {  	s0 =	sor.u32 s3, s0;
	s1 =	sshll.u32 s1, $0x11  }
0xbb: {  	s0 =	sor.u32 s1, s0  }
0xbc: {  	s0 =	sadd.s32 $0x8F2B, s0  }
0xbd: {  	[sflag:s0] =	ssyncadd.remote.s32 $0x1  }
0xbe: {  	_ =	sfence.sel $0xFFFF  }
0xbf: {  	[dreg:$0x0] =	wrdreg $0xFFFFFFFF;
	(pc) =	sbr.abs _section_cstart, $3  }
0xc0: {  	[dreg:$0x1] =	wrdreg $0xFFFFFFFF  }
0xc1: {  	_ =	task.clear_ibuf [dreg:s7], $0x2FFFF;
	_ =	strace $0x9FFFFFFF  }
0xc2: {  	(tm) =	ssettm $0x7FFFFFFF  }
0xc3: {  	_ =	shalt  }
tec
execute0_lowered:
.L_overlay_start_1:
0x0: {  	(tag) =	ssettag $0x1  }
0x1: {  	s1 =	srdreg.scid;
	s0 =	stileid.u32  }
0x2: {  	s4 =	sand.u32 $0x1, s1;
	s29 =	sshll.u32 s0, $0x1  }
0x3: {  	s3 =	sor.u32 s4, s29  }
0x4: {  	s1 =	smul.u32 $0x33, s3;
	_ =	sdelay $0x1  }
0x5: {  	s6 =	smin.u32 s1, $0x627  }
0x6: {  	s1 =	smul.u32 $0xF77F8717, s6  }
0x7: {  	s5 =	rddreg [dreg:$0x0]  }
0x8: {  	p0 =	seq.s32 s3, $0x0;
	s2 =	smul.u32 $0x159, s6;
	p1 =	sgt.u32 s1, $0xF1D48B  }
0x9: {  	s9 =	rddreg [dreg:$0x1];
	s12 =	simm.s32 $0x10C80;
	p0 =	por !p0, !p1  }
0xa: {  	s30 =	smulhi.u32 $0xF1D48C, s2;
	s2 =	simm.s32 $0x1;
	p0 =	por !p0, !p0  }
0xb: {  	s13 =	simm.s32 $0x11610;
	s14 =	simm.s32 $0x11A50;
	s2 =	simm.s32 @!p0 $0x0  }
0xc: {  	s15 =	simm.s32 $0x8040;
	s16 =	simm.s32 $0xCCC0;
	s1 =	ssub.s32 s30, s2  }
0xd: {  	s17 =	simm.s32 $0x0;
	s10 =	ssub.s32 $0x2, s4;
	p0 =	sgt.s32 s1, $0x2  }
0xe: {  	s4 =	sadd.s32 $0x22C00, s5;
	s8 =	smul.u32 $0x132, s3;
	s1 =	simm.s32 @!p0 $0x2  }
0xf: {  	s3 =	simm.s32 $0x1;
	s11 =	sshrl.u32 s10, $0x1;
	s1 =	smin.u32 s1, $0x7D0  }
0x10: {  	s10 =	ssub.s32 s10, s11;
	s11 =	simm.s32 $0x102F0;
	s7 =	smul.u32 $0x1C8, s1  }
0x11: {  	s8 =	sadd.s32 s8, s5;
	s31 =	smul.u32 $0x22, s6;
	s2 =	simm.s32 $0x0  }
0x12: {  	s10 =	smax.u32 s10, $0x1;
	[smem:$0x7FF] =	sst s2;
	s7 =	sadd.s32 $0xFFFFFC70, s7  }
0x13: {  	s9 =	sadd.s32 s9, s31;
	s1 =	rddreg [dreg:$0x2];
	s7 =	sshrl.u32 s7, $0x3  }
0x14: {  	_ =	strace $0x80000047;
	s7 =	sadd.s32 s7, s5;
	s5 =	sadd.s32 $0x22A00, s5  }
0x15: {  	v0 =	vlaneseq.u32;
	s6 =	sadd.s32 $0xC00, s7;
	s7 =	sadd.s32 $0x20200, s8;
	s8 =	sadd.s32 $0x1DA00, s8  }
.LBB2_1:
0x16: {  	[tilespmem:s2], [sflag:$0x1] =	stream.linear.gather [hbm4b:s6+s2], $0x8040, $0x38;
	[tilespmem:$0x11E90] =	vst v63  }
0x17: {  	_ =	swait.ge [sflag:s3], $0x8040  }
0x18: {  	[sflag:s3] =	ssyncset.done $0x0  }
0x19: {  	[sflag:s3] =	ssyncadd.s32 $0xFFFF7FC0  }
0x1a: {  	[tilespmem:s11], [sflag:$0x1] =	stream.linear.gather [hbm4b:s7+s2], $0x990, $0x38;
	[tilespmem:$0x11E90] =	vst v63  }
0x1b: {  	_ =	swait.ge [sflag:s3], $0x990  }
0x1c: {  	[sflag:s3] =	ssyncset.done $0x0  }
0x1d: {  	[sflag:s3] =	ssyncadd.s32 $0xFFFFF670  }
0x1e: {  	[tilespmem:s12], [sflag:$0x1] =	stream.linear.gather [hbm4b:s8+s2], $0x990, $0x38;
	[tilespmem:$0x11E90] =	vst v63  }
0x1f: {  	_ =	swait.ge [sflag:s3], $0x990  }
0x20: {  	[sflag:s3] =	ssyncset.done $0x0  }
0x21: {  	[sflag:s3] =	ssyncadd.s32 $0xFFFFF670  }
0x22: {  	[tilespmem:s13], [sflag:$0x1] =	stream.linear.gather [hbm4b:s4+s2], $0x440, $0x38;
	[tilespmem:$0x11E90] =	vst v63  }
0x23: {  	_ =	swait.ge [sflag:s3], $0x440  }
0x24: {  	[sflag:s3] =	ssyncset.done $0x0  }
0x25: {  	[sflag:s3] =	ssyncadd.s32 $0xFFFFFBC0  }
0x26: {  	[tilespmem:s14], [sflag:$0x1] =	stream.linear.gather [hbm4b:s5+s2], $0x440, $0x38;
	[tilespmem:$0x11E90] =	vst v63  }
0x27: {  	_ =	swait.ge [sflag:s3], $0x440  }
0x28: {  	[sflag:s3] =	ssyncset.done $0x0  }
0x29: {  	[sflag:s3] =	ssyncadd.s32 $0xFFFFFBC0  }
0x2a: {  	v5 =	vld [tilespmem:$0x11610]  }
0x2b: {  	v6 =	vld [tilespmem:$0x11620];
	_ =	sdelay $0x1  }
0x2c: {  	v7 =	vld [tilespmem:$0x11630];
	_ =	sdelay $0x1  }
0x2d: {  	v8 =	vld [tilespmem:$0x11640]  }
0x2e: {  	v1 =	vld [tilespmem:$0x11A50]  }
0x2f: {  	v2 =	vld [tilespmem:$0x11A60]  }
0x30: {  	v9 =	vld.idx.msk [tilespmem:v5+s2+$0x0], $0xffff  }
0x31: {  	v10 =	vld.idx.msk [tilespmem:v6+s2+$0x0], $0xffff  }
0x32: {  	v3 =	vld [tilespmem:$0x11A70]  }
0x33: {  	v11 =	vld.idx.msk [tilespmem:v7+s2+$0x0], $0xffff  }
0x34: {  	v4 =	vld [tilespmem:$0x11A80]  }
0x35: {  	v12 =	vld.idx.msk [tilespmem:v8+s2+$0x0], $0xffff  }
0x36: {  	v9 =	vmul.f32 v9, v1;
	v10 =	vmul.f32 v10, v2;
	_ =	sdelay $0x1  }
0x37: {  	v9 =	vadd.f32 v10, v9;
	v10 =	vmul.f32 v11, v3  }
0x38: {  	v5 =	vadd.s32 $0x1C8, v5;
	v6 =	vadd.s32 $0x1C8, v6  }
0x39: {  	v11 =	vadd.s32 s2, v5;
	v9 =	vadd.f32 v10, v9;
	v10 =	vmul.f32 v12, v4  }
0x3a: {  	v13 =	vadd.s32 s2, v6  }
0x3b: {  	v7 =	vadd.s32 $0x1C8, v7;
	v9 =	vadd.f32 v10, v9  }
0x3c: {  	v10 =	vadd.s32 s2, v7  }
0x3d: {  	v8 =	vadd.s32 $0x1C8, v8;
	[tilespmem:s15+$0x0] =	vst v9  }
0x3e: {  	v12 =	vadd.s32 s2, v8;
	v9 =	vld.idx.msk [tilespmem:v11+s2+$0x0], $0xffff  }
0x3f: {  	s19 =	simm.s32 $0x1C8;
	s20 =	simm.s32 $0x390;
	s18 =	simm.s32 $0x8040;
	v11 =	vld.idx.msk [tilespmem:v13+s2+$0x0], $0xffff  }
.LBB2_2:
0x40: {  	p0 =	sne.s32 s20, $0x7E78  }
0x41: {  	v10 =	vld.idx.msk [tilespmem:v10+s2+$0x0], $0xffff;
	_ =	sdelay $0x1  }
0x42: {  	v12 =	vld.idx.msk [tilespmem:v12+s2+$0x0], $0xffff;
	_ =	sdelay $0x1  }
0x43: {  	v9 =	vmul.f32 v9, v1;
	v11 =	vmul.f32 v11, v2;
	_ =	sdelay $0x1  }
0x44: {  	v9 =	vadd.f32 v11, v9;
	v10 =	vmul.f32 v10, v3;
	_ =	sdelay $0x1  }
0x45: {  	v11 =	vadd.s32 s19, v5;
	v9 =	vadd.f32 v10, v9;
	v10 =	vmul.f32 v12, v4  }
0x46: {  	v13 =	vadd.s32 s19, v6  }
.Ltmp0:
0x47: {  	v9 =	vadd.f32 v10, v9;
	(pc) =	sbr.rel @p0 .LBB2_2-.Ltmp0, $4  }
0x48: {  	s18 =	sadd.s32 $0x110, s18;
	v10 =	vadd.s32 s19, v7  }
0x49: {  	[tilespmem:s18+$0x0] =	vst v9  }
0x4a: {  	v12 =	vadd.s32 s19, v8;
	s19 =	smov.u32 s20;
	v9 =	vld.idx.msk [tilespmem:v11+s2+$0x0], $0xffff  }
0x4b: {  	s20 =	sadd.s32 $0x1C8, s20;
	v11 =	vld.idx.msk [tilespmem:v13+s2+$0x0], $0xffff  }
0x4c: {  	_ =	sdelay $0x3  }
0x4d: {  	v5 =	vld.idx.msk [tilespmem:v10+s2+$0x0], $0xffff;
	_ =	sdelay $0x1  }
0x4e: {  	v6 =	vld.idx.msk [tilespmem:v12+s2+$0x0], $0xffff  }
0x4f: {  	v1 =	vmul.f32 v9, v1;
	v2 =	vmul.f32 v11, v2;
	_ =	sdelay $0x1  }
0x50: {  	v1 =	vadd.f32 v2, v1;
	v2 =	vmul.f32 v5, v3;
	_ =	sdelay $0x1  }
0x51: {  	v1 =	vadd.f32 v2, v1;
	v2 =	vmul.f32 v6, v4;
	_ =	sdelay $0x1  }
0x52: {  	v1 =	vadd.f32 v2, v1  }
0x53: {  	s18 =	sadd.s32 $0x110, s18  }
0x54: {  	[tilespmem:s18+$0x0] =	vst v1  }
0x55: {  	v5 =	vld [tilespmem:$0x11650]  }
0x56: {  	v6 =	vld [tilespmem:$0x11660];
	_ =	sdelay $0x1  }
0x57: {  	v7 =	vld [tilespmem:$0x11670];
	_ =	sdelay $0x1  }
0x58: {  	v8 =	vld [tilespmem:$0x11680]  }
0x59: {  	v1 =	vld [tilespmem:$0x11A90]  }
0x5a: {  	v2 =	vld [tilespmem:$0x11AA0]  }
0x5b: {  	v9 =	vld.idx.msk [tilespmem:v5+s2+$0x0], $0xffff  }
0x5c: {  	v10 =	vld.idx.msk [tilespmem:v6+s2+$0x0], $0xffff  }
0x5d: {  	v3 =	vld [tilespmem:$0x11AB0]  }
0x5e: {  	v11 =	vld.idx.msk [tilespmem:v7+s2+$0x0], $0xffff  }
0x5f: {  	v4 =	vld [tilespmem:$0x11AC0]  }
0x60: {  	v12 =	vld.idx.msk [tilespmem:v8+s2+$0x0], $0xffff  }
0x61: {  	v9 =	vmul.f32 v9, v1;
	v10 =	vmul.f32 v10, v2;
	_ =	sdelay $0x1  }
0x62: {  	v9 =	vadd.f32 v10, v9;
	v10 =	vmul.f32 v11, v3  }
0x63: {  	s20 =	simm.s32 $0x0;
	v5 =	vadd.s32 $0x1C8, v5;
	v6 =	vadd.s32 $0x1C8, v6  }
0x64: {  	v11 =	vadd.s32 s20, v5;
	v9 =	vadd.f32 v10, v9;
	v10 =	vmul.f32 v12, v4  }
0x65: {  	v13 =	vadd.s32 s20, v6  }
0x66: {  	v7 =	vadd.s32 $0x1C8, v7;
	v9 =	vadd.f32 v10, v9  }
0x67: {  	s18 =	simm.s32 $0x8050;
	v10 =	vadd.s32 s20, v7  }
0x68: {  	v8 =	vadd.s32 $0x1C8, v8;
	[tilespmem:s18+$0x0] =	vst v9  }
0x69: {  	v12 =	vadd.s32 s20, v8;
	v9 =	vld.idx.msk [tilespmem:v11+s2+$0x0], $0xffff  }
0x6a: {  	s19 =	simm.s32 $0x1C8;
	s20 =	simm.s32 $0x390;
	v11 =	vld.idx.msk [tilespmem:v13+s2+$0x0], $0xffff  }
.LBB2_4:
0x6b: {  	p0 =	sne.s32 s20, $0x7E78  }
0x6c: {  	v10 =	vld.idx.msk [tilespmem:v10+s2+$0x0], $0xffff;
	_ =	sdelay $0x1  }
0x6d: {  	v12 =	vld.idx.msk [tilespmem:v12+s2+$0x0], $0xffff;
	_ =	sdelay $0x1  }
0x6e: {  	v9 =	vmul.f32 v9, v1;
	v11 =	vmul.f32 v11, v2;
	_ =	sdelay $0x1  }
0x6f: {  	v9 =	vadd.f32 v11, v9;
	v10 =	vmul.f32 v10, v3;
	_ =	sdelay $0x1  }
0x70: {  	v11 =	vadd.s32 s19, v5;
	v9 =	vadd.f32 v10, v9;
	v10 =	vmul.f32 v12, v4  }
0x71: {  	v13 =	vadd.s32 s19, v6  }
.Ltmp1:
0x72: {  	v9 =	vadd.f32 v10, v9;
	(pc) =	sbr.rel @p0 .LBB2_4-.Ltmp1, $4  }
0x73: {  	s18 =	sadd.s32 $0x110, s18;
	v10 =	vadd.s32 s19, v7  }
0x74: {  	[tilespmem:s18+$0x0] =	vst v9  }
0x75: {  	v12 =	vadd.s32 s19, v8;
	s19 =	smov.u32 s20;
	v9 =	vld.idx.msk [tilespmem:v11+s2+$0x0], $0xffff  }
0x76: {  	s20 =	sadd.s32 $0x1C8, s20;
	v11 =	vld.idx.msk [tilespmem:v13+s2+$0x0], $0xffff  }
0x77: {  	_ =	sdelay $0x3  }
0x78: {  	v5 =	vld.idx.msk [tilespmem:v10+s2+$0x0], $0xffff;
	_ =	sdelay $0x1  }
0x79: {  	v6 =	vld.idx.msk [tilespmem:v12+s2+$0x0], $0xffff  }
0x7a: {  	v1 =	vmul.f32 v9, v1;
	v2 =	vmul.f32 v11, v2;
	_ =	sdelay $0x1  }
0x7b: {  	v1 =	vadd.f32 v2, v1;
	v2 =	vmul.f32 v5, v3;
	_ =	sdelay $0x1  }
0x7c: {  	v1 =	vadd.f32 v2, v1;
	v2 =	vmul.f32 v6, v4;
	_ =	sdelay $0x1  }
0x7d: {  	v1 =	vadd.f32 v2, v1  }
0x7e: {  	s18 =	sadd.s32 $0x110, s18  }
0x7f: {  	[tilespmem:s18+$0x0] =	vst v1  }
0x80: {  	v5 =	vld [tilespmem:$0x11690]  }
0x81: {  	v6 =	vld [tilespmem:$0x116A0];
	_ =	sdelay $0x1  }
0x82: {  	v7 =	vld [tilespmem:$0x116B0];
	_ =	sdelay $0x1  }
0x83: {  	v8 =	vld [tilespmem:$0x116C0]  }
0x84: {  	v1 =	vld [tilespmem:$0x11AD0]  }
0x85: {  	v2 =	vld [tilespmem:$0x11AE0]  }
0x86: {  	v9 =	vld.idx.msk [tilespmem:v5+s2+$0x0], $0xffff  }
0x87: {  	v10 =	vld.idx.msk [tilespmem:v6+s2+$0x0], $0xffff  }
0x88: {  	v3 =	vld [tilespmem:$0x11AF0]  }
0x89: {  	v11 =	vld.idx.msk [tilespmem:v7+s2+$0x0], $0xffff  }
0x8a: {  	v4 =	vld [tilespmem:$0x11B00]  }
0x8b: {  	v12 =	vld.idx.msk [tilespmem:v8+s2+$0x0], $0xffff  }
0x8c: {  	v9 =	vmul.f32 v9, v1;
	v10 =	vmul.f32 v10, v2;
	_ =	sdelay $0x1  }
0x8d: {  	v9 =	vadd.f32 v10, v9;
	v10 =	vmul.f32 v11, v3  }
0x8e: {  	s20 =	simm.s32 $0x0;
	v5 =	vadd.s32 $0x1C8, v5;
	v6 =	vadd.s32 $0x1C8, v6  }
0x8f: {  	v11 =	vadd.s32 s20, v5;
	v9 =	vadd.f32 v10, v9;
	v10 =	vmul.f32 v12, v4  }
0x90: {  	v13 =	vadd.s32 s20, v6  }
0x91: {  	v7 =	vadd.s32 $0x1C8, v7;
	v9 =	vadd.f32 v10, v9  }
0x92: {  	s18 =	simm.s32 $0x8060;
	v10 =	vadd.s32 s20, v7  }
0x93: {  	v8 =	vadd.s32 $0x1C8, v8;
	[tilespmem:s18+$0x0] =	vst v9  }
0x94: {  	v12 =	vadd.s32 s20, v8;
	v9 =	vld.idx.msk [tilespmem:v11+s2+$0x0], $0xffff  }
0x95: {  	s19 =	simm.s32 $0x1C8;
	s20 =	simm.s32 $0x390;
	v11 =	vld.idx.msk [tilespmem:v13+s2+$0x0], $0xffff  }
.LBB2_6:
0x96: {  	p0 =	sne.s32 s20, $0x7E78  }
0x97: {  	v10 =	vld.idx.msk [tilespmem:v10+s2+$0x0], $0xffff;
	_ =	sdelay $0x1  }
0x98: {  	v12 =	vld.idx.msk [tilespmem:v12+s2+$0x0], $0xffff;
	_ =	sdelay $0x1  }
0x99: {  	v9 =	vmul.f32 v9, v1;
	v11 =	vmul.f32 v11, v2;
	_ =	sdelay $0x1  }
0x9a: {  	v9 =	vadd.f32 v11, v9;
	v10 =	vmul.f32 v10, v3;
	_ =	sdelay $0x1  }
0x9b: {  	v11 =	vadd.s32 s19, v5;
	v9 =	vadd.f32 v10, v9;
	v10 =	vmul.f32 v12, v4  }
0x9c: {  	v13 =	vadd.s32 s19, v6  }
.Ltmp2:
0x9d: {  	v9 =	vadd.f32 v10, v9;
	(pc) =	sbr.rel @p0 .LBB2_6-.Ltmp2, $4  }
0x9e: {  	s18 =	sadd.s32 $0x110, s18;
	v10 =	vadd.s32 s19, v7  }
0x9f: {  	[tilespmem:s18+$0x0] =	vst v9  }
0xa0: {  	v12 =	vadd.s32 s19, v8;
	s19 =	smov.u32 s20;
	v9 =	vld.idx.msk [tilespmem:v11+s2+$0x0], $0xffff  }
0xa1: {  	s20 =	sadd.s32 $0x1C8, s20;
	v11 =	vld.idx.msk [tilespmem:v13+s2+$0x0], $0xffff  }
0xa2: {  	_ =	sdelay $0x3  }
0xa3: {  	v5 =	vld.idx.msk [tilespmem:v10+s2+$0x0], $0xffff;
	_ =	sdelay $0x1  }
0xa4: {  	v6 =	vld.idx.msk [tilespmem:v12+s2+$0x0], $0xffff  }
0xa5: {  	v1 =	vmul.f32 v9, v1;
	v2 =	vmul.f32 v11, v2;
	_ =	sdelay $0x1  }
0xa6: {  	v1 =	vadd.f32 v2, v1;
	v2 =	vmul.f32 v5, v3;
	_ =	sdelay $0x1  }
0xa7: {  	v1 =	vadd.f32 v2, v1;
	v2 =	vmul.f32 v6, v4;
	_ =	sdelay $0x1  }
0xa8: {  	v1 =	vadd.f32 v2, v1  }
0xa9: {  	s18 =	sadd.s32 $0x110, s18  }
0xaa: {  	[tilespmem:s18+$0x0] =	vst v1  }
0xab: {  	v5 =	vld [tilespmem:$0x116D0]  }
0xac: {  	v6 =	vld [tilespmem:$0x116E0];
	_ =	sdelay $0x1  }
0xad: {  	v7 =	vld [tilespmem:$0x116F0];
	_ =	sdelay $0x1  }
0xae: {  	v8 =	vld [tilespmem:$0x11700]  }
0xaf: {  	v1 =	vld [tilespmem:$0x11B10]  }
0xb0: {  	v2 =	vld [tilespmem:$0x11B20]  }
0xb1: {  	v9 =	vld.idx.msk [tilespmem:v5+s2+$0x0], $0xffff  }
0xb2: {  	v10 =	vld.idx.msk [tilespmem:v6+s2+$0x0], $0xffff  }
0xb3: {  	v3 =	vld [tilespmem:$0x11B30]  }
0xb4: {  	v11 =	vld.idx.msk [tilespmem:v7+s2+$0x0], $0xffff  }
0xb5: {  	v4 =	vld [tilespmem:$0x11B40]  }
0xb6: {  	v12 =	vld.idx.msk [tilespmem:v8+s2+$0x0], $0xffff  }
0xb7: {  	v9 =	vmul.f32 v9, v1;
	v10 =	vmul.f32 v10, v2;
	_ =	sdelay $0x1  }
0xb8: {  	v9 =	vadd.f32 v10, v9;
	v10 =	vmul.f32 v11, v3  }
0xb9: {  	s20 =	simm.s32 $0x0;
	v5 =	vadd.s32 $0x1C8, v5;
	v6 =	vadd.s32 $0x1C8, v6  }
0xba: {  	v11 =	vadd.s32 s20, v5;
	v9 =	vadd.f32 v10, v9;
	v10 =	vmul.f32 v12, v4  }
0xbb: {  	v13 =	vadd.s32 s20, v6  }
0xbc: {  	v7 =	vadd.s32 $0x1C8, v7;
	v9 =	vadd.f32 v10, v9  }
0xbd: {  	s18 =	simm.s32 $0x8070;
	v10 =	vadd.s32 s20, v7  }
0xbe: {  	v8 =	vadd.s32 $0x1C8, v8;
	[tilespmem:s18+$0x0] =	vst v9  }
0xbf: {  	v12 =	vadd.s32 s20, v8;
	v9 =	vld.idx.msk [tilespmem:v11+s2+$0x0], $0xffff  }
0xc0: {  	s19 =	simm.s32 $0x1C8;
	s20 =	simm.s32 $0x390;
	v11 =	vld.idx.msk [tilespmem:v13+s2+$0x0], $0xffff  }
.LBB2_8:
0xc1: {  	p0 =	sne.s32 s20, $0x7E78  }
0xc2: {  	v10 =	vld.idx.msk [tilespmem:v10+s2+$0x0], $0xffff;
	_ =	sdelay $0x1  }
0xc3: {  	v12 =	vld.idx.msk [tilespmem:v12+s2+$0x0], $0xffff;
	_ =	sdelay $0x1  }
0xc4: {  	v9 =	vmul.f32 v9, v1;
	v11 =	vmul.f32 v11, v2;
	_ =	sdelay $0x1  }
0xc5: {  	v9 =	vadd.f32 v11, v9;
	v10 =	vmul.f32 v10, v3;
	_ =	sdelay $0x1  }
0xc6: {  	v11 =	vadd.s32 s19, v5;
	v9 =	vadd.f32 v10, v9;
	v10 =	vmul.f32 v12, v4  }
0xc7: {  	v13 =	vadd.s32 s19, v6  }
.Ltmp3:
0xc8: {  	v9 =	vadd.f32 v10, v9;
	(pc) =	sbr.rel @p0 .LBB2_8-.Ltmp3, $4  }
0xc9: {  	s18 =	sadd.s32 $0x110, s18;
	v10 =	vadd.s32 s19, v7  }
0xca: {  	[tilespmem:s18+$0x0] =	vst v9  }
0xcb: {  	v12 =	vadd.s32 s19, v8;
	s19 =	smov.u32 s20;
	v9 =	vld.idx.msk [tilespmem:v11+s2+$0x0], $0xffff  }
0xcc: {  	s20 =	sadd.s32 $0x1C8, s20;
	v11 =	vld.idx.msk [tilespmem:v13+s2+$0x0], $0xffff  }
0xcd: {  	_ =	sdelay $0x3  }
0xce: {  	v5 =	vld.idx.msk [tilespmem:v10+s2+$0x0], $0xffff;
	_ =	sdelay $0x1  }
0xcf: {  	v6 =	vld.idx.msk [tilespmem:v12+s2+$0x0], $0xffff  }
0xd0: {  	v1 =	vmul.f32 v9, v1;
	v2 =	vmul.f32 v11, v2;
	_ =	sdelay $0x1  }
0xd1: {  	v1 =	vadd.f32 v2, v1;
	v2 =	vmul.f32 v5, v3;
	_ =	sdelay $0x1  }
0xd2: {  	v1 =	vadd.f32 v2, v1;
	v2 =	vmul.f32 v6, v4;
	_ =	sdelay $0x1  }
0xd3: {  	v1 =	vadd.f32 v2, v1  }
0xd4: {  	s18 =	sadd.s32 $0x110, s18  }
0xd5: {  	[tilespmem:s18+$0x0] =	vst v1  }
0xd6: {  	v5 =	vld [tilespmem:$0x11710]  }
0xd7: {  	v6 =	vld [tilespmem:$0x11720];
	_ =	sdelay $0x1  }
0xd8: {  	v7 =	vld [tilespmem:$0x11730];
	_ =	sdelay $0x1  }
0xd9: {  	v8 =	vld [tilespmem:$0x11740]  }
0xda: {  	v1 =	vld [tilespmem:$0x11B50]  }
0xdb: {  	v2 =	vld [tilespmem:$0x11B60]  }
0xdc: {  	v9 =	vld.idx.msk [tilespmem:v5+s2+$0x0], $0xffff  }
0xdd: {  	v10 =	vld.idx.msk [tilespmem:v6+s2+$0x0], $0xffff  }
0xde: {  	v3 =	vld [tilespmem:$0x11B70]  }
0xdf: {  	v11 =	vld.idx.msk [tilespmem:v7+s2+$0x0], $0xffff  }
0xe0: {  	v4 =	vld [tilespmem:$0x11B80]  }
0xe1: {  	v12 =	vld.idx.msk [tilespmem:v8+s2+$0x0], $0xffff  }
0xe2: {  	v9 =	vmul.f32 v9, v1;
	v10 =	vmul.f32 v10, v2;
	_ =	sdelay $0x1  }
0xe3: {  	v9 =	vadd.f32 v10, v9;
	v10 =	vmul.f32 v11, v3  }
0xe4: {  	s20 =	simm.s32 $0x0;
	v5 =	vadd.s32 $0x1C8, v5;
	v6 =	vadd.s32 $0x1C8, v6  }
0xe5: {  	v11 =	vadd.s32 s20, v5;
	v9 =	vadd.f32 v10, v9;
	v10 =	vmul.f32 v12, v4  }
0xe6: {  	v13 =	vadd.s32 s20, v6  }
0xe7: {  	v7 =	vadd.s32 $0x1C8, v7;
	v9 =	vadd.f32 v10, v9  }
0xe8: {  	s18 =	simm.s32 $0x8080;
	v10 =	vadd.s32 s20, v7  }
0xe9: {  	v8 =	vadd.s32 $0x1C8, v8;
	[tilespmem:s18+$0x0] =	vst v9  }
0xea: {  	v12 =	vadd.s32 s20, v8;
	v9 =	vld.idx.msk [tilespmem:v11+s2+$0x0], $0xffff  }
0xeb: {  	s19 =	simm.s32 $0x1C8;
	s20 =	simm.s32 $0x390;
	v11 =	vld.idx.msk [tilespmem:v13+s2+$0x0], $0xffff  }
.LBB2_10:
0xec: {  	p0 =	sne.s32 s20, $0x7E78  }
0xed: {  	v10 =	vld.idx.msk [tilespmem:v10+s2+$0x0], $0xffff;
	_ =	sdelay $0x1  }
0xee: {  	v12 =	vld.idx.msk [tilespmem:v12+s2+$0x0], $0xffff;
	_ =	sdelay $0x1  }
0xef: {  	v9 =	vmul.f32 v9, v1;
	v11 =	vmul.f32 v11, v2;
	_ =	sdelay $0x1  }
0xf0: {  	v9 =	vadd.f32 v11, v9;
	v10 =	vmul.f32 v10, v3;
	_ =	sdelay $0x1  }
0xf1: {  	v11 =	vadd.s32 s19, v5;
	v9 =	vadd.f32 v10, v9;
	v10 =	vmul.f32 v12, v4  }
0xf2: {  	v13 =	vadd.s32 s19, v6  }
.Ltmp4:
0xf3: {  	v9 =	vadd.f32 v10, v9;
	(pc) =	sbr.rel @p0 .LBB2_10-.Ltmp4, $4  }
0xf4: {  	s18 =	sadd.s32 $0x110, s18;
	v10 =	vadd.s32 s19, v7  }
0xf5: {  	[tilespmem:s18+$0x0] =	vst v9  }
0xf6: {  	v12 =	vadd.s32 s19, v8;
	s19 =	smov.u32 s20;
	v9 =	vld.idx.msk [tilespmem:v11+s2+$0x0], $0xffff  }
0xf7: {  	s20 =	sadd.s32 $0x1C8, s20;
	v11 =	vld.idx.msk [tilespmem:v13+s2+$0x0], $0xffff  }
0xf8: {  	_ =	sdelay $0x3  }
0xf9: {  	v5 =	vld.idx.msk [tilespmem:v10+s2+$0x0], $0xffff;
	_ =	sdelay $0x1  }
0xfa: {  	v6 =	vld.idx.msk [tilespmem:v12+s2+$0x0], $0xffff  }
0xfb: {  	v1 =	vmul.f32 v9, v1;
	v2 =	vmul.f32 v11, v2;
	_ =	sdelay $0x1  }
0xfc: {  	v1 =	vadd.f32 v2, v1;
	v2 =	vmul.f32 v5, v3;
	_ =	sdelay $0x1  }
0xfd: {  	v1 =	vadd.f32 v2, v1;
	v2 =	vmul.f32 v6, v4;
	_ =	sdelay $0x1  }
0xfe: {  	v1 =	vadd.f32 v2, v1  }
0xff: {  	s18 =	sadd.s32 $0x110, s18  }
0x100: {  	[tilespmem:s18+$0x0] =	vst v1  }
0x101: {  	v5 =	vld [tilespmem:$0x11750]  }
0x102: {  	v6 =	vld [tilespmem:$0x11760];
	_ =	sdelay $0x1  }
0x103: {  	v7 =	vld [tilespmem:$0x11770];
	_ =	sdelay $0x1  }
0x104: {  	v8 =	vld [tilespmem:$0x11780]  }
0x105: {  	v1 =	vld [tilespmem:$0x11B90]  }
0x106: {  	v2 =	vld [tilespmem:$0x11BA0]  }
0x107: {  	v9 =	vld.idx.msk [tilespmem:v5+s2+$0x0], $0xffff  }
0x108: {  	v10 =	vld.idx.msk [tilespmem:v6+s2+$0x0], $0xffff  }
0x109: {  	v3 =	vld [tilespmem:$0x11BB0]  }
0x10a: {  	v11 =	vld.idx.msk [tilespmem:v7+s2+$0x0], $0xffff  }
0x10b: {  	v4 =	vld [tilespmem:$0x11BC0]  }
0x10c: {  	v12 =	vld.idx.msk [tilespmem:v8+s2+$0x0], $0xffff  }
0x10d: {  	v9 =	vmul.f32 v9, v1;
	v10 =	vmul.f32 v10, v2;
	_ =	sdelay $0x1  }
0x10e: {  	v9 =	vadd.f32 v10, v9;
	v10 =	vmul.f32 v11, v3  }
0x10f: {  	s20 =	simm.s32 $0x0;
	v5 =	vadd.s32 $0x1C8, v5;
	v6 =	vadd.s32 $0x1C8, v6  }
0x110: {  	v11 =	vadd.s32 s20, v5;
	v9 =	vadd.f32 v10, v9;
	v10 =	vmul.f32 v12, v4  }
0x111: {  	v13 =	vadd.s32 s20, v6  }
0x112: {  	v7 =	vadd.s32 $0x1C8, v7;
	v9 =	vadd.f32 v10, v9  }
0x113: {  	s18 =	simm.s32 $0x8090;
	v10 =	vadd.s32 s20, v7  }
0x114: {  	v8 =	vadd.s32 $0x1C8, v8;
	[tilespmem:s18+$0x0] =	vst v9  }
0x115: {  	v12 =	vadd.s32 s20, v8;
	v9 =	vld.idx.msk [tilespmem:v11+s2+$0x0], $0xffff  }
0x116: {  	s19 =	simm.s32 $0x1C8;
	s20 =	simm.s32 $0x390;
	v11 =	vld.idx.msk [tilespmem:v13+s2+$0x0], $0xffff  }
.LBB2_12:
0x117: {  	p0 =	sne.s32 s20, $0x7E78  }
0x118: {  	v10 =	vld.idx.msk [tilespmem:v10+s2+$0x0], $0xffff;
	_ =	sdelay $0x1  }
0x119: {  	v12 =	vld.idx.msk [tilespmem:v12+s2+$0x0], $0xffff;
	_ =	sdelay $0x1  }
0x11a: {  	v9 =	vmul.f32 v9, v1;
	v11 =	vmul.f32 v11, v2;
	_ =	sdelay $0x1  }
0x11b: {  	v9 =	vadd.f32 v11, v9;
	v10 =	vmul.f32 v10, v3;
	_ =	sdelay $0x1  }
0x11c: {  	v11 =	vadd.s32 s19, v5;
	v9 =	vadd.f32 v10, v9;
	v10 =	vmul.f32 v12, v4  }
0x11d: {  	v13 =	vadd.s32 s19, v6  }
.Ltmp5:
0x11e: {  	v9 =	vadd.f32 v10, v9;
	(pc) =	sbr.rel @p0 .LBB2_12-.Ltmp5, $4  }
0x11f: {  	s18 =	sadd.s32 $0x110, s18;
	v10 =	vadd.s32 s19, v7  }
0x120: {  	[tilespmem:s18+$0x0] =	vst v9  }
0x121: {  	v12 =	vadd.s32 s19, v8;
	s19 =	smov.u32 s20;
	v9 =	vld.idx.msk [tilespmem:v11+s2+$0x0], $0xffff  }
0x122: {  	s20 =	sadd.s32 $0x1C8, s20;
	v11 =	vld.idx.msk [tilespmem:v13+s2+$0x0], $0xffff  }
0x123: {  	_ =	sdelay $0x3  }
0x124: {  	v5 =	vld.idx.msk [tilespmem:v10+s2+$0x0], $0xffff;
	_ =	sdelay $0x1  }
0x125: {  	v6 =	vld.idx.msk [tilespmem:v12+s2+$0x0], $0xffff  }
0x126: {  	v1 =	vmul.f32 v9, v1;
	v2 =	vmul.f32 v11, v2;
	_ =	sdelay $0x1  }
0x127: {  	v1 =	vadd.f32 v2, v1;
	v2 =	vmul.f32 v5, v3;
	_ =	sdelay $0x1  }
0x128: {  	v1 =	vadd.f32 v2, v1;
	v2 =	vmul.f32 v6, v4;
	_ =	sdelay $0x1  }
0x129: {  	v1 =	vadd.f32 v2, v1  }
0x12a: {  	s18 =	sadd.s32 $0x110, s18  }
0x12b: {  	[tilespmem:s18+$0x0] =	vst v1  }
0x12c: {  	v5 =	vld [tilespmem:$0x11790]  }
0x12d: {  	v6 =	vld [tilespmem:$0x117A0];
	_ =	sdelay $0x1  }
0x12e: {  	v7 =	vld [tilespmem:$0x117B0];
	_ =	sdelay $0x1  }
0x12f: {  	v8 =	vld [tilespmem:$0x117C0]  }
0x130: {  	v1 =	vld [tilespmem:$0x11BD0]  }
0x131: {  	v2 =	vld [tilespmem:$0x11BE0]  }
0x132: {  	v9 =	vld.idx.msk [tilespmem:v5+s2+$0x0], $0xffff  }
0x133: {  	v10 =	vld.idx.msk [tilespmem:v6+s2+$0x0], $0xffff  }
0x134: {  	v3 =	vld [tilespmem:$0x11BF0]  }
0x135: {  	v11 =	vld.idx.msk [tilespmem:v7+s2+$0x0], $0xffff  }
0x136: {  	v4 =	vld [tilespmem:$0x11C00]  }
0x137: {  	v12 =	vld.idx.msk [tilespmem:v8+s2+$0x0], $0xffff  }
0x138: {  	v9 =	vmul.f32 v9, v1;
	v10 =	vmul.f32 v10, v2;
	_ =	sdelay $0x1  }
0x139: {  	v9 =	vadd.f32 v10, v9;
	v10 =	vmul.f32 v11, v3  }
0x13a: {  	s20 =	simm.s32 $0x0;
	v5 =	vadd.s32 $0x1C8, v5;
	v6 =	vadd.s32 $0x1C8, v6  }
0x13b: {  	v11 =	vadd.s32 s20, v5;
	v9 =	vadd.f32 v10, v9;
	v10 =	vmul.f32 v12, v4  }
0x13c: {  	v13 =	vadd.s32 s20, v6  }
0x13d: {  	v7 =	vadd.s32 $0x1C8, v7;
	v9 =	vadd.f32 v10, v9  }
0x13e: {  	s18 =	simm.s32 $0x80A0;
	v10 =	vadd.s32 s20, v7  }
0x13f: {  	v8 =	vadd.s32 $0x1C8, v8;
	[tilespmem:s18+$0x0] =	vst v9  }
0x140: {  	v12 =	vadd.s32 s20, v8;
	v9 =	vld.idx.msk [tilespmem:v11+s2+$0x0], $0xffff  }
0x141: {  	s19 =	simm.s32 $0x1C8;
	s20 =	simm.s32 $0x390;
	v11 =	vld.idx.msk [tilespmem:v13+s2+$0x0], $0xffff  }
.LBB2_14:
0x142: {  	p0 =	sne.s32 s20, $0x7E78  }
0x143: {  	v10 =	vld.idx.msk [tilespmem:v10+s2+$0x0], $0xffff;
	_ =	sdelay $0x1  }
0x144: {  	v12 =	vld.idx.msk [tilespmem:v12+s2+$0x0], $0xffff;
	_ =	sdelay $0x1  }
0x145: {  	v9 =	vmul.f32 v9, v1;
	v11 =	vmul.f32 v11, v2;
	_ =	sdelay $0x1  }
0x146: {  	v9 =	vadd.f32 v11, v9;
	v10 =	vmul.f32 v10, v3;
	_ =	sdelay $0x1  }
0x147: {  	v11 =	vadd.s32 s19, v5;
	v9 =	vadd.f32 v10, v9;
	v10 =	vmul.f32 v12, v4  }
0x148: {  	v13 =	vadd.s32 s19, v6  }
.Ltmp6:
0x149: {  	v9 =	vadd.f32 v10, v9;
	(pc) =	sbr.rel @p0 .LBB2_14-.Ltmp6, $4  }
0x14a: {  	s18 =	sadd.s32 $0x110, s18;
	v10 =	vadd.s32 s19, v7  }
0x14b: {  	[tilespmem:s18+$0x0] =	vst v9  }
0x14c: {  	v12 =	vadd.s32 s19, v8;
	s19 =	smov.u32 s20;
	v9 =	vld.idx.msk [tilespmem:v11+s2+$0x0], $0xffff  }
0x14d: {  	s20 =	sadd.s32 $0x1C8, s20;
	v11 =	vld.idx.msk [tilespmem:v13+s2+$0x0], $0xffff  }
0x14e: {  	_ =	sdelay $0x3  }
0x14f: {  	v5 =	vld.idx.msk [tilespmem:v10+s2+$0x0], $0xffff;
	_ =	sdelay $0x1  }
0x150: {  	v6 =	vld.idx.msk [tilespmem:v12+s2+$0x0], $0xffff  }
0x151: {  	v1 =	vmul.f32 v9, v1;
	v2 =	vmul.f32 v11, v2;
	_ =	sdelay $0x1  }
0x152: {  	v1 =	vadd.f32 v2, v1;
	v2 =	vmul.f32 v5, v3;
	_ =	sdelay $0x1  }
0x153: {  	v1 =	vadd.f32 v2, v1;
	v2 =	vmul.f32 v6, v4;
	_ =	sdelay $0x1  }
0x154: {  	v1 =	vadd.f32 v2, v1  }
0x155: {  	s18 =	sadd.s32 $0x110, s18  }
0x156: {  	[tilespmem:s18+$0x0] =	vst v1  }
0x157: {  	v5 =	vld [tilespmem:$0x117D0]  }
0x158: {  	v6 =	vld [tilespmem:$0x117E0];
	_ =	sdelay $0x1  }
0x159: {  	v7 =	vld [tilespmem:$0x117F0];
	_ =	sdelay $0x1  }
0x15a: {  	v8 =	vld [tilespmem:$0x11800]  }
0x15b: {  	v1 =	vld [tilespmem:$0x11C10]  }
0x15c: {  	v2 =	vld [tilespmem:$0x11C20]  }
0x15d: {  	v9 =	vld.idx.msk [tilespmem:v5+s2+$0x0], $0xffff  }
0x15e: {  	v10 =	vld.idx.msk [tilespmem:v6+s2+$0x0], $0xffff  }
0x15f: {  	v3 =	vld [tilespmem:$0x11C30]  }
0x160: {  	v11 =	vld.idx.msk [tilespmem:v7+s2+$0x0], $0xffff  }
0x161: {  	v4 =	vld [tilespmem:$0x11C40]  }
0x162: {  	v12 =	vld.idx.msk [tilespmem:v8+s2+$0x0], $0xffff  }
0x163: {  	v9 =	vmul.f32 v9, v1;
	v10 =	vmul.f32 v10, v2;
	_ =	sdelay $0x1  }
0x164: {  	v9 =	vadd.f32 v10, v9;
	v10 =	vmul.f32 v11, v3  }
0x165: {  	s20 =	simm.s32 $0x0;
	v5 =	vadd.s32 $0x1C8, v5;
	v6 =	vadd.s32 $0x1C8, v6  }
0x166: {  	v11 =	vadd.s32 s20, v5;
	v9 =	vadd.f32 v10, v9;
	v10 =	vmul.f32 v12, v4  }
0x167: {  	v13 =	vadd.s32 s20, v6  }
0x168: {  	v7 =	vadd.s32 $0x1C8, v7;
	v9 =	vadd.f32 v10, v9  }
0x169: {  	s18 =	simm.s32 $0x80B0;
	v10 =	vadd.s32 s20, v7  }
0x16a: {  	v8 =	vadd.s32 $0x1C8, v8;
	[tilespmem:s18+$0x0] =	vst v9  }
0x16b: {  	v12 =	vadd.s32 s20, v8;
	v9 =	vld.idx.msk [tilespmem:v11+s2+$0x0], $0xffff  }
0x16c: {  	s19 =	simm.s32 $0x1C8;
	s20 =	simm.s32 $0x390;
	v11 =	vld.idx.msk [tilespmem:v13+s2+$0x0], $0xffff  }
.LBB2_16:
0x16d: {  	p0 =	sne.s32 s20, $0x7E78  }
0x16e: {  	v10 =	vld.idx.msk [tilespmem:v10+s2+$0x0], $0xffff;
	_ =	sdelay $0x1  }
0x16f: {  	v12 =	vld.idx.msk [tilespmem:v12+s2+$0x0], $0xffff;
	_ =	sdelay $0x1  }
0x170: {  	v9 =	vmul.f32 v9, v1;
	v11 =	vmul.f32 v11, v2;
	_ =	sdelay $0x1  }
0x171: {  	v9 =	vadd.f32 v11, v9;
	v10 =	vmul.f32 v10, v3;
	_ =	sdelay $0x1  }
0x172: {  	v11 =	vadd.s32 s19, v5;
	v9 =	vadd.f32 v10, v9;
	v10 =	vmul.f32 v12, v4  }
0x173: {  	v13 =	vadd.s32 s19, v6  }
.Ltmp7:
0x174: {  	v9 =	vadd.f32 v10, v9;
	(pc) =	sbr.rel @p0 .LBB2_16-.Ltmp7, $4  }
0x175: {  	s18 =	sadd.s32 $0x110, s18;
	v10 =	vadd.s32 s19, v7  }
0x176: {  	[tilespmem:s18+$0x0] =	vst v9  }
0x177: {  	v12 =	vadd.s32 s19, v8;
	s19 =	smov.u32 s20;
	v9 =	vld.idx.msk [tilespmem:v11+s2+$0x0], $0xffff  }
0x178: {  	s20 =	sadd.s32 $0x1C8, s20;
	v11 =	vld.idx.msk [tilespmem:v13+s2+$0x0], $0xffff  }
0x179: {  	_ =	sdelay $0x3  }
0x17a: {  	v5 =	vld.idx.msk [tilespmem:v10+s2+$0x0], $0xffff;
	_ =	sdelay $0x1  }
0x17b: {  	v6 =	vld.idx.msk [tilespmem:v12+s2+$0x0], $0xffff  }
0x17c: {  	v1 =	vmul.f32 v9, v1;
	v2 =	vmul.f32 v11, v2;
	_ =	sdelay $0x1  }
0x17d: {  	v1 =	vadd.f32 v2, v1;
	v2 =	vmul.f32 v5, v3;
	_ =	sdelay $0x1  }
0x17e: {  	v1 =	vadd.f32 v2, v1;
	v2 =	vmul.f32 v6, v4;
	_ =	sdelay $0x1  }
0x17f: {  	v1 =	vadd.f32 v2, v1  }
0x180: {  	s18 =	sadd.s32 $0x110, s18  }
0x181: {  	[tilespmem:s18+$0x0] =	vst v1  }
0x182: {  	v5 =	vld [tilespmem:$0x11810]  }
0x183: {  	v6 =	vld [tilespmem:$0x11820];
	_ =	sdelay $0x1  }
0x184: {  	v7 =	vld [tilespmem:$0x11830];
	_ =	sdelay $0x1  }
0x185: {  	v8 =	vld [tilespmem:$0x11840]  }
0x186: {  	v1 =	vld [tilespmem:$0x11C50]  }
0x187: {  	v2 =	vld [tilespmem:$0x11C60]  }
0x188: {  	v9 =	vld.idx.msk [tilespmem:v5+s2+$0x0], $0xffff  }
0x189: {  	v10 =	vld.idx.msk [tilespmem:v6+s2+$0x0], $0xffff  }
0x18a: {  	v3 =	vld [tilespmem:$0x11C70]  }
0x18b: {  	v11 =	vld.idx.msk [tilespmem:v7+s2+$0x0], $0xffff  }
0x18c: {  	v4 =	vld [tilespmem:$0x11C80]  }
0x18d: {  	v12 =	vld.idx.msk [tilespmem:v8+s2+$0x0], $0xffff  }
0x18e: {  	v9 =	vmul.f32 v9, v1;
	v10 =	vmul.f32 v10, v2;
	_ =	sdelay $0x1  }
0x18f: {  	v9 =	vadd.f32 v10, v9;
	v10 =	vmul.f32 v11, v3  }
0x190: {  	s20 =	simm.s32 $0x0;
	v5 =	vadd.s32 $0x1C8, v5;
	v6 =	vadd.s32 $0x1C8, v6  }
0x191: {  	v11 =	vadd.s32 s20, v5;
	v9 =	vadd.f32 v10, v9;
	v10 =	vmul.f32 v12, v4  }
0x192: {  	v13 =	vadd.s32 s20, v6  }
0x193: {  	v7 =	vadd.s32 $0x1C8, v7;
	v9 =	vadd.f32 v10, v9  }
0x194: {  	s18 =	simm.s32 $0x80C0;
	v10 =	vadd.s32 s20, v7  }
0x195: {  	v8 =	vadd.s32 $0x1C8, v8;
	[tilespmem:s18+$0x0] =	vst v9  }
0x196: {  	v12 =	vadd.s32 s20, v8;
	v9 =	vld.idx.msk [tilespmem:v11+s2+$0x0], $0xffff  }
0x197: {  	s19 =	simm.s32 $0x1C8;
	s20 =	simm.s32 $0x390;
	v11 =	vld.idx.msk [tilespmem:v13+s2+$0x0], $0xffff  }
.LBB2_18:
0x198: {  	p0 =	sne.s32 s20, $0x7E78  }
0x199: {  	v10 =	vld.idx.msk [tilespmem:v10+s2+$0x0], $0xffff;
	_ =	sdelay $0x1  }
0x19a: {  	v12 =	vld.idx.msk [tilespmem:v12+s2+$0x0], $0xffff;
	_ =	sdelay $0x1  }
0x19b: {  	v9 =	vmul.f32 v9, v1;
	v11 =	vmul.f32 v11, v2;
	_ =	sdelay $0x1  }
0x19c: {  	v9 =	vadd.f32 v11, v9;
	v10 =	vmul.f32 v10, v3;
	_ =	sdelay $0x1  }
0x19d: {  	v11 =	vadd.s32 s19, v5;
	v9 =	vadd.f32 v10, v9;
	v10 =	vmul.f32 v12, v4  }
0x19e: {  	v13 =	vadd.s32 s19, v6  }
.Ltmp8:
0x19f: {  	v9 =	vadd.f32 v10, v9;
	(pc) =	sbr.rel @p0 .LBB2_18-.Ltmp8, $4  }
0x1a0: {  	s18 =	sadd.s32 $0x110, s18;
	v10 =	vadd.s32 s19, v7  }
0x1a1: {  	[tilespmem:s18+$0x0] =	vst v9  }
0x1a2: {  	v12 =	vadd.s32 s19, v8;
	s19 =	smov.u32 s20;
	v9 =	vld.idx.msk [tilespmem:v11+s2+$0x0], $0xffff  }
0x1a3: {  	s20 =	sadd.s32 $0x1C8, s20;
	v11 =	vld.idx.msk [tilespmem:v13+s2+$0x0], $0xffff  }
0x1a4: {  	_ =	sdelay $0x3  }
0x1a5: {  	v5 =	vld.idx.msk [tilespmem:v10+s2+$0x0], $0xffff;
	_ =	sdelay $0x1  }
0x1a6: {  	v6 =	vld.idx.msk [tilespmem:v12+s2+$0x0], $0xffff  }
0x1a7: {  	v1 =	vmul.f32 v9, v1;
	v2 =	vmul.f32 v11, v2;
	_ =	sdelay $0x1  }
0x1a8: {  	v1 =	vadd.f32 v2, v1;
	v2 =	vmul.f32 v5, v3;
	_ =	sdelay $0x1  }
0x1a9: {  	v1 =	vadd.f32 v2, v1;
	v2 =	vmul.f32 v6, v4;
	_ =	sdelay $0x1  }
0x1aa: {  	v1 =	vadd.f32 v2, v1  }
0x1ab: {  	s18 =	sadd.s32 $0x110, s18  }
0x1ac: {  	[tilespmem:s18+$0x0] =	vst v1  }
0x1ad: {  	v5 =	vld [tilespmem:$0x11850]  }
0x1ae: {  	v6 =	vld [tilespmem:$0x11860];
	_ =	sdelay $0x1  }
0x1af: {  	v7 =	vld [tilespmem:$0x11870];
	_ =	sdelay $0x1  }
0x1b0: {  	v8 =	vld [tilespmem:$0x11880]  }
0x1b1: {  	v1 =	vld [tilespmem:$0x11C90]  }
0x1b2: {  	v2 =	vld [tilespmem:$0x11CA0]  }
0x1b3: {  	v9 =	vld.idx.msk [tilespmem:v5+s2+$0x0], $0xffff  }
0x1b4: {  	v10 =	vld.idx.msk [tilespmem:v6+s2+$0x0], $0xffff  }
0x1b5: {  	v3 =	vld [tilespmem:$0x11CB0]  }
0x1b6: {  	v11 =	vld.idx.msk [tilespmem:v7+s2+$0x0], $0xffff  }
0x1b7: {  	v4 =	vld [tilespmem:$0x11CC0]  }
0x1b8: {  	v12 =	vld.idx.msk [tilespmem:v8+s2+$0x0], $0xffff  }
0x1b9: {  	v9 =	vmul.f32 v9, v1;
	v10 =	vmul.f32 v10, v2;
	_ =	sdelay $0x1  }
0x1ba: {  	v9 =	vadd.f32 v10, v9;
	v10 =	vmul.f32 v11, v3  }
0x1bb: {  	s20 =	simm.s32 $0x0;
	v5 =	vadd.s32 $0x1C8, v5;
	v6 =	vadd.s32 $0x1C8, v6  }
0x1bc: {  	v11 =	vadd.s32 s20, v5;
	v9 =	vadd.f32 v10, v9;
	v10 =	vmul.f32 v12, v4  }
0x1bd: {  	v13 =	vadd.s32 s20, v6  }
0x1be: {  	v7 =	vadd.s32 $0x1C8, v7;
	v9 =	vadd.f32 v10, v9  }
0x1bf: {  	s18 =	simm.s32 $0x80D0;
	v10 =	vadd.s32 s20, v7  }
0x1c0: {  	v8 =	vadd.s32 $0x1C8, v8;
	[tilespmem:s18+$0x0] =	vst v9  }
0x1c1: {  	v12 =	vadd.s32 s20, v8;
	v9 =	vld.idx.msk [tilespmem:v11+s2+$0x0], $0xffff  }
0x1c2: {  	s19 =	simm.s32 $0x1C8;
	s20 =	simm.s32 $0x390;
	v11 =	vld.idx.msk [tilespmem:v13+s2+$0x0], $0xffff  }
.LBB2_20:
0x1c3: {  	p0 =	sne.s32 s20, $0x7E78  }
0x1c4: {  	v10 =	vld.idx.msk [tilespmem:v10+s2+$0x0], $0xffff;
	_ =	sdelay $0x1  }
0x1c5: {  	v12 =	vld.idx.msk [tilespmem:v12+s2+$0x0], $0xffff;
	_ =	sdelay $0x1  }
0x1c6: {  	v9 =	vmul.f32 v9, v1;
	v11 =	vmul.f32 v11, v2;
	_ =	sdelay $0x1  }
0x1c7: {  	v9 =	vadd.f32 v11, v9;
	v10 =	vmul.f32 v10, v3;
	_ =	sdelay $0x1  }
0x1c8: {  	v11 =	vadd.s32 s19, v5;
	v9 =	vadd.f32 v10, v9;
	v10 =	vmul.f32 v12, v4  }
0x1c9: {  	v13 =	vadd.s32 s19, v6  }
.Ltmp9:
0x1ca: {  	v9 =	vadd.f32 v10, v9;
	(pc) =	sbr.rel @p0 .LBB2_20-.Ltmp9, $4  }
0x1cb: {  	s18 =	sadd.s32 $0x110, s18;
	v10 =	vadd.s32 s19, v7  }
0x1cc: {  	[tilespmem:s18+$0x0] =	vst v9  }
0x1cd: {  	v12 =	vadd.s32 s19, v8;
	s19 =	smov.u32 s20;
	v9 =	vld.idx.msk [tilespmem:v11+s2+$0x0], $0xffff  }
0x1ce: {  	s20 =	sadd.s32 $0x1C8, s20;
	v11 =	vld.idx.msk [tilespmem:v13+s2+$0x0], $0xffff  }
0x1cf: {  	_ =	sdelay $0x3  }
0x1d0: {  	v5 =	vld.idx.msk [tilespmem:v10+s2+$0x0], $0xffff;
	_ =	sdelay $0x1  }
0x1d1: {  	v6 =	vld.idx.msk [tilespmem:v12+s2+$0x0], $0xffff  }
0x1d2: {  	v1 =	vmul.f32 v9, v1;
	v2 =	vmul.f32 v11, v2;
	_ =	sdelay $0x1  }
0x1d3: {  	v1 =	vadd.f32 v2, v1;
	v2 =	vmul.f32 v5, v3;
	_ =	sdelay $0x1  }
0x1d4: {  	v1 =	vadd.f32 v2, v1;
	v2 =	vmul.f32 v6, v4;
	_ =	sdelay $0x1  }
0x1d5: {  	v1 =	vadd.f32 v2, v1  }
0x1d6: {  	s18 =	sadd.s32 $0x110, s18  }
0x1d7: {  	[tilespmem:s18+$0x0] =	vst v1  }
0x1d8: {  	v5 =	vld [tilespmem:$0x11890]  }
0x1d9: {  	v6 =	vld [tilespmem:$0x118A0];
	_ =	sdelay $0x1  }
0x1da: {  	v7 =	vld [tilespmem:$0x118B0];
	_ =	sdelay $0x1  }
0x1db: {  	v8 =	vld [tilespmem:$0x118C0]  }
0x1dc: {  	v1 =	vld [tilespmem:$0x11CD0]  }
0x1dd: {  	v2 =	vld [tilespmem:$0x11CE0]  }
0x1de: {  	v9 =	vld.idx.msk [tilespmem:v5+s2+$0x0], $0xffff  }
0x1df: {  	v10 =	vld.idx.msk [tilespmem:v6+s2+$0x0], $0xffff  }
0x1e0: {  	v3 =	vld [tilespmem:$0x11CF0]  }
0x1e1: {  	v11 =	vld.idx.msk [tilespmem:v7+s2+$0x0], $0xffff  }
0x1e2: {  	v4 =	vld [tilespmem:$0x11D00]  }
0x1e3: {  	v12 =	vld.idx.msk [tilespmem:v8+s2+$0x0], $0xffff  }
0x1e4: {  	v9 =	vmul.f32 v9, v1;
	v10 =	vmul.f32 v10, v2;
	_ =	sdelay $0x1  }
0x1e5: {  	v9 =	vadd.f32 v10, v9;
	v10 =	vmul.f32 v11, v3  }
0x1e6: {  	s20 =	simm.s32 $0x0;
	v5 =	vadd.s32 $0x1C8, v5;
	v6 =	vadd.s32 $0x1C8, v6  }
0x1e7: {  	v11 =	vadd.s32 s20, v5;
	v9 =	vadd.f32 v10, v9;
	v10 =	vmul.f32 v12, v4  }
0x1e8: {  	v13 =	vadd.s32 s20, v6  }
0x1e9: {  	v7 =	vadd.s32 $0x1C8, v7;
	v9 =	vadd.f32 v10, v9  }
0x1ea: {  	s18 =	simm.s32 $0x80E0;
	v10 =	vadd.s32 s20, v7  }
0x1eb: {  	v8 =	vadd.s32 $0x1C8, v8;
	[tilespmem:s18+$0x0] =	vst v9  }
0x1ec: {  	v12 =	vadd.s32 s20, v8;
	v9 =	vld.idx.msk [tilespmem:v11+s2+$0x0], $0xffff  }
0x1ed: {  	s19 =	simm.s32 $0x1C8;
	s20 =	simm.s32 $0x390;
	v11 =	vld.idx.msk [tilespmem:v13+s2+$0x0], $0xffff  }
.LBB2_22:
0x1ee: {  	p0 =	sne.s32 s20, $0x7E78  }
0x1ef: {  	v10 =	vld.idx.msk [tilespmem:v10+s2+$0x0], $0xffff;
	_ =	sdelay $0x1  }
0x1f0: {  	v12 =	vld.idx.msk [tilespmem:v12+s2+$0x0], $0xffff;
	_ =	sdelay $0x1  }
0x1f1: {  	v9 =	vmul.f32 v9, v1;
	v11 =	vmul.f32 v11, v2;
	_ =	sdelay $0x1  }
0x1f2: {  	v9 =	vadd.f32 v11, v9;
	v10 =	vmul.f32 v10, v3;
	_ =	sdelay $0x1  }
0x1f3: {  	v11 =	vadd.s32 s19, v5;
	v9 =	vadd.f32 v10, v9;
	v10 =	vmul.f32 v12, v4  }
0x1f4: {  	v13 =	vadd.s32 s19, v6  }
.Ltmp10:
0x1f5: {  	v9 =	vadd.f32 v10, v9;
	(pc) =	sbr.rel @p0 .LBB2_22-.Ltmp10, $4  }
0x1f6: {  	s18 =	sadd.s32 $0x110, s18;
	v10 =	vadd.s32 s19, v7  }
0x1f7: {  	[tilespmem:s18+$0x0] =	vst v9  }
0x1f8: {  	v12 =	vadd.s32 s19, v8;
	s19 =	smov.u32 s20;
	v9 =	vld.idx.msk [tilespmem:v11+s2+$0x0], $0xffff  }
0x1f9: {  	s20 =	sadd.s32 $0x1C8, s20;
	v11 =	vld.idx.msk [tilespmem:v13+s2+$0x0], $0xffff  }
0x1fa: {  	_ =	sdelay $0x3  }
0x1fb: {  	v5 =	vld.idx.msk [tilespmem:v10+s2+$0x0], $0xffff;
	_ =	sdelay $0x1  }
0x1fc: {  	v6 =	vld.idx.msk [tilespmem:v12+s2+$0x0], $0xffff  }
0x1fd: {  	v1 =	vmul.f32 v9, v1;
	v2 =	vmul.f32 v11, v2;
	_ =	sdelay $0x1  }
0x1fe: {  	v1 =	vadd.f32 v2, v1;
	v2 =	vmul.f32 v5, v3;
	_ =	sdelay $0x1  }
0x1ff: {  	v1 =	vadd.f32 v2, v1;
	v2 =	vmul.f32 v6, v4;
	_ =	sdelay $0x1  }
0x200: {  	v1 =	vadd.f32 v2, v1  }
0x201: {  	s18 =	sadd.s32 $0x110, s18  }
0x202: {  	[tilespmem:s18+$0x0] =	vst v1  }
0x203: {  	v5 =	vld [tilespmem:$0x118D0]  }
0x204: {  	v6 =	vld [tilespmem:$0x118E0];
	_ =	sdelay $0x1  }
0x205: {  	v7 =	vld [tilespmem:$0x118F0];
	_ =	sdelay $0x1  }
0x206: {  	v8 =	vld [tilespmem:$0x11900]  }
0x207: {  	v1 =	vld [tilespmem:$0x11D10]  }
0x208: {  	v2 =	vld [tilespmem:$0x11D20]  }
0x209: {  	v9 =	vld.idx.msk [tilespmem:v5+s2+$0x0], $0xffff  }
0x20a: {  	v10 =	vld.idx.msk [tilespmem:v6+s2+$0x0], $0xffff  }
0x20b: {  	v3 =	vld [tilespmem:$0x11D30]  }
0x20c: {  	v11 =	vld.idx.msk [tilespmem:v7+s2+$0x0], $0xffff  }
0x20d: {  	v4 =	vld [tilespmem:$0x11D40]  }
0x20e: {  	v12 =	vld.idx.msk [tilespmem:v8+s2+$0x0], $0xffff  }
0x20f: {  	v9 =	vmul.f32 v9, v1;
	v10 =	vmul.f32 v10, v2;
	_ =	sdelay $0x1  }
0x210: {  	v9 =	vadd.f32 v10, v9;
	v10 =	vmul.f32 v11, v3  }
0x211: {  	s20 =	simm.s32 $0x0;
	v5 =	vadd.s32 $0x1C8, v5;
	v6 =	vadd.s32 $0x1C8, v6  }
0x212: {  	v11 =	vadd.s32 s20, v5;
	v9 =	vadd.f32 v10, v9;
	v10 =	vmul.f32 v12, v4  }
0x213: {  	v13 =	vadd.s32 s20, v6  }
0x214: {  	v7 =	vadd.s32 $0x1C8, v7;
	v9 =	vadd.f32 v10, v9  }
0x215: {  	s18 =	simm.s32 $0x80F0;
	v10 =	vadd.s32 s20, v7  }
0x216: {  	v8 =	vadd.s32 $0x1C8, v8;
	[tilespmem:s18+$0x0] =	vst v9  }
0x217: {  	v12 =	vadd.s32 s20, v8;
	v9 =	vld.idx.msk [tilespmem:v11+s2+$0x0], $0xffff  }
0x218: {  	s19 =	simm.s32 $0x1C8;
	s20 =	simm.s32 $0x390;
	v11 =	vld.idx.msk [tilespmem:v13+s2+$0x0], $0xffff  }
.LBB2_24:
0x219: {  	p0 =	sne.s32 s20, $0x7E78  }
0x21a: {  	v10 =	vld.idx.msk [tilespmem:v10+s2+$0x0], $0xffff;
	_ =	sdelay $0x1  }
0x21b: {  	v12 =	vld.idx.msk [tilespmem:v12+s2+$0x0], $0xffff;
	_ =	sdelay $0x1  }
0x21c: {  	v9 =	vmul.f32 v9, v1;
	v11 =	vmul.f32 v11, v2;
	_ =	sdelay $0x1  }
0x21d: {  	v9 =	vadd.f32 v11, v9;
	v10 =	vmul.f32 v10, v3;
	_ =	sdelay $0x1  }
0x21e: {  	v11 =	vadd.s32 s19, v5;
	v9 =	vadd.f32 v10, v9;
	v10 =	vmul.f32 v12, v4  }
0x21f: {  	v13 =	vadd.s32 s19, v6  }
.Ltmp11:
0x220: {  	v9 =	vadd.f32 v10, v9;
	(pc) =	sbr.rel @p0 .LBB2_24-.Ltmp11, $4  }
0x221: {  	s18 =	sadd.s32 $0x110, s18;
	v10 =	vadd.s32 s19, v7  }
0x222: {  	[tilespmem:s18+$0x0] =	vst v9  }
0x223: {  	v12 =	vadd.s32 s19, v8;
	s19 =	smov.u32 s20;
	v9 =	vld.idx.msk [tilespmem:v11+s2+$0x0], $0xffff  }
0x224: {  	s20 =	sadd.s32 $0x1C8, s20;
	v11 =	vld.idx.msk [tilespmem:v13+s2+$0x0], $0xffff  }
0x225: {  	_ =	sdelay $0x3  }
0x226: {  	v5 =	vld.idx.msk [tilespmem:v10+s2+$0x0], $0xffff;
	_ =	sdelay $0x1  }
0x227: {  	v6 =	vld.idx.msk [tilespmem:v12+s2+$0x0], $0xffff  }
0x228: {  	v1 =	vmul.f32 v9, v1;
	v2 =	vmul.f32 v11, v2;
	_ =	sdelay $0x1  }
0x229: {  	v1 =	vadd.f32 v2, v1;
	v2 =	vmul.f32 v5, v3;
	_ =	sdelay $0x1  }
0x22a: {  	v1 =	vadd.f32 v2, v1;
	v2 =	vmul.f32 v6, v4;
	_ =	sdelay $0x1  }
0x22b: {  	v1 =	vadd.f32 v2, v1  }
0x22c: {  	s18 =	sadd.s32 $0x110, s18  }
0x22d: {  	[tilespmem:s18+$0x0] =	vst v1  }
0x22e: {  	v5 =	vld [tilespmem:$0x11910]  }
0x22f: {  	v6 =	vld [tilespmem:$0x11920];
	_ =	sdelay $0x1  }
0x230: {  	v7 =	vld [tilespmem:$0x11930];
	_ =	sdelay $0x1  }
0x231: {  	v8 =	vld [tilespmem:$0x11940]  }
0x232: {  	v1 =	vld [tilespmem:$0x11D50]  }
0x233: {  	v2 =	vld [tilespmem:$0x11D60]  }
0x234: {  	v9 =	vld.idx.msk [tilespmem:v5+s2+$0x0], $0xffff  }
0x235: {  	v10 =	vld.idx.msk [tilespmem:v6+s2+$0x0], $0xffff  }
0x236: {  	v3 =	vld [tilespmem:$0x11D70]  }
0x237: {  	v11 =	vld.idx.msk [tilespmem:v7+s2+$0x0], $0xffff  }
0x238: {  	v4 =	vld [tilespmem:$0x11D80]  }
0x239: {  	v12 =	vld.idx.msk [tilespmem:v8+s2+$0x0], $0xffff  }
0x23a: {  	v9 =	vmul.f32 v9, v1;
	v10 =	vmul.f32 v10, v2;
	_ =	sdelay $0x1  }
0x23b: {  	v9 =	vadd.f32 v10, v9;
	v10 =	vmul.f32 v11, v3  }
0x23c: {  	s20 =	simm.s32 $0x0;
	v5 =	vadd.s32 $0x1C8, v5;
	v6 =	vadd.s32 $0x1C8, v6  }
0x23d: {  	v11 =	vadd.s32 s20, v5;
	v9 =	vadd.f32 v10, v9;
	v10 =	vmul.f32 v12, v4  }
0x23e: {  	v13 =	vadd.s32 s20, v6  }
0x23f: {  	v7 =	vadd.s32 $0x1C8, v7;
	v9 =	vadd.f32 v10, v9  }
0x240: {  	s18 =	simm.s32 $0x8100;
	v10 =	vadd.s32 s20, v7  }
0x241: {  	v8 =	vadd.s32 $0x1C8, v8;
	[tilespmem:s18+$0x0] =	vst v9  }
0x242: {  	v12 =	vadd.s32 s20, v8;
	v9 =	vld.idx.msk [tilespmem:v11+s2+$0x0], $0xffff  }
0x243: {  	s19 =	simm.s32 $0x1C8;
	s20 =	simm.s32 $0x390;
	v11 =	vld.idx.msk [tilespmem:v13+s2+$0x0], $0xffff  }
.LBB2_26:
0x244: {  	p0 =	sne.s32 s20, $0x7E78  }
0x245: {  	v10 =	vld.idx.msk [tilespmem:v10+s2+$0x0], $0xffff;
	_ =	sdelay $0x1  }
0x246: {  	v12 =	vld.idx.msk [tilespmem:v12+s2+$0x0], $0xffff;
	_ =	sdelay $0x1  }
0x247: {  	v9 =	vmul.f32 v9, v1;
	v11 =	vmul.f32 v11, v2;
	_ =	sdelay $0x1  }
0x248: {  	v9 =	vadd.f32 v11, v9;
	v10 =	vmul.f32 v10, v3;
	_ =	sdelay $0x1  }
0x249: {  	v11 =	vadd.s32 s19, v5;
	v9 =	vadd.f32 v10, v9;
	v10 =	vmul.f32 v12, v4  }
0x24a: {  	v13 =	vadd.s32 s19, v6  }
.Ltmp12:
0x24b: {  	v9 =	vadd.f32 v10, v9;
	(pc) =	sbr.rel @p0 .LBB2_26-.Ltmp12, $4  }
0x24c: {  	s18 =	sadd.s32 $0x110, s18;
	v10 =	vadd.s32 s19, v7  }
0x24d: {  	[tilespmem:s18+$0x0] =	vst v9  }
0x24e: {  	v12 =	vadd.s32 s19, v8;
	s19 =	smov.u32 s20;
	v9 =	vld.idx.msk [tilespmem:v11+s2+$0x0], $0xffff  }
0x24f: {  	s20 =	sadd.s32 $0x1C8, s20;
	v11 =	vld.idx.msk [tilespmem:v13+s2+$0x0], $0xffff  }
0x250: {  	_ =	sdelay $0x3  }
0x251: {  	v5 =	vld.idx.msk [tilespmem:v10+s2+$0x0], $0xffff;
	_ =	sdelay $0x1  }
0x252: {  	v6 =	vld.idx.msk [tilespmem:v12+s2+$0x0], $0xffff  }
0x253: {  	v1 =	vmul.f32 v9, v1;
	v2 =	vmul.f32 v11, v2;
	_ =	sdelay $0x1  }
0x254: {  	v1 =	vadd.f32 v2, v1;
	v2 =	vmul.f32 v5, v3;
	_ =	sdelay $0x1  }
0x255: {  	v1 =	vadd.f32 v2, v1;
	v2 =	vmul.f32 v6, v4;
	_ =	sdelay $0x1  }
0x256: {  	v1 =	vadd.f32 v2, v1  }
0x257: {  	s18 =	sadd.s32 $0x110, s18  }
0x258: {  	[tilespmem:s18+$0x0] =	vst v1  }
0x259: {  	v5 =	vld [tilespmem:$0x11950]  }
0x25a: {  	v6 =	vld [tilespmem:$0x11960];
	_ =	sdelay $0x1  }
0x25b: {  	v7 =	vld [tilespmem:$0x11970];
	_ =	sdelay $0x1  }
0x25c: {  	v8 =	vld [tilespmem:$0x11980]  }
0x25d: {  	v1 =	vld [tilespmem:$0x11D90]  }
0x25e: {  	v2 =	vld [tilespmem:$0x11DA0]  }
0x25f: {  	v9 =	vld.idx.msk [tilespmem:v5+s2+$0x0], $0xffff  }
0x260: {  	v10 =	vld.idx.msk [tilespmem:v6+s2+$0x0], $0xffff  }
0x261: {  	v3 =	vld [tilespmem:$0x11DB0]  }
0x262: {  	v11 =	vld.idx.msk [tilespmem:v7+s2+$0x0], $0xffff  }
0x263: {  	v4 =	vld [tilespmem:$0x11DC0]  }
0x264: {  	v12 =	vld.idx.msk [tilespmem:v8+s2+$0x0], $0xffff  }
0x265: {  	v9 =	vmul.f32 v9, v1;
	v10 =	vmul.f32 v10, v2;
	_ =	sdelay $0x1  }
0x266: {  	v9 =	vadd.f32 v10, v9;
	v10 =	vmul.f32 v11, v3  }
0x267: {  	s20 =	simm.s32 $0x0;
	v5 =	vadd.s32 $0x1C8, v5;
	v6 =	vadd.s32 $0x1C8, v6  }
0x268: {  	v11 =	vadd.s32 s20, v5;
	v9 =	vadd.f32 v10, v9;
	v10 =	vmul.f32 v12, v4  }
0x269: {  	v13 =	vadd.s32 s20, v6  }
0x26a: {  	v7 =	vadd.s32 $0x1C8, v7;
	v9 =	vadd.f32 v10, v9  }
0x26b: {  	s18 =	simm.s32 $0x8110;
	v10 =	vadd.s32 s20, v7  }
0x26c: {  	v8 =	vadd.s32 $0x1C8, v8;
	[tilespmem:s18+$0x0] =	vst v9  }
0x26d: {  	v12 =	vadd.s32 s20, v8;
	v9 =	vld.idx.msk [tilespmem:v11+s2+$0x0], $0xffff  }
0x26e: {  	s19 =	simm.s32 $0x1C8;
	s20 =	simm.s32 $0x390;
	v11 =	vld.idx.msk [tilespmem:v13+s2+$0x0], $0xffff  }
.LBB2_28:
0x26f: {  	p0 =	sne.s32 s20, $0x7E78  }
0x270: {  	v10 =	vld.idx.msk [tilespmem:v10+s2+$0x0], $0xffff;
	_ =	sdelay $0x1  }
0x271: {  	v12 =	vld.idx.msk [tilespmem:v12+s2+$0x0], $0xffff;
	_ =	sdelay $0x1  }
0x272: {  	v9 =	vmul.f32 v9, v1;
	v11 =	vmul.f32 v11, v2;
	_ =	sdelay $0x1  }
0x273: {  	v9 =	vadd.f32 v11, v9;
	v10 =	vmul.f32 v10, v3;
	_ =	sdelay $0x1  }
0x274: {  	v11 =	vadd.s32 s19, v5;
	v9 =	vadd.f32 v10, v9;
	v10 =	vmul.f32 v12, v4  }
0x275: {  	v13 =	vadd.s32 s19, v6  }
.Ltmp13:
0x276: {  	v9 =	vadd.f32 v10, v9;
	(pc) =	sbr.rel @p0 .LBB2_28-.Ltmp13, $4  }
0x277: {  	s18 =	sadd.s32 $0x110, s18;
	v10 =	vadd.s32 s19, v7  }
0x278: {  	[tilespmem:s18+$0x0] =	vst v9  }
0x279: {  	v12 =	vadd.s32 s19, v8;
	s19 =	smov.u32 s20;
	v9 =	vld.idx.msk [tilespmem:v11+s2+$0x0], $0xffff  }
0x27a: {  	s20 =	sadd.s32 $0x1C8, s20;
	v11 =	vld.idx.msk [tilespmem:v13+s2+$0x0], $0xffff  }
0x27b: {  	_ =	sdelay $0x3  }
0x27c: {  	v5 =	vld.idx.msk [tilespmem:v10+s2+$0x0], $0xffff;
	_ =	sdelay $0x1  }
0x27d: {  	v6 =	vld.idx.msk [tilespmem:v12+s2+$0x0], $0xffff  }
0x27e: {  	v1 =	vmul.f32 v9, v1;
	v2 =	vmul.f32 v11, v2;
	_ =	sdelay $0x1  }
0x27f: {  	v1 =	vadd.f32 v2, v1;
	v2 =	vmul.f32 v5, v3;
	_ =	sdelay $0x1  }
0x280: {  	v1 =	vadd.f32 v2, v1;
	v2 =	vmul.f32 v6, v4;
	_ =	sdelay $0x1  }
0x281: {  	v1 =	vadd.f32 v2, v1  }
0x282: {  	s18 =	sadd.s32 $0x110, s18  }
0x283: {  	[tilespmem:s18+$0x0] =	vst v1  }
0x284: {  	v5 =	vld [tilespmem:$0x11990]  }
0x285: {  	v6 =	vld [tilespmem:$0x119A0];
	_ =	sdelay $0x1  }
0x286: {  	v7 =	vld [tilespmem:$0x119B0];
	_ =	sdelay $0x1  }
0x287: {  	v8 =	vld [tilespmem:$0x119C0]  }
0x288: {  	v1 =	vld [tilespmem:$0x11DD0]  }
0x289: {  	v2 =	vld [tilespmem:$0x11DE0]  }
0x28a: {  	v9 =	vld.idx.msk [tilespmem:v5+s2+$0x0], $0xffff  }
0x28b: {  	v10 =	vld.idx.msk [tilespmem:v6+s2+$0x0], $0xffff  }
0x28c: {  	v3 =	vld [tilespmem:$0x11DF0]  }
0x28d: {  	v11 =	vld.idx.msk [tilespmem:v7+s2+$0x0], $0xffff  }
0x28e: {  	v4 =	vld [tilespmem:$0x11E00]  }
0x28f: {  	v12 =	vld.idx.msk [tilespmem:v8+s2+$0x0], $0xffff  }
0x290: {  	v9 =	vmul.f32 v9, v1;
	v10 =	vmul.f32 v10, v2;
	_ =	sdelay $0x1  }
0x291: {  	v9 =	vadd.f32 v10, v9;
	v10 =	vmul.f32 v11, v3  }
0x292: {  	s20 =	simm.s32 $0x0;
	v5 =	vadd.s32 $0x1C8, v5;
	v6 =	vadd.s32 $0x1C8, v6  }
0x293: {  	v11 =	vadd.s32 s20, v5;
	v9 =	vadd.f32 v10, v9;
	v10 =	vmul.f32 v12, v4  }
0x294: {  	v13 =	vadd.s32 s20, v6  }
0x295: {  	v7 =	vadd.s32 $0x1C8, v7;
	v9 =	vadd.f32 v10, v9  }
0x296: {  	s18 =	simm.s32 $0x8120;
	v10 =	vadd.s32 s20, v7  }
0x297: {  	v8 =	vadd.s32 $0x1C8, v8;
	[tilespmem:s18+$0x0] =	vst v9  }
0x298: {  	v12 =	vadd.s32 s20, v8;
	v9 =	vld.idx.msk [tilespmem:v11+s2+$0x0], $0xffff  }
0x299: {  	s19 =	simm.s32 $0x1C8;
	s20 =	simm.s32 $0x390;
	v11 =	vld.idx.msk [tilespmem:v13+s2+$0x0], $0xffff  }
.LBB2_30:
0x29a: {  	p0 =	sne.s32 s20, $0x7E78  }
0x29b: {  	v10 =	vld.idx.msk [tilespmem:v10+s2+$0x0], $0xffff;
	_ =	sdelay $0x1  }
0x29c: {  	v12 =	vld.idx.msk [tilespmem:v12+s2+$0x0], $0xffff;
	_ =	sdelay $0x1  }
0x29d: {  	v9 =	vmul.f32 v9, v1;
	v11 =	vmul.f32 v11, v2;
	_ =	sdelay $0x1  }
0x29e: {  	v9 =	vadd.f32 v11, v9;
	v10 =	vmul.f32 v10, v3;
	_ =	sdelay $0x1  }
0x29f: {  	v11 =	vadd.s32 s19, v5;
	v9 =	vadd.f32 v10, v9;
	v10 =	vmul.f32 v12, v4  }
0x2a0: {  	v13 =	vadd.s32 s19, v6  }
.Ltmp14:
0x2a1: {  	v9 =	vadd.f32 v10, v9;
	(pc) =	sbr.rel @p0 .LBB2_30-.Ltmp14, $4  }
0x2a2: {  	s18 =	sadd.s32 $0x110, s18;
	v10 =	vadd.s32 s19, v7  }
0x2a3: {  	[tilespmem:s18+$0x0] =	vst v9  }
0x2a4: {  	v12 =	vadd.s32 s19, v8;
	s19 =	smov.u32 s20;
	v9 =	vld.idx.msk [tilespmem:v11+s2+$0x0], $0xffff  }
0x2a5: {  	s20 =	sadd.s32 $0x1C8, s20;
	v11 =	vld.idx.msk [tilespmem:v13+s2+$0x0], $0xffff  }
0x2a6: {  	_ =	sdelay $0x3  }
0x2a7: {  	v5 =	vld.idx.msk [tilespmem:v10+s2+$0x0], $0xffff;
	_ =	sdelay $0x1  }
0x2a8: {  	v6 =	vld.idx.msk [tilespmem:v12+s2+$0x0], $0xffff  }
0x2a9: {  	v1 =	vmul.f32 v9, v1;
	v2 =	vmul.f32 v11, v2;
	_ =	sdelay $0x1  }
0x2aa: {  	v1 =	vadd.f32 v2, v1;
	v2 =	vmul.f32 v5, v3;
	_ =	sdelay $0x1  }
0x2ab: {  	v1 =	vadd.f32 v2, v1;
	v2 =	vmul.f32 v6, v4;
	_ =	sdelay $0x1  }
0x2ac: {  	v1 =	vadd.f32 v2, v1  }
0x2ad: {  	s18 =	sadd.s32 $0x110, s18  }
0x2ae: {  	[tilespmem:s18+$0x0] =	vst v1  }
0x2af: {  	v5 =	vld [tilespmem:$0x119D0]  }
0x2b0: {  	v6 =	vld [tilespmem:$0x119E0];
	_ =	sdelay $0x1  }
0x2b1: {  	v7 =	vld [tilespmem:$0x119F0];
	_ =	sdelay $0x1  }
0x2b2: {  	v8 =	vld [tilespmem:$0x11A00]  }
0x2b3: {  	v1 =	vld [tilespmem:$0x11E10]  }
0x2b4: {  	v2 =	vld [tilespmem:$0x11E20]  }
0x2b5: {  	v9 =	vld.idx.msk [tilespmem:v5+s2+$0x0], $0xffff  }
0x2b6: {  	v10 =	vld.idx.msk [tilespmem:v6+s2+$0x0], $0xffff  }
0x2b7: {  	v3 =	vld [tilespmem:$0x11E30]  }
0x2b8: {  	v11 =	vld.idx.msk [tilespmem:v7+s2+$0x0], $0xffff  }
0x2b9: {  	v4 =	vld [tilespmem:$0x11E40]  }
0x2ba: {  	v12 =	vld.idx.msk [tilespmem:v8+s2+$0x0], $0xffff  }
0x2bb: {  	v9 =	vmul.f32 v9, v1;
	v10 =	vmul.f32 v10, v2;
	_ =	sdelay $0x1  }
0x2bc: {  	v9 =	vadd.f32 v10, v9;
	v10 =	vmul.f32 v11, v3  }
0x2bd: {  	s20 =	simm.s32 $0x0;
	v5 =	vadd.s32 $0x1C8, v5;
	v6 =	vadd.s32 $0x1C8, v6  }
0x2be: {  	v11 =	vadd.s32 s20, v5;
	v9 =	vadd.f32 v10, v9;
	v10 =	vmul.f32 v12, v4  }
0x2bf: {  	v13 =	vadd.s32 s20, v6  }
0x2c0: {  	v7 =	vadd.s32 $0x1C8, v7;
	v9 =	vadd.f32 v10, v9  }
0x2c1: {  	s18 =	simm.s32 $0x8130;
	v10 =	vadd.s32 s20, v7  }
0x2c2: {  	v8 =	vadd.s32 $0x1C8, v8;
	[tilespmem:s18+$0x0] =	vst v9  }
0x2c3: {  	v12 =	vadd.s32 s20, v8;
	v9 =	vld.idx.msk [tilespmem:v11+s2+$0x0], $0xffff  }
0x2c4: {  	s19 =	simm.s32 $0x1C8;
	s20 =	simm.s32 $0x390;
	v11 =	vld.idx.msk [tilespmem:v13+s2+$0x0], $0xffff  }
.LBB2_32:
0x2c5: {  	p0 =	sne.s32 s20, $0x7E78  }
0x2c6: {  	v10 =	vld.idx.msk [tilespmem:v10+s2+$0x0], $0xffff;
	_ =	sdelay $0x1  }
0x2c7: {  	v12 =	vld.idx.msk [tilespmem:v12+s2+$0x0], $0xffff;
	_ =	sdelay $0x1  }
0x2c8: {  	v9 =	vmul.f32 v9, v1;
	v11 =	vmul.f32 v11, v2;
	_ =	sdelay $0x1  }
0x2c9: {  	v9 =	vadd.f32 v11, v9;
	v10 =	vmul.f32 v10, v3;
	_ =	sdelay $0x1  }
0x2ca: {  	v11 =	vadd.s32 s19, v5;
	v9 =	vadd.f32 v10, v9;
	v10 =	vmul.f32 v12, v4  }
0x2cb: {  	v13 =	vadd.s32 s19, v6  }
.Ltmp15:
0x2cc: {  	v9 =	vadd.f32 v10, v9;
	(pc) =	sbr.rel @p0 .LBB2_32-.Ltmp15, $4  }
0x2cd: {  	s18 =	sadd.s32 $0x110, s18;
	v10 =	vadd.s32 s19, v7  }
0x2ce: {  	[tilespmem:s18+$0x0] =	vst v9  }
0x2cf: {  	v12 =	vadd.s32 s19, v8;
	s19 =	smov.u32 s20;
	v9 =	vld.idx.msk [tilespmem:v11+s2+$0x0], $0xffff  }
0x2d0: {  	s20 =	sadd.s32 $0x1C8, s20;
	v11 =	vld.idx.msk [tilespmem:v13+s2+$0x0], $0xffff  }
0x2d1: {  	_ =	sdelay $0x3  }
0x2d2: {  	v5 =	vld.idx.msk [tilespmem:v10+s2+$0x0], $0xffff;
	_ =	sdelay $0x1  }
0x2d3: {  	v6 =	vld.idx.msk [tilespmem:v12+s2+$0x0], $0xffff  }
0x2d4: {  	v1 =	vmul.f32 v9, v1;
	v2 =	vmul.f32 v11, v2;
	_ =	sdelay $0x1  }
0x2d5: {  	v1 =	vadd.f32 v2, v1;
	v2 =	vmul.f32 v5, v3;
	_ =	sdelay $0x1  }
0x2d6: {  	v1 =	vadd.f32 v2, v1;
	v2 =	vmul.f32 v6, v4;
	_ =	sdelay $0x1  }
0x2d7: {  	v1 =	vadd.f32 v2, v1  }
0x2d8: {  	s18 =	sadd.s32 $0x110, s18  }
0x2d9: {  	[tilespmem:s18+$0x0] =	vst v1  }
0x2da: {  	v5 =	vld [tilespmem:$0x11A10]  }
0x2db: {  	v6 =	vld [tilespmem:$0x11A20];
	_ =	sdelay $0x1  }
0x2dc: {  	v7 =	vld [tilespmem:$0x11A30];
	_ =	sdelay $0x1  }
0x2dd: {  	v8 =	vld [tilespmem:$0x11A40]  }
0x2de: {  	v1 =	vld [tilespmem:$0x11E50]  }
0x2df: {  	s18 =	simm.s32 $0x0;
	v2 =	vld [tilespmem:$0x11E60]  }
0x2e0: {  	v9 =	vld.idx.msk [tilespmem:v5+s18+$0x0], $0xffff  }
0x2e1: {  	v10 =	vld.idx.msk [tilespmem:v6+s18+$0x0], $0xffff  }
0x2e2: {  	v3 =	vld [tilespmem:$0x11E70]  }
0x2e3: {  	v11 =	vld.idx.msk [tilespmem:v7+s18+$0x0], $0xffff  }
0x2e4: {  	v4 =	vld [tilespmem:$0x11E80]  }
0x2e5: {  	v12 =	vld.idx.msk [tilespmem:v8+s18+$0x0], $0xffff  }
0x2e6: {  	v9 =	vmul.f32 v9, v1;
	v10 =	vmul.f32 v10, v2;
	_ =	sdelay $0x1  }
0x2e7: {  	v9 =	vadd.f32 v10, v9;
	v10 =	vmul.f32 v11, v3  }
0x2e8: {  	v5 =	vadd.s32 $0x1C8, v5;
	v6 =	vadd.s32 $0x1C8, v6  }
0x2e9: {  	v11 =	vadd.s32 s18, v5;
	v9 =	vadd.f32 v10, v9;
	v10 =	vmul.f32 v12, v4  }
0x2ea: {  	v13 =	vadd.s32 s18, v6  }
0x2eb: {  	v7 =	vadd.s32 $0x1C8, v7;
	v9 =	vadd.f32 v10, v9  }
0x2ec: {  	s19 =	simm.s32 $0x8140;
	v10 =	vadd.s32 s18, v7  }
0x2ed: {  	v8 =	vadd.s32 $0x1C8, v8;
	[tilespmem:s19+$0x0] =	vst v9  }
0x2ee: {  	v12 =	vadd.s32 s18, v8;
	v9 =	vld.idx.msk [tilespmem:v11+s18+$0x0], $0xffff  }
0x2ef: {  	s20 =	simm.s32 $0x1C8;
	s21 =	simm.s32 $0x390;
	v11 =	vld.idx.msk [tilespmem:v13+s18+$0x0], $0xffff  }
.LBB2_34:
0x2f0: {  	p0 =	sne.s32 s21, $0x7E78  }
0x2f1: {  	v10 =	vld.idx.msk [tilespmem:v10+s18+$0x0], $0xffff;
	_ =	sdelay $0x1  }
0x2f2: {  	v12 =	vld.idx.msk [tilespmem:v12+s18+$0x0], $0xffff;
	_ =	sdelay $0x1  }
0x2f3: {  	v9 =	vmul.f32 v9, v1;
	v11 =	vmul.f32 v11, v2;
	_ =	sdelay $0x1  }
0x2f4: {  	v9 =	vadd.f32 v11, v9;
	v10 =	vmul.f32 v10, v3;
	_ =	sdelay $0x1  }
0x2f5: {  	v11 =	vadd.s32 s20, v5;
	v9 =	vadd.f32 v10, v9;
	v10 =	vmul.f32 v12, v4  }
0x2f6: {  	v13 =	vadd.s32 s20, v6  }
.Ltmp16:
0x2f7: {  	v9 =	vadd.f32 v10, v9;
	(pc) =	sbr.rel @p0 .LBB2_34-.Ltmp16, $4  }
0x2f8: {  	s19 =	sadd.s32 $0x110, s19;
	v10 =	vadd.s32 s20, v7  }
0x2f9: {  	[tilespmem:s19+$0x0] =	vst v9  }
0x2fa: {  	v12 =	vadd.s32 s20, v8;
	s20 =	smov.u32 s21;
	v9 =	vld.idx.msk [tilespmem:v11+s18+$0x0], $0xffff  }
0x2fb: {  	s21 =	sadd.s32 $0x1C8, s21;
	v11 =	vld.idx.msk [tilespmem:v13+s18+$0x0], $0xffff  }
0x2fc: {  	_ =	sdelay $0x3  }
0x2fd: {  	v5 =	vld.idx.msk [tilespmem:v10+s18+$0x0], $0xffff;
	_ =	sdelay $0x1  }
0x2fe: {  	v6 =	vld.idx.msk [tilespmem:v12+s18+$0x0], $0xffff  }
0x2ff: {  	v1 =	vmul.f32 v9, v1;
	v2 =	vmul.f32 v11, v2;
	_ =	sdelay $0x1  }
0x300: {  	v1 =	vadd.f32 v2, v1;
	v2 =	vmul.f32 v5, v3;
	_ =	sdelay $0x1  }
0x301: {  	v1 =	vadd.f32 v2, v1;
	v2 =	vmul.f32 v6, v4;
	_ =	sdelay $0x1  }
0x302: {  	v1 =	vadd.f32 v2, v1  }
0x303: {  	s30 =	sadd.s32 $0x110, s19  }
0x304: {  	s31 =	simm.s32 $0x0;
	[tilespmem:s30+$0x0] =	vst v1  }
0x305: {  	v4 =	vld [tilespmem:s31+$0x102F0]  }
0x306: {  	v6 =	vld [tilespmem:s31+$0x10300];
	_ =	sdelay $0x2  }
0x307: {  	v3 =	vld [tilespmem:s31+$0x10310]  }
0x308: {  	v2 =	vadd.s32 v0, v4  }
0x309: {  	v5 =	vadd.s32 v0, v6;
	_ =	sdelay $0x2  }
0x30a: {  	v1 =	vld [tilespmem:s31+$0x10C80];
	v7 =	vadd.s32 v0, v3  }
0x30b: {  	v8 =	vld.idx.msk [tilespmem:v2+s15+$0x0], $0xffff  }
0x30c: {  	v9 =	vld.idx.msk [tilespmem:v5+s15+$0x0], $0xffff  }
0x30d: {  	v5 =	vld [tilespmem:s31+$0x10C90]  }
0x30e: {  	v2 =	vld [tilespmem:s31+$0x10CA0]  }
0x30f: {  	v10 =	vld.idx.msk [tilespmem:v7+s15+$0x0], $0xffff;
	_ =	sdelay $0x2  }
0x310: {  	v8 =	vmul.f32 v8, v1;
	v9 =	vmul.f32 v9, v5  }
0x311: {  	v7 =	vor.u32 $0x10, v0  }
0x312: {  	v8 =	vadd.f32 v9, v8;
	v9 =	vmul.f32 v10, v2;
	v10 =	vadd.s32 v7, v4  }
0x313: {  	v11 =	vadd.s32 v7, v6  }
0x314: {  	v8 =	vadd.f32 v9, v8  }
0x315: {  	s18 =	simm.s32 $0xCD40;
	v9 =	vadd.s32 v7, v3  }
0x316: {  	[tilespmem:s18+$0xFFFFFF80] =	vst v8  }
0x317: {  	v8 =	vld.idx.msk [tilespmem:v10+s15+$0x0], $0xffff  }
0x318: {  	v10 =	vld.idx.msk [tilespmem:v11+s15+$0x0], $0xffff;
	_ =	sdelay $0x1  }
0x319: {  	v9 =	vld.idx.msk [tilespmem:v9+s15+$0x0], $0xffff;
	_ =	sdelay $0x2  }
0x31a: {  	v11 =	vmul.f32 v8, v1;
	v10 =	vmul.f32 v10, v5  }
0x31b: {  	v8 =	vor.u32 $0x20, v0  }
0x31c: {  	v10 =	vadd.f32 v10, v11;
	v9 =	vmul.f32 v9, v2;
	v11 =	vadd.s32 v8, v4  }
0x31d: {  	v12 =	vadd.s32 v8, v6  }
0x31e: {  	v9 =	vadd.f32 v9, v10  }
0x31f: {  	v10 =	vadd.s32 v8, v3  }
0x320: {  	[tilespmem:s18+$0xFFFFFF90] =	vst v9  }
0x321: {  	v9 =	vld.idx.msk [tilespmem:v11+s15+$0x0], $0xffff  }
0x322: {  	v11 =	vld.idx.msk [tilespmem:v12+s15+$0x0], $0xffff;
	_ =	sdelay $0x1  }
0x323: {  	v10 =	vld.idx.msk [tilespmem:v10+s15+$0x0], $0xffff;
	_ =	sdelay $0x2  }
0x324: {  	v12 =	vmul.f32 v9, v1;
	v11 =	vmul.f32 v11, v5  }
0x325: {  	v9 =	vor.u32 $0x30, v0  }
0x326: {  	v11 =	vadd.f32 v11, v12;
	v10 =	vmul.f32 v10, v2;
	v12 =	vadd.s32 v9, v4  }
0x327: {  	v13 =	vadd.s32 v9, v6  }
0x328: {  	v10 =	vadd.f32 v10, v11  }
0x329: {  	v11 =	vadd.s32 v9, v3  }
0x32a: {  	[tilespmem:s18+$0xFFFFFFA0] =	vst v10  }
0x32b: {  	v10 =	vld.idx.msk [tilespmem:v12+s15+$0x0], $0xffff  }
0x32c: {  	v12 =	vld.idx.msk [tilespmem:v13+s15+$0x0], $0xffff;
	_ =	sdelay $0x1  }
0x32d: {  	v11 =	vld.idx.msk [tilespmem:v11+s15+$0x0], $0xffff;
	_ =	sdelay $0x2  }
0x32e: {  	v13 =	vmul.f32 v10, v1;
	v12 =	vmul.f32 v12, v5  }
0x32f: {  	v10 =	vor.u32 $0x40, v0  }
0x330: {  	v12 =	vadd.f32 v12, v13;
	v11 =	vmul.f32 v11, v2;
	v13 =	vadd.s32 v10, v4  }
0x331: {  	v14 =	vadd.s32 v10, v6  }
0x332: {  	v11 =	vadd.f32 v11, v12  }
0x333: {  	v12 =	vadd.s32 v10, v3  }
0x334: {  	[tilespmem:s18+$0xFFFFFFB0] =	vst v11  }
0x335: {  	v11 =	vld.idx.msk [tilespmem:v13+s15+$0x0], $0xffff  }
0x336: {  	v13 =	vld.idx.msk [tilespmem:v14+s15+$0x0], $0xffff;
	_ =	sdelay $0x1  }
0x337: {  	v12 =	vld.idx.msk [tilespmem:v12+s15+$0x0], $0xffff;
	_ =	sdelay $0x2  }
0x338: {  	v14 =	vmul.f32 v11, v1;
	v13 =	vmul.f32 v13, v5  }
0x339: {  	v11 =	vor.u32 $0x50, v0  }
0x33a: {  	v12 =	vmul.f32 v12, v2;
	v13 =	vadd.f32 v13, v14;
	v14 =	vadd.s32 v11, v4  }
0x33b: {  	v15 =	vadd.s32 v11, v6  }
0x33c: {  	v12 =	vadd.f32 v12, v13  }
0x33d: {  	v13 =	vadd.s32 v11, v3  }
0x33e: {  	[tilespmem:s18+$0xFFFFFFC0] =	vst v12  }
0x33f: {  	v12 =	vld.idx.msk [tilespmem:v14+s15+$0x0], $0xffff  }
0x340: {  	v14 =	vld.idx.msk [tilespmem:v15+s15+$0x0], $0xffff;
	_ =	sdelay $0x1  }
0x341: {  	v13 =	vld.idx.msk [tilespmem:v13+s15+$0x0], $0xffff;
	_ =	sdelay $0x2  }
0x342: {  	v15 =	vmul.f32 v12, v1;
	v14 =	vmul.f32 v14, v5  }
0x343: {  	v12 =	vor.u32 $0x60, v0  }
0x344: {  	v13 =	vmul.f32 v13, v2;
	v14 =	vadd.f32 v14, v15;
	v15 =	vadd.s32 v12, v4  }
0x345: {  	v16 =	vadd.s32 v12, v6  }
0x346: {  	v13 =	vadd.f32 v13, v14  }
0x347: {  	v14 =	vadd.s32 v12, v3  }
0x348: {  	[tilespmem:s18+$0xFFFFFFD0] =	vst v13  }
0x349: {  	v13 =	vld.idx.msk [tilespmem:v15+s15+$0x0], $0xffff  }
0x34a: {  	v15 =	vld.idx.msk [tilespmem:v16+s15+$0x0], $0xffff;
	_ =	sdelay $0x1  }
0x34b: {  	v14 =	vld.idx.msk [tilespmem:v14+s15+$0x0], $0xffff;
	_ =	sdelay $0x2  }
0x34c: {  	v16 =	vmul.f32 v13, v1;
	v15 =	vmul.f32 v15, v5  }
0x34d: {  	v13 =	vor.u32 $0x70, v0  }
0x34e: {  	v14 =	vmul.f32 v14, v2;
	v15 =	vadd.f32 v15, v16;
	v16 =	vadd.s32 v13, v4  }
0x34f: {  	v17 =	vadd.s32 v13, v6  }
0x350: {  	v14 =	vadd.f32 v14, v15  }
0x351: {  	v15 =	vadd.s32 v13, v3  }
0x352: {  	[tilespmem:s18+$0xFFFFFFE0] =	vst v14  }
0x353: {  	v14 =	vld.idx.msk [tilespmem:v16+s15+$0x0], $0xffff  }
0x354: {  	v16 =	vld.idx.msk [tilespmem:v17+s15+$0x0], $0xffff;
	_ =	sdelay $0x1  }
0x355: {  	v15 =	vld.idx.msk [tilespmem:v15+s15+$0x0], $0xffff;
	_ =	sdelay $0x2  }
0x356: {  	v17 =	vmul.f32 v14, v1;
	v16 =	vmul.f32 v16, v5  }
0x357: {  	v14 =	vor.u32 $0x80, v0  }
0x358: {  	v15 =	vmul.f32 v15, v2;
	v16 =	vadd.f32 v16, v17;
	v17 =	vadd.s32 v14, v6  }
0x359: {  	v18 =	vadd.s32 v14, v4  }
0x35a: {  	v15 =	vadd.f32 v15, v16  }
0x35b: {  	v16 =	vadd.s32 v14, v3  }
0x35c: {  	[tilespmem:s18+$0xFFFFFFF0] =	vst v15  }
0x35d: {  	v15 =	vld.idx.msk [tilespmem:v17+s15+$0x0], $0xffff  }
0x35e: {  	v17 =	vld.idx.msk [tilespmem:v18+s15+$0x0], $0xffff;
	_ =	sdelay $0x1  }
0x35f: {  	v16 =	vld.idx.msk [tilespmem:v16+s15+$0x0], $0xffff;
	_ =	sdelay $0x2  }
0x360: {  	v18 =	vmul.f32 v15, v5;
	v17 =	vmul.f32 v17, v1  }
0x361: {  	v15 =	vor.u32 $0x90, v0  }
0x362: {  	v16 =	vmul.f32 v16, v2;
	v17 =	vadd.f32 v18, v17;
	v18 =	vadd.s32 v15, v4  }
0x363: {  	v19 =	vadd.s32 v15, v6  }
0x364: {  	v16 =	vadd.f32 v16, v17  }
0x365: {  	v17 =	vadd.s32 v15, v3  }
0x366: {  	[tilespmem:s18+$0x0] =	vst v16  }
0x367: {  	v16 =	vld.idx.msk [tilespmem:v18+s15+$0x0], $0xffff  }
0x368: {  	v18 =	vld.idx.msk [tilespmem:v19+s15+$0x0], $0xffff;
	_ =	sdelay $0x1  }
0x369: {  	v17 =	vld.idx.msk [tilespmem:v17+s15+$0x0], $0xffff;
	_ =	sdelay $0x2  }
0x36a: {  	v19 =	vmul.f32 v16, v1;
	v18 =	vmul.f32 v18, v5  }
0x36b: {  	v16 =	vor.u32 $0xA0, v0  }
0x36c: {  	v17 =	vmul.f32 v17, v2;
	v18 =	vadd.f32 v18, v19;
	v19 =	vadd.s32 v16, v6  }
0x36d: {  	v20 =	vadd.s32 v16, v4  }
0x36e: {  	v17 =	vadd.f32 v17, v18  }
0x36f: {  	v18 =	vadd.s32 v16, v3  }
0x370: {  	[tilespmem:s18+$0x10] =	vst v17  }
0x371: {  	v17 =	vld.idx.msk [tilespmem:v19+s15+$0x0], $0xffff  }
0x372: {  	v19 =	vld.idx.msk [tilespmem:v20+s15+$0x0], $0xffff;
	_ =	sdelay $0x1  }
0x373: {  	v18 =	vld.idx.msk [tilespmem:v18+s15+$0x0], $0xffff;
	_ =	sdelay $0x2  }
0x374: {  	v20 =	vmul.f32 v17, v5;
	v19 =	vmul.f32 v19, v1  }
0x375: {  	v17 =	vor.u32 $0xB0, v0  }
0x376: {  	v18 =	vmul.f32 v18, v2;
	v19 =	vadd.f32 v20, v19;
	v20 =	vadd.s32 v17, v4  }
0x377: {  	v21 =	vadd.s32 v17, v6  }
0x378: {  	v18 =	vadd.f32 v18, v19  }
0x379: {  	v19 =	vadd.s32 v17, v3  }
0x37a: {  	[tilespmem:s18+$0x20] =	vst v18  }
0x37b: {  	v18 =	vld.idx.msk [tilespmem:v20+s15+$0x0], $0xffff  }
0x37c: {  	v20 =	vld.idx.msk [tilespmem:v21+s15+$0x0], $0xffff;
	_ =	sdelay $0x1  }
0x37d: {  	v19 =	vld.idx.msk [tilespmem:v19+s15+$0x0], $0xffff;
	_ =	sdelay $0x2  }
0x37e: {  	v21 =	vmul.f32 v18, v1;
	v20 =	vmul.f32 v20, v5  }
0x37f: {  	v18 =	vor.u32 $0xC0, v0  }
0x380: {  	v19 =	vmul.f32 v19, v2;
	v20 =	vadd.f32 v20, v21;
	v21 =	vadd.s32 v18, v4  }
0x381: {  	v22 =	vadd.s32 v18, v6  }
0x382: {  	v19 =	vadd.f32 v19, v20  }
0x383: {  	v20 =	vadd.s32 v18, v3  }
0x384: {  	[tilespmem:s18+$0x30] =	vst v19  }
0x385: {  	v19 =	vld.idx.msk [tilespmem:v21+s15+$0x0], $0xffff  }
0x386: {  	v21 =	vld.idx.msk [tilespmem:v22+s15+$0x0], $0xffff;
	_ =	sdelay $0x1  }
0x387: {  	v20 =	vld.idx.msk [tilespmem:v20+s15+$0x0], $0xffff;
	_ =	sdelay $0x2  }
0x388: {  	v22 =	vmul.f32 v19, v1;
	v21 =	vmul.f32 v21, v5  }
0x389: {  	v19 =	vor.u32 $0xD0, v0  }
0x38a: {  	v20 =	vmul.f32 v20, v2;
	v21 =	vadd.f32 v21, v22;
	v22 =	vadd.s32 v19, v4  }
0x38b: {  	v24 =	vadd.s32 v19, v6  }
0x38c: {  	v20 =	vadd.f32 v20, v21;
	v21 =	vadd.s32 v19, v3;
	_ =	sdelay $0x1  }
0x38d: {  	[tilespmem:s18+$0x40] =	vst v20  }
0x38e: {  	v23 =	vld.idx.msk [tilespmem:v22+s15+$0x0], $0xffff  }
0x38f: {  	v24 =	vld.idx.msk [tilespmem:v24+s15+$0x0], $0xffff  }
0x390: {  	s20 =	simm.s32 $0xC0;
	s19 =	simm.s32 $0xCD40;
	v25 =	vld.idx.msk [tilespmem:v21+s15+$0x0], $0xffff  }
.LBB2_36:
0x391: {  	p0 =	sne.s32 s20, $0x2580  }
0x392: {  	s18 =	sadd.s32 $0x110, s18;
	s21 =	smov.u32 s20;
	s20 =	sadd.s32 $0xC0, s20  }
0x393: {  	_ = 	snop  }
0x394: {  	v21 =	vmul.f32 v23, v1  }
0x395: {  	v22 =	vmul.f32 v24, v5  }
0x396: {  	v20 =	vor.u32 $0xE0, v0;
	v23 =	vmul.f32 v25, v2  }
0x397: {  	v21 =	vadd.f32 v22, v21;
	v22 =	vadd.s32 v20, v4  }
0x398: {  	v24 =	vadd.s32 v20, v6  }
0x399: {  	v21 =	vadd.f32 v23, v21;
	v23 =	vadd.s32 v20, v3;
	_ =	sdelay $0x1  }
0x39a: {  	[tilespmem:s19+$0x50] =	vst v21  }
0x39b: {  	v21 =	vld.idx.msk [tilespmem:v22+s15+$0x0], $0xffff  }
0x39c: {  	v22 =	vld.idx.msk [tilespmem:v24+s15+$0x0], $0xffff  }
0x39d: {  	v23 =	vld.idx.msk [tilespmem:v23+s15+$0x0], $0xffff;
	_ =	sdelay $0x3  }
0x39e: {  	v24 =	vmul.f32 v21, v1  }
0x39f: {  	s21 =	sshra.s32 s21, $0x2;
	v22 =	vmul.f32 v22, v5  }
0x3a0: {  	v21 =	vor.u32 $0xF0, v0;
	v23 =	vmul.f32 v23, v2  }
0x3a1: {  	v22 =	vadd.f32 v22, v24;
	v24 =	vadd.s32 v21, v4  }
0x3a2: {  	v25 =	vadd.s32 v21, v6  }
0x3a3: {  	v22 =	vadd.f32 v23, v22;
	v23 =	vadd.s32 v21, v3;
	_ =	sdelay $0x1  }
0x3a4: {  	[tilespmem:s19+$0x60] =	vst v22  }
0x3a5: {  	v22 =	vld.idx.msk [tilespmem:v24+s15+$0x0], $0xffff  }
0x3a6: {  	v24 =	vld.idx.msk [tilespmem:v25+s15+$0x0], $0xffff  }
0x3a7: {  	v23 =	vld.idx.msk [tilespmem:v23+s15+$0x0], $0xffff;
	_ =	sdelay $0x3  }
0x3a8: {  	v25 =	vmul.f32 v22, v1  }
0x3a9: {  	v24 =	vmul.f32 v24, v5  }
0x3aa: {  	v22 =	vor.u32 $0x100, v0;
	v23 =	vmul.f32 v23, v2  }
0x3ab: {  	v4 =	vadd.s32 v22, v4;
	v6 =	vadd.s32 v22, v6;
	v24 =	vadd.f32 v24, v25;
	_ =	sdelay $0x1  }
0x3ac: {  	v3 =	vadd.s32 v22, v3;
	v23 =	vadd.f32 v23, v24;
	_ =	sdelay $0x1  }
0x3ad: {  	[tilespmem:s19+$0x70] =	vst v23  }
0x3ae: {  	v4 =	vld.idx.msk [tilespmem:v4+s15+$0x0], $0xffff  }
0x3af: {  	v6 =	vld.idx.msk [tilespmem:v6+s15+$0x0], $0xffff  }
0x3b0: {  	v3 =	vld.idx.msk [tilespmem:v3+s15+$0x0], $0xffff;
	_ =	sdelay $0x3  }
0x3b1: {  	v1 =	vmul.f32 v4, v1  }
0x3b2: {  	v4 =	vmul.f32 v6, v5  }
0x3b3: {  	v2 =	vmul.f32 v3, v2  }
0x3b4: {  	v1 =	vadd.f32 v4, v1;
	_ =	sdelay $0x1  }
0x3b5: {  	v1 =	vadd.f32 v2, v1;
	_ =	sdelay $0x1  }
0x3b6: {  	[tilespmem:s19+$0x80] =	vst v1;
	s19 =	smov.u32 s18  }
0x3b7: {  	v4 =	vld [tilespmem:s21+$0x102F0]  }
0x3b8: {  	v6 =	vld [tilespmem:s21+$0x10300];
	_ =	sdelay $0x1  }
0x3b9: {  	v3 =	vld [tilespmem:s21+$0x10310];
	_ =	sdelay $0x1  }
0x3ba: {  	v1 =	vld [tilespmem:s21+$0x10C80];
	v5 =	vadd.s32 v0, v4  }
0x3bb: {  	v23 =	vadd.s32 v0, v6  }
0x3bc: {  	v2 =	vld [tilespmem:s21+$0x10CA0]  }
0x3bd: {  	v24 =	vadd.s32 v0, v3;
	_ =	sdelay $0x1  }
0x3be: {  	v25 =	vld.idx.msk [tilespmem:v5+s15+$0x0], $0xffff  }
0x3bf: {  	v23 =	vld.idx.msk [tilespmem:v23+s15+$0x0], $0xffff  }
0x3c0: {  	v5 =	vld [tilespmem:s21+$0x10C90]  }
0x3c1: {  	v24 =	vld.idx.msk [tilespmem:v24+s15+$0x0], $0xffff;
	_ =	sdelay $0x3  }
0x3c2: {  	v25 =	vmul.f32 v25, v1;
	v23 =	vmul.f32 v23, v5;
	_ =	sdelay $0x1  }
0x3c3: {  	v24 =	vmul.f32 v24, v2;
	v23 =	vadd.f32 v23, v25;
	v25 =	vadd.s32 v7, v4  }
0x3c4: {  	v26 =	vadd.s32 v7, v6  }
0x3c5: {  	v23 =	vadd.f32 v24, v23  }
0x3c6: {  	v24 =	vadd.s32 v7, v3  }
0x3c7: {  	[tilespmem:s18+$0xFFFFFF80] =	vst v23  }
0x3c8: {  	v23 =	vld.idx.msk [tilespmem:v25+s15+$0x0], $0xffff  }
0x3c9: {  	v25 =	vld.idx.msk [tilespmem:v26+s15+$0x0], $0xffff;
	_ =	sdelay $0x1  }
0x3ca: {  	v24 =	vld.idx.msk [tilespmem:v24+s15+$0x0], $0xffff;
	_ =	sdelay $0x2  }
0x3cb: {  	v23 =	vmul.f32 v23, v1  }
0x3cc: {  	v25 =	vmul.f32 v25, v5;
	_ =	sdelay $0x1  }
0x3cd: {  	v23 =	vadd.f32 v25, v23;
	v24 =	vmul.f32 v24, v2;
	v25 =	vadd.s32 v8, v4  }
0x3ce: {  	v26 =	vadd.s32 v8, v6  }
0x3cf: {  	v23 =	vadd.f32 v24, v23  }
0x3d0: {  	v24 =	vadd.s32 v8, v3  }
0x3d1: {  	[tilespmem:s18+$0xFFFFFF90] =	vst v23  }
0x3d2: {  	v23 =	vld.idx.msk [tilespmem:v25+s15+$0x0], $0xffff  }
0x3d3: {  	v25 =	vld.idx.msk [tilespmem:v26+s15+$0x0], $0xffff;
	_ =	sdelay $0x1  }
0x3d4: {  	v24 =	vld.idx.msk [tilespmem:v24+s15+$0x0], $0xffff;
	_ =	sdelay $0x2  }
0x3d5: {  	v23 =	vmul.f32 v23, v1  }
0x3d6: {  	v25 =	vmul.f32 v25, v5;
	_ =	sdelay $0x1  }
0x3d7: {  	v23 =	vadd.f32 v25, v23;
	v24 =	vmul.f32 v24, v2;
	v25 =	vadd.s32 v9, v4  }
0x3d8: {  	v26 =	vadd.s32 v9, v6  }
0x3d9: {  	v23 =	vadd.f32 v24, v23  }
0x3da: {  	v24 =	vadd.s32 v9, v3  }
0x3db: {  	[tilespmem:s18+$0xFFFFFFA0] =	vst v23  }
0x3dc: {  	v23 =	vld.idx.msk [tilespmem:v25+s15+$0x0], $0xffff  }
0x3dd: {  	v25 =	vld.idx.msk [tilespmem:v26+s15+$0x0], $0xffff;
	_ =	sdelay $0x1  }
0x3de: {  	v24 =	vld.idx.msk [tilespmem:v24+s15+$0x0], $0xffff;
	_ =	sdelay $0x2  }
0x3df: {  	v23 =	vmul.f32 v23, v1  }
0x3e0: {  	v25 =	vmul.f32 v25, v5;
	_ =	sdelay $0x1  }
0x3e1: {  	v23 =	vadd.f32 v25, v23;
	v24 =	vmul.f32 v24, v2;
	v25 =	vadd.s32 v10, v4  }
0x3e2: {  	v26 =	vadd.s32 v10, v6  }
0x3e3: {  	v23 =	vadd.f32 v24, v23;
	v24 =	vadd.s32 v10, v3;
	_ =	sdelay $0x1  }
0x3e4: {  	[tilespmem:s18+$0xFFFFFFB0] =	vst v23  }
0x3e5: {  	v23 =	vld.idx.msk [tilespmem:v25+s15+$0x0], $0xffff  }
0x3e6: {  	v25 =	vld.idx.msk [tilespmem:v26+s15+$0x0], $0xffff  }
0x3e7: {  	v24 =	vld.idx.msk [tilespmem:v24+s15+$0x0], $0xffff;
	_ =	sdelay $0x3  }
0x3e8: {  	v23 =	vmul.f32 v23, v1  }
0x3e9: {  	v25 =	vmul.f32 v25, v5  }
0x3ea: {  	v24 =	vmul.f32 v24, v2  }
0x3eb: {  	v23 =	vadd.f32 v25, v23;
	v25 =	vadd.s32 v11, v4  }
0x3ec: {  	v26 =	vadd.s32 v11, v6  }
0x3ed: {  	v23 =	vadd.f32 v24, v23;
	v24 =	vadd.s32 v11, v3;
	_ =	sdelay $0x1  }
0x3ee: {  	[tilespmem:s18+$0xFFFFFFC0] =	vst v23  }
0x3ef: {  	v23 =	vld.idx.msk [tilespmem:v25+s15+$0x0], $0xffff  }
0x3f0: {  	v25 =	vld.idx.msk [tilespmem:v26+s15+$0x0], $0xffff  }
0x3f1: {  	v24 =	vld.idx.msk [tilespmem:v24+s15+$0x0], $0xffff;
	_ =	sdelay $0x3  }
0x3f2: {  	v23 =	vmul.f32 v23, v1  }
0x3f3: {  	v25 =	vmul.f32 v25, v5  }
0x3f4: {  	v24 =	vmul.f32 v24, v2  }
0x3f5: {  	v23 =	vadd.f32 v25, v23;
	v25 =	vadd.s32 v12, v4  }
0x3f6: {  	v26 =	vadd.s32 v12, v6  }
0x3f7: {  	v23 =	vadd.f32 v24, v23;
	v24 =	vadd.s32 v12, v3;
	_ =	sdelay $0x1  }
0x3f8: {  	[tilespmem:s18+$0xFFFFFFD0] =	vst v23  }
0x3f9: {  	v23 =	vld.idx.msk [tilespmem:v25+s15+$0x0], $0xffff  }
0x3fa: {  	v25 =	vld.idx.msk [tilespmem:v26+s15+$0x0], $0xffff  }
0x3fb: {  	v24 =	vld.idx.msk [tilespmem:v24+s15+$0x0], $0xffff;
	_ =	sdelay $0x3  }
0x3fc: {  	v23 =	vmul.f32 v23, v1  }
0x3fd: {  	v25 =	vmul.f32 v25, v5  }
0x3fe: {  	v24 =	vmul.f32 v24, v2  }
0x3ff: {  	v23 =	vadd.f32 v25, v23;
	v25 =	vadd.s32 v13, v4  }
0x400: {  	v26 =	vadd.s32 v13, v6  }
0x401: {  	v23 =	vadd.f32 v24, v23;
	v24 =	vadd.s32 v13, v3;
	_ =	sdelay $0x1  }
0x402: {  	[tilespmem:s18+$0xFFFFFFE0] =	vst v23  }
0x403: {  	v23 =	vld.idx.msk [tilespmem:v25+s15+$0x0], $0xffff  }
0x404: {  	v25 =	vld.idx.msk [tilespmem:v26+s15+$0x0], $0xffff  }
0x405: {  	v24 =	vld.idx.msk [tilespmem:v24+s15+$0x0], $0xffff;
	_ =	sdelay $0x3  }
0x406: {  	v23 =	vmul.f32 v23, v1  }
0x407: {  	v25 =	vmul.f32 v25, v5  }
0x408: {  	v24 =	vmul.f32 v24, v2  }
0x409: {  	v23 =	vadd.f32 v25, v23;
	v25 =	vadd.s32 v14, v6  }
0x40a: {  	v26 =	vadd.s32 v14, v4  }
0x40b: {  	v23 =	vadd.f32 v24, v23;
	v24 =	vadd.s32 v14, v3;
	_ =	sdelay $0x1  }
0x40c: {  	[tilespmem:s18+$0xFFFFFFF0] =	vst v23  }
0x40d: {  	v23 =	vld.idx.msk [tilespmem:v25+s15+$0x0], $0xffff  }
0x40e: {  	v25 =	vld.idx.msk [tilespmem:v26+s15+$0x0], $0xffff  }
0x40f: {  	v24 =	vld.idx.msk [tilespmem:v24+s15+$0x0], $0xffff;
	_ =	sdelay $0x3  }
0x410: {  	v23 =	vmul.f32 v23, v5  }
0x411: {  	v25 =	vmul.f32 v25, v1  }
0x412: {  	v24 =	vmul.f32 v24, v2  }
0x413: {  	v23 =	vadd.f32 v23, v25;
	v25 =	vadd.s32 v15, v4  }
0x414: {  	v26 =	vadd.s32 v15, v6  }
0x415: {  	v23 =	vadd.f32 v24, v23;
	v24 =	vadd.s32 v15, v3;
	_ =	sdelay $0x1  }
0x416: {  	[tilespmem:s18+$0x0] =	vst v23  }
0x417: {  	v23 =	vld.idx.msk [tilespmem:v25+s15+$0x0], $0xffff  }
0x418: {  	v25 =	vld.idx.msk [tilespmem:v26+s15+$0x0], $0xffff  }
0x419: {  	v24 =	vld.idx.msk [tilespmem:v24+s15+$0x0], $0xffff;
	_ =	sdelay $0x3  }
0x41a: {  	v23 =	vmul.f32 v23, v1  }
0x41b: {  	v25 =	vmul.f32 v25, v5  }
0x41c: {  	v24 =	vmul.f32 v24, v2  }
0x41d: {  	v23 =	vadd.f32 v25, v23;
	v25 =	vadd.s32 v16, v6  }
0x41e: {  	v26 =	vadd.s32 v16, v4  }
0x41f: {  	v23 =	vadd.f32 v24, v23;
	v24 =	vadd.s32 v16, v3;
	_ =	sdelay $0x1  }
0x420: {  	[tilespmem:s18+$0x10] =	vst v23  }
0x421: {  	v23 =	vld.idx.msk [tilespmem:v25+s15+$0x0], $0xffff  }
0x422: {  	v25 =	vld.idx.msk [tilespmem:v26+s15+$0x0], $0xffff  }
0x423: {  	v24 =	vld.idx.msk [tilespmem:v24+s15+$0x0], $0xffff;
	_ =	sdelay $0x3  }
0x424: {  	v23 =	vmul.f32 v23, v5  }
0x425: {  	v25 =	vmul.f32 v25, v1  }
0x426: {  	v24 =	vmul.f32 v24, v2  }
0x427: {  	v23 =	vadd.f32 v23, v25;
	v25 =	vadd.s32 v17, v4  }
0x428: {  	v26 =	vadd.s32 v17, v6  }
0x429: {  	v23 =	vadd.f32 v24, v23;
	v24 =	vadd.s32 v17, v3;
	_ =	sdelay $0x1  }
0x42a: {  	[tilespmem:s18+$0x20] =	vst v23  }
0x42b: {  	v23 =	vld.idx.msk [tilespmem:v25+s15+$0x0], $0xffff  }
0x42c: {  	v25 =	vld.idx.msk [tilespmem:v26+s15+$0x0], $0xffff  }
0x42d: {  	v24 =	vld.idx.msk [tilespmem:v24+s15+$0x0], $0xffff;
	_ =	sdelay $0x3  }
0x42e: {  	v23 =	vmul.f32 v23, v1  }
0x42f: {  	v25 =	vmul.f32 v25, v5  }
0x430: {  	v24 =	vmul.f32 v24, v2  }
0x431: {  	v23 =	vadd.f32 v25, v23;
	v25 =	vadd.s32 v18, v4  }
0x432: {  	v26 =	vadd.s32 v18, v6  }
0x433: {  	v23 =	vadd.f32 v24, v23;
	v24 =	vadd.s32 v18, v3;
	_ =	sdelay $0x1  }
0x434: {  	[tilespmem:s18+$0x30] =	vst v23  }
0x435: {  	v23 =	vld.idx.msk [tilespmem:v25+s15+$0x0], $0xffff  }
0x436: {  	v25 =	vld.idx.msk [tilespmem:v26+s15+$0x0], $0xffff  }
0x437: {  	v24 =	vld.idx.msk [tilespmem:v24+s15+$0x0], $0xffff;
	_ =	sdelay $0x3  }
0x438: {  	v23 =	vmul.f32 v23, v1  }
0x439: {  	v25 =	vmul.f32 v25, v5  }
0x43a: {  	v24 =	vmul.f32 v24, v2  }
0x43b: {  	v23 =	vadd.f32 v25, v23;
	v25 =	vadd.s32 v19, v4  }
0x43c: {  	v26 =	vadd.s32 v19, v6  }
0x43d: {  	v27 =	vadd.s32 v19, v3;
	v23 =	vadd.f32 v24, v23  }
.Ltmp17:
0x43e: {  	(pc) =	sbr.rel @p0 .LBB2_36-.Ltmp17, $4  }
0x43f: {  	[tilespmem:s18+$0x40] =	vst v23  }
0x440: {  	v23 =	vld.idx.msk [tilespmem:v25+s15+$0x0], $0xffff  }
0x441: {  	v24 =	vld.idx.msk [tilespmem:v26+s15+$0x0], $0xffff  }
0x442: {  	v25 =	vld.idx.msk [tilespmem:v27+s15+$0x0], $0xffff  }
0x443: {  	_ =	sdelay $0x2  }
0x444: {  	v7 =	vmul.f32 v23, v1;
	v8 =	vmul.f32 v24, v5;
	_ =	sdelay $0x1  }
0x445: {  	v54 =	vadd.s32 v20, v4;
	v9 =	vmul.f32 v25, v2;
	v7 =	vadd.f32 v8, v7  }
0x446: {  	v10 =	vadd.s32 v20, v6  }
0x447: {  	v7 =	vadd.f32 v9, v7  }
0x448: {  	v55 =	vadd.s32 v20, v3  }
0x449: {  	[tilespmem:s19+$0x50] =	vst v7  }
0x44a: {  	v7 =	vld.idx.msk [tilespmem:v54+s15+$0x0], $0xffff  }
0x44b: {  	v56 =	vld.idx.msk [tilespmem:v10+s15+$0x0], $0xffff;
	_ =	sdelay $0x1  }
0x44c: {  	v9 =	vld.idx.msk [tilespmem:v55+s15+$0x0], $0xffff;
	_ =	sdelay $0x2  }
0x44d: {  	v7 =	vmul.f32 v7, v1;
	v8 =	vmul.f32 v56, v5;
	_ =	sdelay $0x1  }
0x44e: {  	v57 =	vadd.s32 v21, v4;
	v9 =	vmul.f32 v9, v2;
	v7 =	vadd.f32 v8, v7  }
0x44f: {  	v58 =	vadd.s32 v21, v6  }
0x450: {  	v7 =	vadd.f32 v9, v7  }
0x451: {  	v59 =	vadd.s32 v21, v3  }
0x452: {  	[tilespmem:s19+$0x60] =	vst v7  }
0x453: {  	v7 =	vld.idx.msk [tilespmem:v57+s15+$0x0], $0xffff  }
0x454: {  	v60 =	vld.idx.msk [tilespmem:v58+s15+$0x0], $0xffff;
	_ =	sdelay $0x1  }
0x455: {  	v9 =	vld.idx.msk [tilespmem:v59+s15+$0x0], $0xffff;
	_ =	sdelay $0x2  }
0x456: {  	v7 =	vmul.f32 v7, v1;
	v8 =	vmul.f32 v60, v5;
	_ =	sdelay $0x1  }
0x457: {  	v61 =	vadd.s32 v22, v4;
	v9 =	vmul.f32 v9, v2;
	v7 =	vadd.f32 v8, v7  }
0x458: {  	v62 =	vadd.s32 v22, v6  }
0x459: {  	v7 =	vadd.f32 v9, v7  }
0x45a: {  	v3 =	vadd.s32 v22, v3  }
0x45b: {  	[tilespmem:s19+$0x70] =	vst v7  }
0x45c: {  	v4 =	vld.idx.msk [tilespmem:v61+s15+$0x0], $0xffff  }
0x45d: {  	v6 =	vld.idx.msk [tilespmem:v62+s15+$0x0], $0xffff;
	_ =	sdelay $0x1  }
0x45e: {  	v3 =	vld.idx.msk [tilespmem:v3+s15+$0x0], $0xffff;
	_ =	sdelay $0x2  }
0x45f: {  	v1 =	vmul.f32 v4, v1;
	v63 =	vmul.f32 v6, v5;
	_ =	sdelay $0x1  }
0x460: {  	v2 =	vmul.f32 v3, v2;
	v1 =	vadd.f32 v63, v1;
	_ =	sdelay $0x1  }
0x461: {  	s17 =	sadd.s32 $0x1, s17;
	v1 =	vadd.f32 v2, v1  }
0x462: {  	p0 =	sne.s32 s17, s10  }
.Ltmp18:
0x463: {  	[tilespmem:s19+$0x80] =	vst v1;
	(pc) =	sbr.rel @p0 .LBB2_1-.Ltmp18, $4  }
0x464: {  	[hbm4b:s9+s2] =	stream.linear.scatter [tilespmem:s16], [sflag:$0x1], $0x3630, $0x38;
	[tilespmem:$0x11E90] =	vst v63  }
0x465: {  	_ =	swait.ge [sflag:s3], $0x3630  }
0x466: {  	[sflag:s3] =	ssyncset.done $0x0  }
0x467: {  	[sflag:s3] =	ssyncadd.s32 $0xFFFFC9D0  }
0x468: {  	_ =	sfence.sel $0x180000  }
0x469: {  	[bflag:$0x0] =	sbarrier.arrive $0xFFFF  }
0x46a: {  	p0 =	sne.s32 s0, $0x0;
	_ =	strace $0x90000047  }
0x46b: {  	s0 =	sadd.s32 @!p0 $0x100000, s1;
	[bflag:$0x2] =	sbarrier.arrive $0xFFFF  }
0x46c: {  	[sflag:s0] =	ssyncadd.tile.s32 @!p0 $0x1;
	_ =	shalt  }
.Lfunc_end2:
_tile_overlayer_lowered:
.L_overlay_start_2:
0x46d: {  	(tag) =	ssettag $0x2  }
0x46e: {  	s0 =	rddreg [dreg:$0x0];
	s2 =	stileid.u32  }
0x46f: {  	s1 =	rddreg [dreg:$0x1];
	p0 =	sne.s32 s2, $0x0  }
0x470: {  	s3 =	rddreg [dreg:$0x2];
	[bflag:$0x3] =	sbarrier.arrive $0xFFFF;
	s2 =	simm.s32 @!p0 $0x1C01  }
0x471: {  	[timem:s3], [sflag:s2] =	dma.local @!p0 [hbm:s0], s1  }
0x472: {  	s0 =	simm.s32 @!p0 $0x1  }
0x473: {  	_ =	swait.ge @!p0 [sflag:s0], s1  }
0x474: {  	s1 =	ssub.s32 @!p0 $0x0, s1;
	[sflag:s0] =	ssyncset.done @!p0 $0x0  }
0x475: {  	[sflag:s0] =	ssyncadd.s32 @!p0 s1  }
0x476: {  	[bflag:$0x3] =	sbarrier.arrive $0xFFFF  }
0x477: {  	_ =	shalt  }

</sc_bundles>
